<compile_context>
chip_gen: v7x
topology: tpu7x:2x2x1
jax: 0.10.2.dev20260603
libtpu: 0.0.44.dev20260713+nightly
codegen_flags: <defaults>
</compile_context>

<pallas_src>
import functools

import jax
import jax.numpy as jnp
from jax import lax
from jax.experimental import pallas as pl
from jax.experimental.pallas import tpu as pltpu
from jax.experimental.pallas import tpu_sc as plsc

_NUM_EMB = 1000000
_D = 32
_BATCH = 16384
_HIST = 20

_INFO = plsc.get_sparse_core_info()
_NC = _INFO.num_cores
_NS = _INFO.num_subcores
_NW = _NC * _NS
_ROWS_PER_W = _BATCH // _NW

_mesh = plsc.VectorSubcoreMesh(core_axis_name="c", subcore_axis_name="s")

_TBLOCK = 32768
_TGROUP = _TBLOCK // 4
_TGRID = -(-_NUM_EMB // _TBLOCK)
_TROWS = _TGRID * _TBLOCK


def _format_body(wt_ref, out_ref):
    x = wt_ref[...]
    for j in range(4):
        out_ref[:, j * _D:(j + 1) * _D] = x[:, j * _TGROUP:(j + 1) * _TGROUP].T


_format_table = pl.pallas_call(
    _format_body,
    grid=(_TGRID,),
    in_specs=[pl.BlockSpec((_D, _TBLOCK), lambda i: (0, i))],
    out_specs=pl.BlockSpec((_TGROUP, 4 * _D), lambda i: (i, 0)),
    out_shape=jax.ShapeDtypeStruct((_TROWS // 4, 4 * _D), jnp.float32),
)


def _compacted_row(ids):
    i, rem = ids // _TBLOCK, ids % _TBLOCK
    return _TBLOCK * i + 4 * (rem % _TGROUP) + rem // _TGROUP


@functools.partial(
    pl.kernel,
    mesh=_mesh,
    compiler_params=pltpu.CompilerParams(use_tc_tiling_on_sc=False),
    out_type=jax.ShapeDtypeStruct((_BATCH, _HIST, _D), jnp.float32),
    scratch_types=[
        pltpu.VMEM((_HIST, _ROWS_PER_W), jnp.int32),
        pltpu.VMEM((2, _ROWS_PER_W, _D), jnp.float32),
        pltpu.SemaphoreType.DMA,
        pltpu.SemaphoreType.DMA,
    ],
)
def _gather_kernel(idxt_hbm, table_hbm, out_hbm, idx_v, rows_v, gsem, osem):
    wid = lax.axis_index("s") * _NC + lax.axis_index("c")
    base = wid * _ROWS_PER_W
    pltpu.sync_copy(idxt_hbm.at[:, pl.ds(base, _ROWS_PER_W)], idx_v)

    copies = [None, None]
    pltpu.async_copy(table_hbm.at[idx_v.at[0]], rows_v.at[0], gsem)
    for h in range(_HIST):
        buf = h % 2
        if h + 1 < _HIST:
            if copies[1 - buf] is not None:
                copies[1 - buf].wait()
            pltpu.async_copy(
                table_hbm.at[idx_v.at[h + 1]], rows_v.at[1 - buf], gsem
            )
        pltpu.make_async_copy(
            table_hbm.at[idx_v.at[h]], rows_v.at[buf], gsem
        ).wait()
        copies[buf] = pltpu.async_copy(
            rows_v.at[buf],
            out_hbm.at[pl.ds(base, _ROWS_PER_W), h],
            osem,
        )
    copies[0].wait()
    copies[1].wait()


def kernel(token_ids, weight):
    table = _format_table(weight.T).reshape(_TROWS, _D)
    ids = _compacted_row(token_ids.T.astype(jnp.int32))
    return _gather_kernel(ids, table)

# --- scband reference (transcript-rebuilt; emitter-appended) ---
"""Pipeline reference for scband-embedding-15607911153815 (READ-ONLY COPY).

The authoritative reference and input builder live on the scoring server;
editing this copy changes nothing except your own understanding.
"""

import jax, jax.numpy as jnp
import numpy as np

NUM_EMBEDDINGS = 1000000
EMBEDDING_DIM = 32
BATCH = 16384
HIST = 20

def setup_inputs(seed: int = 0) -> dict:
    key = jax.random.key(seed)
    k_idx, k_w = jax.random.split(key)
    token_ids = jax.random.randint(k_idx, (BATCH, HIST), 0, NUM_EMBEDDINGS, dtype=jnp.int64 if jax.config.jax_enable_x64 else jnp.int32)
    weight = jax.random.normal(k_w, (NUM_EMBEDDINGS, EMBEDDING_DIM), dtype=jnp.float32)
    return {"token_ids": token_ids, "weight": weight}

def reference(token_ids, weight):
    # Faithful translation of: return self.weight[token_ids, :]
    return jnp.take(weight, token_ids, axis=0)

if __name__ == "__main__":
    import jax
    _d = setup_inputs()
    print(jax.jit(kernel)(*tuple(_d.values())))

</pallas_src>

<mosaic_0001>
#map = affine_map<(d0, d1) -> (0, 0)>
#map1 = affine_map<(d0, d1) -> (0, 0, 0)>
module attributes {stable_mosaic.version = 14 : i64} {
  func.func @_gather_kernel(%arg0: i32, %arg1: i32, %arg2: memref<20x16384xi32, #tpu.memory_space<hbm>>, %arg3: memref<1015808x32xf32, #tpu.memory_space<hbm>>, %arg4: memref<16384x20x32xf32, #tpu.memory_space<hbm>>, %arg5: memref<20x512xi32, #tpu.memory_space<vmem>>, %arg6: memref<2x512x32xf32, #tpu.memory_space<vmem>>, %arg7: memref<!tpu.dma_semaphore, #tpu.memory_space<semaphore_mem>>, %arg8: memref<!tpu.dma_semaphore, #tpu.memory_space<semaphore_mem>>) attributes {dimension_semantics = [#tpu.dimension_semantics<core_parallel>, #tpu.dimension_semantics<subcore_parallel>], iteration_bounds = array<i64: 2, 16>, scalar_prefetch = 0 : i64, scratch_operands = 4 : i64, tpu.core_type = #tpu.core_type<sc_vector_subcore>, window_params = [{transform_indices = #map}, {transform_indices = #map}, {transform_indices = #map1}]} {
    %mul3A = arith.constant 2 : i32
    %mul3A_0 = arith.muli %arg1, %mul3A : i32
    %add3A = arith.addi %mul3A_0, %arg0 : i32
    %mul3A_1 = arith.constant 512 : i32
    %mul3A_2 = arith.muli %add3A, %mul3A_1 : i32
    "tpu.region"() ({
      %run_scoped3A = tpu.sem_alloc : memref<!tpu.dma_semaphore, #tpu.memory_space<semaphore_mem>>
      %dma_start3A_1121 = arith.constant 0 : i32
      %dma_start3A_1122 = tpu.memref_slice %arg2[%dma_start3A_1121, %mul3A_2] : memref<20x16384xi32, #tpu.memory_space<hbm>> -> memref<20x512xi32, #tpu.memory_space<hbm>>
      %dma_start3A_1123 = arith.constant 0 : i32
      %dma_start3A_1124 = tpu.memref_slice %arg2[%dma_start3A_1123, %mul3A_2] : memref<20x16384xi32, #tpu.memory_space<hbm>> -> memref<20x512xi32, #tpu.memory_space<hbm>>
      tpu.enqueue_dma source(%dma_start3A_1124 : memref<20x512xi32, #tpu.memory_space<hbm>>) target(%arg5 : memref<20x512xi32, #tpu.memory_space<vmem>>) target_semaphore(%run_scoped3A : memref<!tpu.dma_semaphore, #tpu.memory_space<semaphore_mem>>)
      %dma_wait3A_1125 = arith.constant 0 : i32
      %dma_wait3A_1126 = tpu.memref_slice %arg2[%dma_wait3A_1125, %mul3A_2] : memref<20x16384xi32, #tpu.memory_space<hbm>> -> memref<20x512xi32, #tpu.memory_space<hbm>>
      %dma_wait3A_1127 = arith.constant 0 : i32
      %dma_wait3A_1128 = tpu.memref_slice %arg2[%dma_wait3A_1127, %mul3A_2] : memref<20x16384xi32, #tpu.memory_space<hbm>> -> memref<20x512xi32, #tpu.memory_space<hbm>>
      tpu.wait_dma2 semaphore(%run_scoped3A : memref<!tpu.dma_semaphore, #tpu.memory_space<semaphore_mem>>) src(%dma_wait3A_1128 : memref<20x512xi32, #tpu.memory_space<hbm>>) dst(%arg5 : memref<20x512xi32, #tpu.memory_space<vmem>>)
      tpu.yield
    }) : () -> ()
    %dma_start3A = arith.constant 0 : i32
    %dma_start3A_3 = arith.constant 0 : i32
    %dma_start3A_4 = arith.constant 0 : i32
    %dma_start3A_5 = arith.constant 0 : i32
    %dma_start3A_6 = tpu.memref_slice %arg6[%dma_start3A_3, %dma_start3A_4, %dma_start3A_5] : memref<2x512x32xf32, #tpu.memory_space<vmem>> -> memref<1x512x32xf32, #tpu.memory_space<vmem>>
    %dma_start3A_7 = tpu.memref_squeeze %dma_start3A_6 : memref<1x512x32xf32, #tpu.memory_space<vmem>> -> memref<512x32xf32, #tpu.memory_space<vmem>>
    %dma_start3A_8 = arith.constant 0 : i32
    %dma_start3A_9 = tpu.memref_slice %arg5[%dma_start3A, %dma_start3A_8] : memref<20x512xi32, #tpu.memory_space<vmem>> -> memref<1x512xi32, #tpu.memory_space<vmem>>
    %dma_start3A_10 = tpu.memref_squeeze %dma_start3A_9 : memref<1x512xi32, #tpu.memory_space<vmem>> -> memref<512xi32, #tpu.memory_space<vmem>>
    %dma_start3A_11 = arith.constant 0 : i32
    %dma_start3A_12 = arith.constant 0 : i32
    %dma_start3A_13 = tpu.memref_slice %arg3[%dma_start3A_11, %dma_start3A_12] : memref<1015808x32xf32, #tpu.memory_space<hbm>> -> memref<1015808x32xf32, #tpu.memory_space<hbm>>
    tpu.enqueue_indirect_dma source(%dma_start3A_13 : memref<1015808x32xf32, #tpu.memory_space<hbm>>) target(%dma_start3A_7 : memref<512x32xf32, #tpu.memory_space<vmem>>) offsets(%dma_start3A_10 : memref<512xi32, #tpu.memory_space<vmem>>) semaphore(%arg7 : memref<!tpu.dma_semaphore, #tpu.memory_space<semaphore_mem>>)
    %dma_start3A_14 = arith.constant 1 : i32
    %dma_start3A_15 = arith.constant 1 : i32
    %dma_start3A_16 = arith.constant 0 : i32
    %dma_start3A_17 = arith.constant 0 : i32
    %dma_start3A_18 = tpu.memref_slice %arg6[%dma_start3A_15, %dma_start3A_16, %dma_start3A_17] : memref<2x512x32xf32, #tpu.memory_space<vmem>> -> memref<1x512x32xf32, #tpu.memory_space<vmem>>
    %dma_start3A_19 = tpu.memref_squeeze %dma_start3A_18 : memref<1x512x32xf32, #tpu.memory_space<vmem>> -> memref<512x32xf32, #tpu.memory_space<vmem>>
    %dma_start3A_20 = arith.constant 0 : i32
    %dma_start3A_21 = tpu.memref_slice %arg5[%dma_start3A_14, %dma_start3A_20] : memref<20x512xi32, #tpu.memory_space<vmem>> -> memref<1x512xi32, #tpu.memory_space<vmem>>
    %dma_start3A_22 = tpu.memref_squeeze %dma_start3A_21 : memref<1x512xi32, #tpu.memory_space<vmem>> -> memref<512xi32, #tpu.memory_space<vmem>>
    %dma_start3A_23 = arith.constant 0 : i32
    %dma_start3A_24 = arith.constant 0 : i32
    %dma_start3A_25 = tpu.memref_slice %arg3[%dma_start3A_23, %dma_start3A_24] : memref<1015808x32xf32, #tpu.memory_space<hbm>> -> memref<1015808x32xf32, #tpu.memory_space<hbm>>
    tpu.enqueue_indirect_dma source(%dma_start3A_25 : memref<1015808x32xf32, #tpu.memory_space<hbm>>) target(%dma_start3A_19 : memref<512x32xf32, #tpu.memory_space<vmem>>) offsets(%dma_start3A_22 : memref<512xi32, #tpu.memory_space<vmem>>) semaphore(%arg7 : memref<!tpu.dma_semaphore, #tpu.memory_space<semaphore_mem>>)
    %dma_wait3A = arith.constant 0 : i32
    %dma_wait3A_26 = arith.constant 0 : i32
    %dma_wait3A_27 = arith.constant 0 : i32
    %dma_wait3A_28 = arith.constant 0 : i32
    %dma_wait3A_29 = tpu.memref_slice %arg6[%dma_wait3A_26, %dma_wait3A_27, %dma_wait3A_28] : memref<2x512x32xf32, #tpu.memory_space<vmem>> -> memref<1x512x32xf32, #tpu.memory_space<vmem>>
    %dma_wait3A_30 = tpu.memref_squeeze %dma_wait3A_29 : memref<1x512x32xf32, #tpu.memory_space<vmem>> -> memref<512x32xf32, #tpu.memory_space<vmem>>
    %dma_wait3A_31 = arith.constant 0 : i32
    %dma_wait3A_32 = tpu.memref_slice %arg5[%dma_wait3A, %dma_wait3A_31] : memref<20x512xi32, #tpu.memory_space<vmem>> -> memref<1x512xi32, #tpu.memory_space<vmem>>
    %dma_wait3A_33 = tpu.memref_squeeze %dma_wait3A_32 : memref<1x512xi32, #tpu.memory_space<vmem>> -> memref<512xi32, #tpu.memory_space<vmem>>
    %dma_wait3A_34 = arith.constant 0 : i32
    %dma_wait3A_35 = arith.constant 0 : i32
    %dma_wait3A_36 = tpu.memref_slice %arg3[%dma_wait3A_34, %dma_wait3A_35] : memref<1015808x32xf32, #tpu.memory_space<hbm>> -> memref<1015808x32xf32, #tpu.memory_space<hbm>>
    tpu.wait_indirect_dma semaphore(%arg7 : memref<!tpu.dma_semaphore, #tpu.memory_space<semaphore_mem>>) src(%dma_wait3A_36 : memref<1015808x32xf32, #tpu.memory_space<hbm>>) dst(%dma_wait3A_30 : memref<512x32xf32, #tpu.memory_space<vmem>>)
    %dma_start3A_37 = arith.constant 0 : i32
    %dma_start3A_38 = arith.constant 0 : i32
    %dma_start3A_39 = arith.constant 0 : i32
    %dma_start3A_40 = arith.constant 0 : i32
    %dma_start3A_41 = tpu.memref_slice %arg6[%dma_start3A_37, %dma_start3A_39, %dma_start3A_40] : memref<2x512x32xf32, #tpu.memory_space<vmem>> -> memref<1x512x32xf32, #tpu.memory_space<vmem>>
    %dma_start3A_42 = tpu.memref_squeeze %dma_start3A_41 : memref<1x512x32xf32, #tpu.memory_space<vmem>> -> memref<512x32xf32, #tpu.memory_space<vmem>>
    %dma_start3A_43 = arith.constant 0 : i32
    %dma_start3A_44 = tpu.memref_slice %arg4[%mul3A_2, %dma_start3A_38, %dma_start3A_43] : memref<16384x20x32xf32, #tpu.memory_space<hbm>> -> memref<512x1x32xf32, #tpu.memory_space<hbm>>
    %dma_start3A_45 = tpu.memref_squeeze %dma_start3A_44 : memref<512x1x32xf32, #tpu.memory_space<hbm>> -> memref<512x32xf32, #tpu.memory_space<hbm>>
    %dma_start3A_46 = arith.constant 0 : i32
    %dma_start3A_47 = tpu.memref_slice %arg4[%mul3A_2, %dma_start3A_38, %dma_start3A_46] : memref<16384x20x32xf32, #tpu.memory_space<hbm>> -> memref<512x1x32xf32, #tpu.memory_space<hbm>>
    %dma_start3A_48 = tpu.memref_squeeze %dma_start3A_47 : memref<512x1x32xf32, #tpu.memory_space<hbm>> -> memref<512x32xf32, #tpu.memory_space<hbm>>
    %dma_start3A_49 = arith.constant 0 : i32
    %dma_start3A_50 = arith.constant 0 : i32
    %dma_start3A_51 = tpu.memref_slice %arg6[%dma_start3A_37, %dma_start3A_49, %dma_start3A_50] : memref<2x512x32xf32, #tpu.memory_space<vmem>> -> memref<1x512x32xf32, #tpu.memory_space<vmem>>
    %dma_start3A_52 = tpu.memref_squeeze %dma_start3A_51 : memref<1x512x32xf32, #tpu.memory_space<vmem>> -> memref<512x32xf32, #tpu.memory_space<vmem>>
    tpu.enqueue_dma source(%dma_start3A_52 : memref<512x32xf32, #tpu.memory_space<vmem>>) target(%dma_start3A_48 : memref<512x32xf32, #tpu.memory_space<hbm>>) target_semaphore(%arg8 : memref<!tpu.dma_semaphore, #tpu.memory_space<semaphore_mem>>)
    %dma_wait3A_53 = arith.constant 0 : i32
    %dma_wait3A_54 = arith.constant 0 : i32
    %dma_wait3A_55 = arith.constant 0 : i32
    %dma_wait3A_56 = arith.constant 0 : i32
    %dma_wait3A_57 = tpu.memref_slice %arg6[%dma_wait3A_53, %dma_wait3A_55, %dma_wait3A_56] : memref<2x512x32xf32, #tpu.memory_space<vmem>> -> memref<1x512x32xf32, #tpu.memory_space<vmem>>
    %dma_wait3A_58 = tpu.memref_squeeze %dma_wait3A_57 : memref<1x512x32xf32, #tpu.memory_space<vmem>> -> memref<512x32xf32, #tpu.memory_space<vmem>>
    %dma_wait3A_59 = arith.constant 0 : i32
    %dma_wait3A_60 = tpu.memref_slice %arg4[%mul3A_2, %dma_wait3A_54, %dma_wait3A_59] : memref<16384x20x32xf32, #tpu.memory_space<hbm>> -> memref<512x1x32xf32, #tpu.memory_space<hbm>>
    %dma_wait3A_61 = tpu.memref_squeeze %dma_wait3A_60 : memref<512x1x32xf32, #tpu.memory_space<hbm>> -> memref<512x32xf32, #tpu.memory_space<hbm>>
    %dma_wait3A_62 = arith.constant 0 : i32
    %dma_wait3A_63 = tpu.memref_slice %arg4[%mul3A_2, %dma_wait3A_54, %dma_wait3A_62] : memref<16384x20x32xf32, #tpu.memory_space<hbm>> -> memref<512x1x32xf32, #tpu.memory_space<hbm>>
    %dma_wait3A_64 = tpu.memref_squeeze %dma_wait3A_63 : memref<512x1x32xf32, #tpu.memory_space<hbm>> -> memref<512x32xf32, #tpu.memory_space<hbm>>
    %dma_wait3A_65 = arith.constant 0 : i32
    %dma_wait3A_66 = arith.constant 0 : i32
    %dma_wait3A_67 = tpu.memref_slice %arg6[%dma_wait3A_53, %dma_wait3A_65, %dma_wait3A_66] : memref<2x512x32xf32, #tpu.memory_space<vmem>> -> memref<1x512x32xf32, #tpu.memory_space<vmem>>
    %dma_wait3A_68 = tpu.memref_squeeze %dma_wait3A_67 : memref<1x512x32xf32, #tpu.memory_space<vmem>> -> memref<512x32xf32, #tpu.memory_space<vmem>>
    tpu.wait_dma2 semaphore(%arg8 : memref<!tpu.dma_semaphore, #tpu.memory_space<semaphore_mem>>) src(%dma_wait3A_68 : memref<512x32xf32, #tpu.memory_space<vmem>>) dst(%dma_wait3A_64 : memref<512x32xf32, #tpu.memory_space<hbm>>)
    %dma_start3A_69 = arith.constant 2 : i32
    %dma_start3A_70 = arith.constant 0 : i32
    %dma_start3A_71 = arith.constant 0 : i32
    %dma_start3A_72 = arith.constant 0 : i32
    %dma_start3A_73 = tpu.memref_slice %arg6[%dma_start3A_70, %dma_start3A_71, %dma_start3A_72] : memref<2x512x32xf32, #tpu.memory_space<vmem>> -> memref<1x512x32xf32, #tpu.memory_space<vmem>>
    %dma_start3A_74 = tpu.memref_squeeze %dma_start3A_73 : memref<1x512x32xf32, #tpu.memory_space<vmem>> -> memref<512x32xf32, #tpu.memory_space<vmem>>
    %dma_start3A_75 = arith.constant 0 : i32
    %dma_start3A_76 = tpu.memref_slice %arg5[%dma_start3A_69, %dma_start3A_75] : memref<20x512xi32, #tpu.memory_space<vmem>> -> memref<1x512xi32, #tpu.memory_space<vmem>>
    %dma_start3A_77 = tpu.memref_squeeze %dma_start3A_76 : memref<1x512xi32, #tpu.memory_space<vmem>> -> memref<512xi32, #tpu.memory_space<vmem>>
    %dma_start3A_78 = arith.constant 0 : i32
    %dma_start3A_79 = arith.constant 0 : i32
    %dma_start3A_80 = tpu.memref_slice %arg3[%dma_start3A_78, %dma_start3A_79] : memref<1015808x32xf32, #tpu.memory_space<hbm>> -> memref<1015808x32xf32, #tpu.memory_space<hbm>>
    tpu.enqueue_indirect_dma source(%dma_start3A_80 : memref<1015808x32xf32, #tpu.memory_space<hbm>>) target(%dma_start3A_74 : memref<512x32xf32, #tpu.memory_space<vmem>>) offsets(%dma_start3A_77 : memref<512xi32, #tpu.memory_space<vmem>>) semaphore(%arg7 : memref<!tpu.dma_semaphore, #tpu.memory_space<semaphore_mem>>)
    %dma_wait3A_81 = arith.constant 1 : i32
    %dma_wait3A_82 = arith.constant 1 : i32
    %dma_wait3A_83 = arith.constant 0 : i32
    %dma_wait3A_84 = arith.constant 0 : i32
    %dma_wait3A_85 = tpu.memref_slice %arg6[%dma_wait3A_82, %dma_wait3A_83, %dma_wait3A_84] : memref<2x512x32xf32, #tpu.memory_space<vmem>> -> memref<1x512x32xf32, #tpu.memory_space<vmem>>
    %dma_wait3A_86 = tpu.memref_squeeze %dma_wait3A_85 : memref<1x512x32xf32, #tpu.memory_space<vmem>> -> memref<512x32xf32, #tpu.memory_space<vmem>>
    %dma_wait3A_87 = arith.constant 0 : i32
    %dma_wait3A_88 = tpu.memref_slice %arg5[%dma_wait3A_81, %dma_wait3A_87] : memref<20x512xi32, #tpu.memory_space<vmem>> -> memref<1x512xi32, #tpu.memory_space<vmem>>
    %dma_wait3A_89 = tpu.memref_squeeze %dma_wait3A_88 : memref<1x512xi32, #tpu.memory_space<vmem>> -> memref<512xi32, #tpu.memory_space<vmem>>
    %dma_wait3A_90 = arith.constant 0 : i32
    %dma_wait3A_91 = arith.constant 0 : i32
    %dma_wait3A_92 = tpu.memref_slice %arg3[%dma_wait3A_90, %dma_wait3A_91] : memref<1015808x32xf32, #tpu.memory_space<hbm>> -> memref<1015808x32xf32, #tpu.memory_space<hbm>>
    tpu.wait_indirect_dma semaphore(%arg7 : memref<!tpu.dma_semaphore, #tpu.memory_space<semaphore_mem>>) src(%dma_wait3A_92 : memref<1015808x32xf32, #tpu.memory_space<hbm>>) dst(%dma_wait3A_86 : memref<512x32xf32, #tpu.memory_space<vmem>>)
    %dma_start3A_93 = arith.constant 1 : i32
    %dma_start3A_94 = arith.constant 1 : i32
    %dma_start3A_95 = arith.constant 0 : i32
    %dma_start3A_96 = arith.constant 0 : i32
    %dma_start3A_97 = tpu.memref_slice %arg6[%dma_start3A_93, %dma_start3A_95, %dma_start3A_96] : memref<2x512x32xf32, #tpu.memory_space<vmem>> -> memref<1x512x32xf32, #tpu.memory_space<vmem>>
    %dma_start3A_98 = tpu.memref_squeeze %dma_start3A_97 : memref<1x512x32xf32, #tpu.memory_space<vmem>> -> memref<512x32xf32, #tpu.memory_space<vmem>>
    %dma_start3A_99 = arith.constant 0 : i32
    %dma_start3A_100 = tpu.memref_slice %arg4[%mul3A_2, %dma_start3A_94, %dma_start3A_99] : memref<16384x20x32xf32, #tpu.memory_space<hbm>> -> memref<512x1x32xf32, #tpu.memory_space<hbm>>
    %dma_start3A_101 = tpu.memref_squeeze %dma_start3A_100 : memref<512x1x32xf32, #tpu.memory_space<hbm>> -> memref<512x32xf32, #tpu.memory_space<hbm>>
    %dma_start3A_102 = arith.constant 0 : i32
    %dma_start3A_103 = tpu.memref_slice %arg4[%mul3A_2, %dma_start3A_94, %dma_start3A_102] : memref<16384x20x32xf32, #tpu.memory_space<hbm>> -> memref<512x1x32xf32, #tpu.memory_space<hbm>>
    %dma_start3A_104 = tpu.memref_squeeze %dma_start3A_103 : memref<512x1x32xf32, #tpu.memory_space<hbm>> -> memref<512x32xf32, #tpu.memory_space<hbm>>
    %dma_start3A_105 = arith.constant 0 : i32
    %dma_start3A_106 = arith.constant 0 : i32
    %dma_start3A_107 = tpu.memref_slice %arg6[%dma_start3A_93, %dma_start3A_105, %dma_start3A_106] : memref<2x512x32xf32, #tpu.memory_space<vmem>> -> memref<1x512x32xf32, #tpu.memory_space<vmem>>
    %dma_start3A_108 = tpu.memref_squeeze %dma_start3A_107 : memref<1x512x32xf32, #tpu.memory_space<vmem>> -> memref<512x32xf32, #tpu.memory_space<vmem>>
    tpu.enqueue_dma source(%dma_start3A_108 : memref<512x32xf32, #tpu.memory_space<vmem>>) target(%dma_start3A_104 : memref<512x32xf32, #tpu.memory_space<hbm>>) target_semaphore(%arg8 : memref<!tpu.dma_semaphore, #tpu.memory_space<semaphore_mem>>)
    %dma_wait3A_109 = arith.constant 1 : i32
    %dma_wait3A_110 = arith.constant 1 : i32
    %dma_wait3A_111 = arith.constant 0 : i32
    %dma_wait3A_112 = arith.constant 0 : i32
    %dma_wait3A_113 = tpu.memref_slice %arg6[%dma_wait3A_109, %dma_wait3A_111, %dma_wait3A_112] : memref<2x512x32xf32, #tpu.memory_space<vmem>> -> memref<1x512x32xf32, #tpu.memory_space<vmem>>
    %dma_wait3A_114 = tpu.memref_squeeze %dma_wait3A_113 : memref<1x512x32xf32, #tpu.memory_space<vmem>> -> memref<512x32xf32, #tpu.memory_space<vmem>>
    %dma_wait3A_115 = arith.constant 0 : i32
    %dma_wait3A_116 = tpu.memref_slice %arg4[%mul3A_2, %dma_wait3A_110, %dma_wait3A_115] : memref<16384x20x32xf32, #tpu.memory_space<hbm>> -> memref<512x1x32xf32, #tpu.memory_space<hbm>>
    %dma_wait3A_117 = tpu.memref_squeeze %dma_wait3A_116 : memref<512x1x32xf32, #tpu.memory_space<hbm>> -> memref<512x32xf32, #tpu.memory_space<hbm>>
    %dma_wait3A_118 = arith.constant 0 : i32
    %dma_wait3A_119 = tpu.memref_slice %arg4[%mul3A_2, %dma_wait3A_110, %dma_wait3A_118] : memref<16384x20x32xf32, #tpu.memory_space<hbm>> -> memref<512x1x32xf32, #tpu.memory_space<hbm>>
    %dma_wait3A_120 = tpu.memref_squeeze %dma_wait3A_119 : memref<512x1x32xf32, #tpu.memory_space<hbm>> -> memref<512x32xf32, #tpu.memory_space<hbm>>
    %dma_wait3A_121 = arith.constant 0 : i32
    %dma_wait3A_122 = arith.constant 0 : i32
    %dma_wait3A_123 = tpu.memref_slice %arg6[%dma_wait3A_109, %dma_wait3A_121, %dma_wait3A_122] : memref<2x512x32xf32, #tpu.memory_space<vmem>> -> memref<1x512x32xf32, #tpu.memory_space<vmem>>
    %dma_wait3A_124 = tpu.memref_squeeze %dma_wait3A_123 : memref<1x512x32xf32, #tpu.memory_space<vmem>> -> memref<512x32xf32, #tpu.memory_space<vmem>>
    tpu.wait_dma2 semaphore(%arg8 : memref<!tpu.dma_semaphore, #tpu.memory_space<semaphore_mem>>) src(%dma_wait3A_124 : memref<512x32xf32, #tpu.memory_space<vmem>>) dst(%dma_wait3A_120 : memref<512x32xf32, #tpu.memory_space<hbm>>)
    %dma_start3A_125 = arith.constant 3 : i32
    %dma_start3A_126 = arith.constant 1 : i32
    %dma_start3A_127 = arith.constant 0 : i32
    %dma_start3A_128 = arith.constant 0 : i32
    %dma_start3A_129 = tpu.memref_slice %arg6[%dma_start3A_126, %dma_start3A_127, %dma_start3A_128] : memref<2x512x32xf32, #tpu.memory_space<vmem>> -> memref<1x512x32xf32, #tpu.memory_space<vmem>>
    %dma_start3A_130 = tpu.memref_squeeze %dma_start3A_129 : memref<1x512x32xf32, #tpu.memory_space<vmem>> -> memref<512x32xf32, #tpu.memory_space<vmem>>
    %dma_start3A_131 = arith.constant 0 : i32
    %dma_start3A_132 = tpu.memref_slice %arg5[%dma_start3A_125, %dma_start3A_131] : memref<20x512xi32, #tpu.memory_space<vmem>> -> memref<1x512xi32, #tpu.memory_space<vmem>>
    %dma_start3A_133 = tpu.memref_squeeze %dma_start3A_132 : memref<1x512xi32, #tpu.memory_space<vmem>> -> memref<512xi32, #tpu.memory_space<vmem>>
    %dma_start3A_134 = arith.constant 0 : i32
    %dma_start3A_135 = arith.constant 0 : i32
    %dma_start3A_136 = tpu.memref_slice %arg3[%dma_start3A_134, %dma_start3A_135] : memref<1015808x32xf32, #tpu.memory_space<hbm>> -> memref<1015808x32xf32, #tpu.memory_space<hbm>>
    tpu.enqueue_indirect_dma source(%dma_start3A_136 : memref<1015808x32xf32, #tpu.memory_space<hbm>>) target(%dma_start3A_130 : memref<512x32xf32, #tpu.memory_space<vmem>>) offsets(%dma_start3A_133 : memref<512xi32, #tpu.memory_space<vmem>>) semaphore(%arg7 : memref<!tpu.dma_semaphore, #tpu.memory_space<semaphore_mem>>)
    %dma_wait3A_137 = arith.constant 2 : i32
    %dma_wait3A_138 = arith.constant 0 : i32
    %dma_wait3A_139 = arith.constant 0 : i32
    %dma_wait3A_140 = arith.constant 0 : i32
    %dma_wait3A_141 = tpu.memref_slice %arg6[%dma_wait3A_138, %dma_wait3A_139, %dma_wait3A_140] : memref<2x512x32xf32, #tpu.memory_space<vmem>> -> memref<1x512x32xf32, #tpu.memory_space<vmem>>
    %dma_wait3A_142 = tpu.memref_squeeze %dma_wait3A_141 : memref<1x512x32xf32, #tpu.memory_space<vmem>> -> memref<512x32xf32, #tpu.memory_space<vmem>>
    %dma_wait3A_143 = arith.constant 0 : i32
    %dma_wait3A_144 = tpu.memref_slice %arg5[%dma_wait3A_137, %dma_wait3A_143] : memref<20x512xi32, #tpu.memory_space<vmem>> -> memref<1x512xi32, #tpu.memory_space<vmem>>
    %dma_wait3A_145 = tpu.memref_squeeze %dma_wait3A_144 : memref<1x512xi32, #tpu.memory_space<vmem>> -> memref<512xi32, #tpu.memory_space<vmem>>
    %dma_wait3A_146 = arith.constant 0 : i32
    %dma_wait3A_147 = arith.constant 0 : i32
    %dma_wait3A_148 = tpu.memref_slice %arg3[%dma_wait3A_146, %dma_wait3A_147] : memref<1015808x32xf32, #tpu.memory_space<hbm>> -> memref<1015808x32xf32, #tpu.memory_space<hbm>>
    tpu.wait_indirect_dma semaphore(%arg7 : memref<!tpu.dma_semaphore, #tpu.memory_space<semaphore_mem>>) src(%dma_wait3A_148 : memref<1015808x32xf32, #tpu.memory_space<hbm>>) dst(%dma_wait3A_142 : memref<512x32xf32, #tpu.memory_space<vmem>>)
    %dma_start3A_149 = arith.constant 0 : i32
    %dma_start3A_150 = arith.constant 2 : i32
    %dma_start3A_151 = arith.constant 0 : i32
    %dma_start3A_152 = arith.constant 0 : i32
    %dma_start3A_153 = tpu.memref_slice %arg6[%dma_start3A_149, %dma_start3A_151, %dma_start3A_152] : memref<2x512x32xf32, #tpu.memory_space<vmem>> -> memref<1x512x32xf32, #tpu.memory_space<vmem>>
    %dma_start3A_154 = tpu.memref_squeeze %dma_start3A_153 : memref<1x512x32xf32, #tpu.memory_space<vmem>> -> memref<512x32xf32, #tpu.memory_space<vmem>>
    %dma_start3A_155 = arith.constant 0 : i32
    %dma_start3A_156 = tpu.memref_slice %arg4[%mul3A_2, %dma_start3A_150, %dma_start3A_155] : memref<16384x20x32xf32, #tpu.memory_space<hbm>> -> memref<512x1x32xf32, #tpu.memory_space<hbm>>
    %dma_start3A_157 = tpu.memref_squeeze %dma_start3A_156 : memref<512x1x32xf32, #tpu.memory_space<hbm>> -> memref<512x32xf32, #tpu.memory_space<hbm>>
    %dma_start3A_158 = arith.constant 0 : i32
    %dma_start3A_159 = tpu.memref_slice %arg4[%mul3A_2, %dma_start3A_150, %dma_start3A_158] : memref<16384x20x32xf32, #tpu.memory_space<hbm>> -> memref<512x1x32xf32, #tpu.memory_space<hbm>>
    %dma_start3A_160 = tpu.memref_squeeze %dma_start3A_159 : memref<512x1x32xf32, #tpu.memory_space<hbm>> -> memref<512x32xf32, #tpu.memory_space<hbm>>
    %dma_start3A_161 = arith.constant 0 : i32
    %dma_start3A_162 = arith.constant 0 : i32
    %dma_start3A_163 = tpu.memref_slice %arg6[%dma_start3A_149, %dma_start3A_161, %dma_start3A_162] : memref<2x512x32xf32, #tpu.memory_space<vmem>> -> memref<1x512x32xf32, #tpu.memory_space<vmem>>
    %dma_start3A_164 = tpu.memref_squeeze %dma_start3A_163 : memref<1x512x32xf32, #tpu.memory_space<vmem>> -> memref<512x32xf32, #tpu.memory_space<vmem>>
    tpu.enqueue_dma source(%dma_start3A_164 : memref<512x32xf32, #tpu.memory_space<vmem>>) target(%dma_start3A_160 : memref<512x32xf32, #tpu.memory_space<hbm>>) target_semaphore(%arg8 : memref<!tpu.dma_semaphore, #tpu.memory_space<semaphore_mem>>)
    %dma_wait3A_165 = arith.constant 0 : i32
    %dma_wait3A_166 = arith.constant 2 : i32
    %dma_wait3A_167 = arith.constant 0 : i32
    %dma_wait3A_168 = arith.constant 0 : i32
    %dma_wait3A_169 = tpu.memref_slice %arg6[%dma_wait3A_165, %dma_wait3A_167, %dma_wait3A_168] : memref<2x512x32xf32, #tpu.memory_space<vmem>> -> memref<1x512x32xf32, #tpu.memory_space<vmem>>
    %dma_wait3A_170 = tpu.memref_squeeze %dma_wait3A_169 : memref<1x512x32xf32, #tpu.memory_space<vmem>> -> memref<512x32xf32, #tpu.memory_space<vmem>>
    %dma_wait3A_171 = arith.constant 0 : i32
    %dma_wait3A_172 = tpu.memref_slice %arg4[%mul3A_2, %dma_wait3A_166, %dma_wait3A_171] : memref<16384x20x32xf32, #tpu.memory_space<hbm>> -> memref<512x1x32xf32, #tpu.memory_space<hbm>>
    %dma_wait3A_173 = tpu.memref_squeeze %dma_wait3A_172 : memref<512x1x32xf32, #tpu.memory_space<hbm>> -> memref<512x32xf32, #tpu.memory_space<hbm>>
    %dma_wait3A_174 = arith.constant 0 : i32
    %dma_wait3A_175 = tpu.memref_slice %arg4[%mul3A_2, %dma_wait3A_166, %dma_wait3A_174] : memref<16384x20x32xf32, #tpu.memory_space<hbm>> -> memref<512x1x32xf32, #tpu.memory_space<hbm>>
    %dma_wait3A_176 = tpu.memref_squeeze %dma_wait3A_175 : memref<512x1x32xf32, #tpu.memory_space<hbm>> -> memref<512x32xf32, #tpu.memory_space<hbm>>
    %dma_wait3A_177 = arith.constant 0 : i32
    %dma_wait3A_178 = arith.constant 0 : i32
    %dma_wait3A_179 = tpu.memref_slice %arg6[%dma_wait3A_165, %dma_wait3A_177, %dma_wait3A_178] : memref<2x512x32xf32, #tpu.memory_space<vmem>> -> memref<1x512x32xf32, #tpu.memory_space<vmem>>
    %dma_wait3A_180 = tpu.memref_squeeze %dma_wait3A_179 : memref<1x512x32xf32, #tpu.memory_space<vmem>> -> memref<512x32xf32, #tpu.memory_space<vmem>>
    tpu.wait_dma2 semaphore(%arg8 : memref<!tpu.dma_semaphore, #tpu.memory_space<semaphore_mem>>) src(%dma_wait3A_180 : memref<512x32xf32, #tpu.memory_space<vmem>>) dst(%dma_wait3A_176 : memref<512x32xf32, #tpu.memory_space<hbm>>)
    %dma_start3A_181 = arith.constant 4 : i32
    %dma_start3A_182 = arith.constant 0 : i32
    %dma_start3A_183 = arith.constant 0 : i32
    %dma_start3A_184 = arith.constant 0 : i32
    %dma_start3A_185 = tpu.memref_slice %arg6[%dma_start3A_182, %dma_start3A_183, %dma_start3A_184] : memref<2x512x32xf32, #tpu.memory_space<vmem>> -> memref<1x512x32xf32, #tpu.memory_space<vmem>>
    %dma_start3A_186 = tpu.memref_squeeze %dma_start3A_185 : memref<1x512x32xf32, #tpu.memory_space<vmem>> -> memref<512x32xf32, #tpu.memory_space<vmem>>
    %dma_start3A_187 = arith.constant 0 : i32
    %dma_start3A_188 = tpu.memref_slice %arg5[%dma_start3A_181, %dma_start3A_187] : memref<20x512xi32, #tpu.memory_space<vmem>> -> memref<1x512xi32, #tpu.memory_space<vmem>>
    %dma_start3A_189 = tpu.memref_squeeze %dma_start3A_188 : memref<1x512xi32, #tpu.memory_space<vmem>> -> memref<512xi32, #tpu.memory_space<vmem>>
    %dma_start3A_190 = arith.constant 0 : i32
    %dma_start3A_191 = arith.constant 0 : i32
    %dma_start3A_192 = tpu.memref_slice %arg3[%dma_start3A_190, %dma_start3A_191] : memref<1015808x32xf32, #tpu.memory_space<hbm>> -> memref<1015808x32xf32, #tpu.memory_space<hbm>>
    tpu.enqueue_indirect_dma source(%dma_start3A_192 : memref<1015808x32xf32, #tpu.memory_space<hbm>>) target(%dma_start3A_186 : memref<512x32xf32, #tpu.memory_space<vmem>>) offsets(%dma_start3A_189 : memref<512xi32, #tpu.memory_space<vmem>>) semaphore(%arg7 : memref<!tpu.dma_semaphore, #tpu.memory_space<semaphore_mem>>)
    %dma_wait3A_193 = arith.constant 3 : i32
    %dma_wait3A_194 = arith.constant 1 : i32
    %dma_wait3A_195 = arith.constant 0 : i32
    %dma_wait3A_196 = arith.constant 0 : i32
    %dma_wait3A_197 = tpu.memref_slice %arg6[%dma_wait3A_194, %dma_wait3A_195, %dma_wait3A_196] : memref<2x512x32xf32, #tpu.memory_space<vmem>> -> memref<1x512x32xf32, #tpu.memory_space<vmem>>
    %dma_wait3A_198 = tpu.memref_squeeze %dma_wait3A_197 : memref<1x512x32xf32, #tpu.memory_space<vmem>> -> memref<512x32xf32, #tpu.memory_space<vmem>>
    %dma_wait3A_199 = arith.constant 0 : i32
    %dma_wait3A_200 = tpu.memref_slice %arg5[%dma_wait3A_193, %dma_wait3A_199] : memref<20x512xi32, #tpu.memory_space<vmem>> -> memref<1x512xi32, #tpu.memory_space<vmem>>
    %dma_wait3A_201 = tpu.memref_squeeze %dma_wait3A_200 : memref<1x512xi32, #tpu.memory_space<vmem>> -> memref<512xi32, #tpu.memory_space<vmem>>
    %dma_wait3A_202 = arith.constant 0 : i32
    %dma_wait3A_203 = arith.constant 0 : i32
    %dma_wait3A_204 = tpu.memref_slice %arg3[%dma_wait3A_202, %dma_wait3A_203] : memref<1015808x32xf32, #tpu.memory_space<hbm>> -> memref<1015808x32xf32, #tpu.memory_space<hbm>>
    tpu.wait_indirect_dma semaphore(%arg7 : memref<!tpu.dma_semaphore, #tpu.memory_space<semaphore_mem>>) src(%dma_wait3A_204 : memref<1015808x32xf32, #tpu.memory_space<hbm>>) dst(%dma_wait3A_198 : memref<512x32xf32, #tpu.memory_space<vmem>>)
    %dma_start3A_205 = arith.constant 1 : i32
    %dma_start3A_206 = arith.constant 3 : i32
    %dma_start3A_207 = arith.constant 0 : i32
    %dma_start3A_208 = arith.constant 0 : i32
    %dma_start3A_209 = tpu.memref_slice %arg6[%dma_start3A_205, %dma_start3A_207, %dma_start3A_208] : memref<2x512x32xf32, #tpu.memory_space<vmem>> -> memref<1x512x32xf32, #tpu.memory_space<vmem>>
    %dma_start3A_210 = tpu.memref_squeeze %dma_start3A_209 : memref<1x512x32xf32, #tpu.memory_space<vmem>> -> memref<512x32xf32, #tpu.memory_space<vmem>>
    %dma_start3A_211 = arith.constant 0 : i32
    %dma_start3A_212 = tpu.memref_slice %arg4[%mul3A_2, %dma_start3A_206, %dma_start3A_211] : memref<16384x20x32xf32, #tpu.memory_space<hbm>> -> memref<512x1x32xf32, #tpu.memory_space<hbm>>
    %dma_start3A_213 = tpu.memref_squeeze %dma_start3A_212 : memref<512x1x32xf32, #tpu.memory_space<hbm>> -> memref<512x32xf32, #tpu.memory_space<hbm>>
    %dma_start3A_214 = arith.constant 0 : i32
    %dma_start3A_215 = tpu.memref_slice %arg4[%mul3A_2, %dma_start3A_206, %dma_start3A_214] : memref<16384x20x32xf32, #tpu.memory_space<hbm>> -> memref<512x1x32xf32, #tpu.memory_space<hbm>>
    %dma_start3A_216 = tpu.memref_squeeze %dma_start3A_215 : memref<512x1x32xf32, #tpu.memory_space<hbm>> -> memref<512x32xf32, #tpu.memory_space<hbm>>
    %dma_start3A_217 = arith.constant 0 : i32
    %dma_start3A_218 = arith.constant 0 : i32
    %dma_start3A_219 = tpu.memref_slice %arg6[%dma_start3A_205, %dma_start3A_217, %dma_start3A_218] : memref<2x512x32xf32, #tpu.memory_space<vmem>> -> memref<1x512x32xf32, #tpu.memory_space<vmem>>
    %dma_start3A_220 = tpu.memref_squeeze %dma_start3A_219 : memref<1x512x32xf32, #tpu.memory_space<vmem>> -> memref<512x32xf32, #tpu.memory_space<vmem>>
    tpu.enqueue_dma source(%dma_start3A_220 : memref<512x32xf32, #tpu.memory_space<vmem>>) target(%dma_start3A_216 : memref<512x32xf32, #tpu.memory_space<hbm>>) target_semaphore(%arg8 : memref<!tpu.dma_semaphore, #tpu.memory_space<semaphore_mem>>)
    %dma_wait3A_221 = arith.constant 1 : i32
    %dma_wait3A_222 = arith.constant 3 : i32
    %dma_wait3A_223 = arith.constant 0 : i32
    %dma_wait3A_224 = arith.constant 0 : i32
    %dma_wait3A_225 = tpu.memref_slice %arg6[%dma_wait3A_221, %dma_wait3A_223, %dma_wait3A_224] : memref<2x512x32xf32, #tpu.memory_space<vmem>> -> memref<1x512x32xf32, #tpu.memory_space<vmem>>
    %dma_wait3A_226 = tpu.memref_squeeze %dma_wait3A_225 : memref<1x512x32xf32, #tpu.memory_space<vmem>> -> memref<512x32xf32, #tpu.memory_space<vmem>>
    %dma_wait3A_227 = arith.constant 0 : i32
    %dma_wait3A_228 = tpu.memref_slice %arg4[%mul3A_2, %dma_wait3A_222, %dma_wait3A_227] : memref<16384x20x32xf32, #tpu.memory_space<hbm>> -> memref<512x1x32xf32, #tpu.memory_space<hbm>>
    %dma_wait3A_229 = tpu.memref_squeeze %dma_wait3A_228 : memref<512x1x32xf32, #tpu.memory_space<hbm>> -> memref<512x32xf32, #tpu.memory_space<hbm>>
    %dma_wait3A_230 = arith.constant 0 : i32
    %dma_wait3A_231 = tpu.memref_slice %arg4[%mul3A_2, %dma_wait3A_222, %dma_wait3A_230] : memref<16384x20x32xf32, #tpu.memory_space<hbm>> -> memref<512x1x32xf32, #tpu.memory_space<hbm>>
    %dma_wait3A_232 = tpu.memref_squeeze %dma_wait3A_231 : memref<512x1x32xf32, #tpu.memory_space<hbm>> -> memref<512x32xf32, #tpu.memory_space<hbm>>
    %dma_wait3A_233 = arith.constant 0 : i32
    %dma_wait3A_234 = arith.constant 0 : i32
    %dma_wait3A_235 = tpu.memref_slice %arg6[%dma_wait3A_221, %dma_wait3A_233, %dma_wait3A_234] : memref<2x512x32xf32, #tpu.memory_space<vmem>> -> memref<1x512x32xf32, #tpu.memory_space<vmem>>
    %dma_wait3A_236 = tpu.memref_squeeze %dma_wait3A_235 : memref<1x512x32xf32, #tpu.memory_space<vmem>> -> memref<512x32xf32, #tpu.memory_space<vmem>>
    tpu.wait_dma2 semaphore(%arg8 : memref<!tpu.dma_semaphore, #tpu.memory_space<semaphore_mem>>) src(%dma_wait3A_236 : memref<512x32xf32, #tpu.memory_space<vmem>>) dst(%dma_wait3A_232 : memref<512x32xf32, #tpu.memory_space<hbm>>)
    %dma_start3A_237 = arith.constant 5 : i32
    %dma_start3A_238 = arith.constant 1 : i32
    %dma_start3A_239 = arith.constant 0 : i32
    %dma_start3A_240 = arith.constant 0 : i32
    %dma_start3A_241 = tpu.memref_slice %arg6[%dma_start3A_238, %dma_start3A_239, %dma_start3A_240] : memref<2x512x32xf32, #tpu.memory_space<vmem>> -> memref<1x512x32xf32, #tpu.memory_space<vmem>>
    %dma_start3A_242 = tpu.memref_squeeze %dma_start3A_241 : memref<1x512x32xf32, #tpu.memory_space<vmem>> -> memref<512x32xf32, #tpu.memory_space<vmem>>
    %dma_start3A_243 = arith.constant 0 : i32
    %dma_start3A_244 = tpu.memref_slice %arg5[%dma_start3A_237, %dma_start3A_243] : memref<20x512xi32, #tpu.memory_space<vmem>> -> memref<1x512xi32, #tpu.memory_space<vmem>>
    %dma_start3A_245 = tpu.memref_squeeze %dma_start3A_244 : memref<1x512xi32, #tpu.memory_space<vmem>> -> memref<512xi32, #tpu.memory_space<vmem>>
    %dma_start3A_246 = arith.constant 0 : i32
    %dma_start3A_247 = arith.constant 0 : i32
    %dma_start3A_248 = tpu.memref_slice %arg3[%dma_start3A_246, %dma_start3A_247] : memref<1015808x32xf32, #tpu.memory_space<hbm>> -> memref<1015808x32xf32, #tpu.memory_space<hbm>>
    tpu.enqueue_indirect_dma source(%dma_start3A_248 : memref<1015808x32xf32, #tpu.memory_space<hbm>>) target(%dma_start3A_242 : memref<512x32xf32, #tpu.memory_space<vmem>>) offsets(%dma_start3A_245 : memref<512xi32, #tpu.memory_space<vmem>>) semaphore(%arg7 : memref<!tpu.dma_semaphore, #tpu.memory_space<semaphore_mem>>)
    %dma_wait3A_249 = arith.constant 4 : i32
    %dma_wait3A_250 = arith.constant 0 : i32
    %dma_wait3A_251 = arith.constant 0 : i32
    %dma_wait3A_252 = arith.constant 0 : i32
    %dma_wait3A_253 = tpu.memref_slice %arg6[%dma_wait3A_250, %dma_wait3A_251, %dma_wait3A_252] : memref<2x512x32xf32, #tpu.memory_space<vmem>> -> memref<1x512x32xf32, #tpu.memory_space<vmem>>
    %dma_wait3A_254 = tpu.memref_squeeze %dma_wait3A_253 : memref<1x512x32xf32, #tpu.memory_space<vmem>> -> memref<512x32xf32, #tpu.memory_space<vmem>>
    %dma_wait3A_255 = arith.constant 0 : i32
    %dma_wait3A_256 = tpu.memref_slice %arg5[%dma_wait3A_249, %dma_wait3A_255] : memref<20x512xi32, #tpu.memory_space<vmem>> -> memref<1x512xi32, #tpu.memory_space<vmem>>
    %dma_wait3A_257 = tpu.memref_squeeze %dma_wait3A_256 : memref<1x512xi32, #tpu.memory_space<vmem>> -> memref<512xi32, #tpu.memory_space<vmem>>
    %dma_wait3A_258 = arith.constant 0 : i32
    %dma_wait3A_259 = arith.constant 0 : i32
    %dma_wait3A_260 = tpu.memref_slice %arg3[%dma_wait3A_258, %dma_wait3A_259] : memref<1015808x32xf32, #tpu.memory_space<hbm>> -> memref<1015808x32xf32, #tpu.memory_space<hbm>>
    tpu.wait_indirect_dma semaphore(%arg7 : memref<!tpu.dma_semaphore, #tpu.memory_space<semaphore_mem>>) src(%dma_wait3A_260 : memref<1015808x32xf32, #tpu.memory_space<hbm>>) dst(%dma_wait3A_254 : memref<512x32xf32, #tpu.memory_space<vmem>>)
    %dma_start3A_261 = arith.constant 0 : i32
    %dma_start3A_262 = arith.constant 4 : i32
    %dma_start3A_263 = arith.constant 0 : i32
    %dma_start3A_264 = arith.constant 0 : i32
    %dma_start3A_265 = tpu.memref_slice %arg6[%dma_start3A_261, %dma_start3A_263, %dma_start3A_264] : memref<2x512x32xf32, #tpu.memory_space<vmem>> -> memref<1x512x32xf32, #tpu.memory_space<vmem>>
    %dma_start3A_266 = tpu.memref_squeeze %dma_start3A_265 : memref<1x512x32xf32, #tpu.memory_space<vmem>> -> memref<512x32xf32, #tpu.memory_space<vmem>>
    %dma_start3A_267 = arith.constant 0 : i32
    %dma_start3A_268 = tpu.memref_slice %arg4[%mul3A_2, %dma_start3A_262, %dma_start3A_267] : memref<16384x20x32xf32, #tpu.memory_space<hbm>> -> memref<512x1x32xf32, #tpu.memory_space<hbm>>
    %dma_start3A_269 = tpu.memref_squeeze %dma_start3A_268 : memref<512x1x32xf32, #tpu.memory_space<hbm>> -> memref<512x32xf32, #tpu.memory_space<hbm>>
    %dma_start3A_270 = arith.constant 0 : i32
    %dma_start3A_271 = tpu.memref_slice %arg4[%mul3A_2, %dma_start3A_262, %dma_start3A_270] : memref<16384x20x32xf32, #tpu.memory_space<hbm>> -> memref<512x1x32xf32, #tpu.memory_space<hbm>>
    %dma_start3A_272 = tpu.memref_squeeze %dma_start3A_271 : memref<512x1x32xf32, #tpu.memory_space<hbm>> -> memref<512x32xf32, #tpu.memory_space<hbm>>
    %dma_start3A_273 = arith.constant 0 : i32
    %dma_start3A_274 = arith.constant 0 : i32
    %dma_start3A_275 = tpu.memref_slice %arg6[%dma_start3A_261, %dma_start3A_273, %dma_start3A_274] : memref<2x512x32xf32, #tpu.memory_space<vmem>> -> memref<1x512x32xf32, #tpu.memory_space<vmem>>
    %dma_start3A_276 = tpu.memref_squeeze %dma_start3A_275 : memref<1x512x32xf32, #tpu.memory_space<vmem>> -> memref<512x32xf32, #tpu.memory_space<vmem>>
    tpu.enqueue_dma source(%dma_start3A_276 : memref<512x32xf32, #tpu.memory_space<vmem>>) target(%dma_start3A_272 : memref<512x32xf32, #tpu.memory_space<hbm>>) target_semaphore(%arg8 : memref<!tpu.dma_semaphore, #tpu.memory_space<semaphore_mem>>)
    %dma_wait3A_277 = arith.constant 0 : i32
    %dma_wait3A_278 = arith.constant 4 : i32
    %dma_wait3A_279 = arith.constant 0 : i32
    %dma_wait3A_280 = arith.constant 0 : i32
    %dma_wait3A_281 = tpu.memref_slice %arg6[%dma_wait3A_277, %dma_wait3A_279, %dma_wait3A_280] : memref<2x512x32xf32, #tpu.memory_space<vmem>> -> memref<1x512x32xf32, #tpu.memory_space<vmem>>
    %dma_wait3A_282 = tpu.memref_squeeze %dma_wait3A_281 : memref<1x512x32xf32, #tpu.memory_space<vmem>> -> memref<512x32xf32, #tpu.memory_space<vmem>>
    %dma_wait3A_283 = arith.constant 0 : i32
    %dma_wait3A_284 = tpu.memref_slice %arg4[%mul3A_2, %dma_wait3A_278, %dma_wait3A_283] : memref<16384x20x32xf32, #tpu.memory_space<hbm>> -> memref<512x1x32xf32, #tpu.memory_space<hbm>>
    %dma_wait3A_285 = tpu.memref_squeeze %dma_wait3A_284 : memref<512x1x32xf32, #tpu.memory_space<hbm>> -> memref<512x32xf32, #tpu.memory_space<hbm>>
    %dma_wait3A_286 = arith.constant 0 : i32
    %dma_wait3A_287 = tpu.memref_slice %arg4[%mul3A_2, %dma_wait3A_278, %dma_wait3A_286] : memref<16384x20x32xf32, #tpu.memory_space<hbm>> -> memref<512x1x32xf32, #tpu.memory_space<hbm>>
    %dma_wait3A_288 = tpu.memref_squeeze %dma_wait3A_287 : memref<512x1x32xf32, #tpu.memory_space<hbm>> -> memref<512x32xf32, #tpu.memory_space<hbm>>
    %dma_wait3A_289 = arith.constant 0 : i32
    %dma_wait3A_290 = arith.constant 0 : i32
    %dma_wait3A_291 = tpu.memref_slice %arg6[%dma_wait3A_277, %dma_wait3A_289, %dma_wait3A_290] : memref<2x512x32xf32, #tpu.memory_space<vmem>> -> memref<1x512x32xf32, #tpu.memory_space<vmem>>
    %dma_wait3A_292 = tpu.memref_squeeze %dma_wait3A_291 : memref<1x512x32xf32, #tpu.memory_space<vmem>> -> memref<512x32xf32, #tpu.memory_space<vmem>>
    tpu.wait_dma2 semaphore(%arg8 : memref<!tpu.dma_semaphore, #tpu.memory_space<semaphore_mem>>) src(%dma_wait3A_292 : memref<512x32xf32, #tpu.memory_space<vmem>>) dst(%dma_wait3A_288 : memref<512x32xf32, #tpu.memory_space<hbm>>)
    %dma_start3A_293 = arith.constant 6 : i32
    %dma_start3A_294 = arith.constant 0 : i32
    %dma_start3A_295 = arith.constant 0 : i32
    %dma_start3A_296 = arith.constant 0 : i32
    %dma_start3A_297 = tpu.memref_slice %arg6[%dma_start3A_294, %dma_start3A_295, %dma_start3A_296] : memref<2x512x32xf32, #tpu.memory_space<vmem>> -> memref<1x512x32xf32, #tpu.memory_space<vmem>>
    %dma_start3A_298 = tpu.memref_squeeze %dma_start3A_297 : memref<1x512x32xf32, #tpu.memory_space<vmem>> -> memref<512x32xf32, #tpu.memory_space<vmem>>
    %dma_start3A_299 = arith.constant 0 : i32
    %dma_start3A_300 = tpu.memref_slice %arg5[%dma_start3A_293, %dma_start3A_299] : memref<20x512xi32, #tpu.memory_space<vmem>> -> memref<1x512xi32, #tpu.memory_space<vmem>>
    %dma_start3A_301 = tpu.memref_squeeze %dma_start3A_300 : memref<1x512xi32, #tpu.memory_space<vmem>> -> memref<512xi32, #tpu.memory_space<vmem>>
    %dma_start3A_302 = arith.constant 0 : i32
    %dma_start3A_303 = arith.constant 0 : i32
    %dma_start3A_304 = tpu.memref_slice %arg3[%dma_start3A_302, %dma_start3A_303] : memref<1015808x32xf32, #tpu.memory_space<hbm>> -> memref<1015808x32xf32, #tpu.memory_space<hbm>>
    tpu.enqueue_indirect_dma source(%dma_start3A_304 : memref<1015808x32xf32, #tpu.memory_space<hbm>>) target(%dma_start3A_298 : memref<512x32xf32, #tpu.memory_space<vmem>>) offsets(%dma_start3A_301 : memref<512xi32, #tpu.memory_space<vmem>>) semaphore(%arg7 : memref<!tpu.dma_semaphore, #tpu.memory_space<semaphore_mem>>)
    %dma_wait3A_305 = arith.constant 5 : i32
    %dma_wait3A_306 = arith.constant 1 : i32
    %dma_wait3A_307 = arith.constant 0 : i32
    %dma_wait3A_308 = arith.constant 0 : i32
    %dma_wait3A_309 = tpu.memref_slice %arg6[%dma_wait3A_306, %dma_wait3A_307, %dma_wait3A_308] : memref<2x512x32xf32, #tpu.memory_space<vmem>> -> memref<1x512x32xf32, #tpu.memory_space<vmem>>
    %dma_wait3A_310 = tpu.memref_squeeze %dma_wait3A_309 : memref<1x512x32xf32, #tpu.memory_space<vmem>> -> memref<512x32xf32, #tpu.memory_space<vmem>>
    %dma_wait3A_311 = arith.constant 0 : i32
    %dma_wait3A_312 = tpu.memref_slice %arg5[%dma_wait3A_305, %dma_wait3A_311] : memref<20x512xi32, #tpu.memory_space<vmem>> -> memref<1x512xi32, #tpu.memory_space<vmem>>
    %dma_wait3A_313 = tpu.memref_squeeze %dma_wait3A_312 : memref<1x512xi32, #tpu.memory_space<vmem>> -> memref<512xi32, #tpu.memory_space<vmem>>
    %dma_wait3A_314 = arith.constant 0 : i32
    %dma_wait3A_315 = arith.constant 0 : i32
    %dma_wait3A_316 = tpu.memref_slice %arg3[%dma_wait3A_314, %dma_wait3A_315] : memref<1015808x32xf32, #tpu.memory_space<hbm>> -> memref<1015808x32xf32, #tpu.memory_space<hbm>>
    tpu.wait_indirect_dma semaphore(%arg7 : memref<!tpu.dma_semaphore, #tpu.memory_space<semaphore_mem>>) src(%dma_wait3A_316 : memref<1015808x32xf32, #tpu.memory_space<hbm>>) dst(%dma_wait3A_310 : memref<512x32xf32, #tpu.memory_space<vmem>>)
    %dma_start3A_317 = arith.constant 1 : i32
    %dma_start3A_318 = arith.constant 5 : i32
    %dma_start3A_319 = arith.constant 0 : i32
    %dma_start3A_320 = arith.constant 0 : i32
    %dma_start3A_321 = tpu.memref_slice %arg6[%dma_start3A_317, %dma_start3A_319, %dma_start3A_320] : memref<2x512x32xf32, #tpu.memory_space<vmem>> -> memref<1x512x32xf32, #tpu.memory_space<vmem>>
    %dma_start3A_322 = tpu.memref_squeeze %dma_start3A_321 : memref<1x512x32xf32, #tpu.memory_space<vmem>> -> memref<512x32xf32, #tpu.memory_space<vmem>>
    %dma_start3A_323 = arith.constant 0 : i32
    %dma_start3A_324 = tpu.memref_slice %arg4[%mul3A_2, %dma_start3A_318, %dma_start3A_323] : memref<16384x20x32xf32, #tpu.memory_space<hbm>> -> memref<512x1x32xf32, #tpu.memory_space<hbm>>
    %dma_start3A_325 = tpu.memref_squeeze %dma_start3A_324 : memref<512x1x32xf32, #tpu.memory_space<hbm>> -> memref<512x32xf32, #tpu.memory_space<hbm>>
    %dma_start3A_326 = arith.constant 0 : i32
    %dma_start3A_327 = tpu.memref_slice %arg4[%mul3A_2, %dma_start3A_318, %dma_start3A_326] : memref<16384x20x32xf32, #tpu.memory_space<hbm>> -> memref<512x1x32xf32, #tpu.memory_space<hbm>>
    %dma_start3A_328 = tpu.memref_squeeze %dma_start3A_327 : memref<512x1x32xf32, #tpu.memory_space<hbm>> -> memref<512x32xf32, #tpu.memory_space<hbm>>
    %dma_start3A_329 = arith.constant 0 : i32
    %dma_start3A_330 = arith.constant 0 : i32
    %dma_start3A_331 = tpu.memref_slice %arg6[%dma_start3A_317, %dma_start3A_329, %dma_start3A_330] : memref<2x512x32xf32, #tpu.memory_space<vmem>> -> memref<1x512x32xf32, #tpu.memory_space<vmem>>
    %dma_start3A_332 = tpu.memref_squeeze %dma_start3A_331 : memref<1x512x32xf32, #tpu.memory_space<vmem>> -> memref<512x32xf32, #tpu.memory_space<vmem>>
    tpu.enqueue_dma source(%dma_start3A_332 : memref<512x32xf32, #tpu.memory_space<vmem>>) target(%dma_start3A_328 : memref<512x32xf32, #tpu.memory_space<hbm>>) target_semaphore(%arg8 : memref<!tpu.dma_semaphore, #tpu.memory_space<semaphore_mem>>)
    %dma_wait3A_333 = arith.constant 1 : i32
    %dma_wait3A_334 = arith.constant 5 : i32
    %dma_wait3A_335 = arith.constant 0 : i32
    %dma_wait3A_336 = arith.constant 0 : i32
    %dma_wait3A_337 = tpu.memref_slice %arg6[%dma_wait3A_333, %dma_wait3A_335, %dma_wait3A_336] : memref<2x512x32xf32, #tpu.memory_space<vmem>> -> memref<1x512x32xf32, #tpu.memory_space<vmem>>
    %dma_wait3A_338 = tpu.memref_squeeze %dma_wait3A_337 : memref<1x512x32xf32, #tpu.memory_space<vmem>> -> memref<512x32xf32, #tpu.memory_space<vmem>>
    %dma_wait3A_339 = arith.constant 0 : i32
    %dma_wait3A_340 = tpu.memref_slice %arg4[%mul3A_2, %dma_wait3A_334, %dma_wait3A_339] : memref<16384x20x32xf32, #tpu.memory_space<hbm>> -> memref<512x1x32xf32, #tpu.memory_space<hbm>>
    %dma_wait3A_341 = tpu.memref_squeeze %dma_wait3A_340 : memref<512x1x32xf32, #tpu.memory_space<hbm>> -> memref<512x32xf32, #tpu.memory_space<hbm>>
    %dma_wait3A_342 = arith.constant 0 : i32
    %dma_wait3A_343 = tpu.memref_slice %arg4[%mul3A_2, %dma_wait3A_334, %dma_wait3A_342] : memref<16384x20x32xf32, #tpu.memory_space<hbm>> -> memref<512x1x32xf32, #tpu.memory_space<hbm>>
    %dma_wait3A_344 = tpu.memref_squeeze %dma_wait3A_343 : memref<512x1x32xf32, #tpu.memory_space<hbm>> -> memref<512x32xf32, #tpu.memory_space<hbm>>
    %dma_wait3A_345 = arith.constant 0 : i32
    %dma_wait3A_346 = arith.constant 0 : i32
    %dma_wait3A_347 = tpu.memref_slice %arg6[%dma_wait3A_333, %dma_wait3A_345, %dma_wait3A_346] : memref<2x512x32xf32, #tpu.memory_space<vmem>> -> memref<1x512x32xf32, #tpu.memory_space<vmem>>
    %dma_wait3A_348 = tpu.memref_squeeze %dma_wait3A_347 : memref<1x512x32xf32, #tpu.memory_space<vmem>> -> memref<512x32xf32, #tpu.memory_space<vmem>>
    tpu.wait_dma2 semaphore(%arg8 : memref<!tpu.dma_semaphore, #tpu.memory_space<semaphore_mem>>) src(%dma_wait3A_348 : memref<512x32xf32, #tpu.memory_space<vmem>>) dst(%dma_wait3A_344 : memref<512x32xf32, #tpu.memory_space<hbm>>)
    %dma_start3A_349 = arith.constant 7 : i32
    %dma_start3A_350 = arith.constant 1 : i32
    %dma_start3A_351 = arith.constant 0 : i32
    %dma_start3A_352 = arith.constant 0 : i32
    %dma_start3A_353 = tpu.memref_slice %arg6[%dma_start3A_350, %dma_start3A_351, %dma_start3A_352] : memref<2x512x32xf32, #tpu.memory_space<vmem>> -> memref<1x512x32xf32, #tpu.memory_space<vmem>>
    %dma_start3A_354 = tpu.memref_squeeze %dma_start3A_353 : memref<1x512x32xf32, #tpu.memory_space<vmem>> -> memref<512x32xf32, #tpu.memory_space<vmem>>
    %dma_start3A_355 = arith.constant 0 : i32
    %dma_start3A_356 = tpu.memref_slice %arg5[%dma_start3A_349, %dma_start3A_355] : memref<20x512xi32, #tpu.memory_space<vmem>> -> memref<1x512xi32, #tpu.memory_space<vmem>>
    %dma_start3A_357 = tpu.memref_squeeze %dma_start3A_356 : memref<1x512xi32, #tpu.memory_space<vmem>> -> memref<512xi32, #tpu.memory_space<vmem>>
    %dma_start3A_358 = arith.constant 0 : i32
    %dma_start3A_359 = arith.constant 0 : i32
    %dma_start3A_360 = tpu.memref_slice %arg3[%dma_start3A_358, %dma_start3A_359] : memref<1015808x32xf32, #tpu.memory_space<hbm>> -> memref<1015808x32xf32, #tpu.memory_space<hbm>>
    tpu.enqueue_indirect_dma source(%dma_start3A_360 : memref<1015808x32xf32, #tpu.memory_space<hbm>>) target(%dma_start3A_354 : memref<512x32xf32, #tpu.memory_space<vmem>>) offsets(%dma_start3A_357 : memref<512xi32, #tpu.memory_space<vmem>>) semaphore(%arg7 : memref<!tpu.dma_semaphore, #tpu.memory_space<semaphore_mem>>)
    %dma_wait3A_361 = arith.constant 6 : i32
    %dma_wait3A_362 = arith.constant 0 : i32
    %dma_wait3A_363 = arith.constant 0 : i32
    %dma_wait3A_364 = arith.constant 0 : i32
    %dma_wait3A_365 = tpu.memref_slice %arg6[%dma_wait3A_362, %dma_wait3A_363, %dma_wait3A_364] : memref<2x512x32xf32, #tpu.memory_space<vmem>> -> memref<1x512x32xf32, #tpu.memory_space<vmem>>
    %dma_wait3A_366 = tpu.memref_squeeze %dma_wait3A_365 : memref<1x512x32xf32, #tpu.memory_space<vmem>> -> memref<512x32xf32, #tpu.memory_space<vmem>>
    %dma_wait3A_367 = arith.constant 0 : i32
    %dma_wait3A_368 = tpu.memref_slice %arg5[%dma_wait3A_361, %dma_wait3A_367] : memref<20x512xi32, #tpu.memory_space<vmem>> -> memref<1x512xi32, #tpu.memory_space<vmem>>
    %dma_wait3A_369 = tpu.memref_squeeze %dma_wait3A_368 : memref<1x512xi32, #tpu.memory_space<vmem>> -> memref<512xi32, #tpu.memory_space<vmem>>
    %dma_wait3A_370 = arith.constant 0 : i32
    %dma_wait3A_371 = arith.constant 0 : i32
    %dma_wait3A_372 = tpu.memref_slice %arg3[%dma_wait3A_370, %dma_wait3A_371] : memref<1015808x32xf32, #tpu.memory_space<hbm>> -> memref<1015808x32xf32, #tpu.memory_space<hbm>>
    tpu.wait_indirect_dma semaphore(%arg7 : memref<!tpu.dma_semaphore, #tpu.memory_space<semaphore_mem>>) src(%dma_wait3A_372 : memref<1015808x32xf32, #tpu.memory_space<hbm>>) dst(%dma_wait3A_366 : memref<512x32xf32, #tpu.memory_space<vmem>>)
    %dma_start3A_373 = arith.constant 0 : i32
    %dma_start3A_374 = arith.constant 6 : i32
    %dma_start3A_375 = arith.constant 0 : i32
    %dma_start3A_376 = arith.constant 0 : i32
    %dma_start3A_377 = tpu.memref_slice %arg6[%dma_start3A_373, %dma_start3A_375, %dma_start3A_376] : memref<2x512x32xf32, #tpu.memory_space<vmem>> -> memref<1x512x32xf32, #tpu.memory_space<vmem>>
    %dma_start3A_378 = tpu.memref_squeeze %dma_start3A_377 : memref<1x512x32xf32, #tpu.memory_space<vmem>> -> memref<512x32xf32, #tpu.memory_space<vmem>>
    %dma_start3A_379 = arith.constant 0 : i32
    %dma_start3A_380 = tpu.memref_slice %arg4[%mul3A_2, %dma_start3A_374, %dma_start3A_379] : memref<16384x20x32xf32, #tpu.memory_space<hbm>> -> memref<512x1x32xf32, #tpu.memory_space<hbm>>
    %dma_start3A_381 = tpu.memref_squeeze %dma_start3A_380 : memref<512x1x32xf32, #tpu.memory_space<hbm>> -> memref<512x32xf32, #tpu.memory_space<hbm>>
    %dma_start3A_382 = arith.constant 0 : i32
    %dma_start3A_383 = tpu.memref_slice %arg4[%mul3A_2, %dma_start3A_374, %dma_start3A_382] : memref<16384x20x32xf32, #tpu.memory_space<hbm>> -> memref<512x1x32xf32, #tpu.memory_space<hbm>>
    %dma_start3A_384 = tpu.memref_squeeze %dma_start3A_383 : memref<512x1x32xf32, #tpu.memory_space<hbm>> -> memref<512x32xf32, #tpu.memory_space<hbm>>
    %dma_start3A_385 = arith.constant 0 : i32
    %dma_start3A_386 = arith.constant 0 : i32
    %dma_start3A_387 = tpu.memref_slice %arg6[%dma_start3A_373, %dma_start3A_385, %dma_start3A_386] : memref<2x512x32xf32, #tpu.memory_space<vmem>> -> memref<1x512x32xf32, #tpu.memory_space<vmem>>
    %dma_start3A_388 = tpu.memref_squeeze %dma_start3A_387 : memref<1x512x32xf32, #tpu.memory_space<vmem>> -> memref<512x32xf32, #tpu.memory_space<vmem>>
    tpu.enqueue_dma source(%dma_start3A_388 : memref<512x32xf32, #tpu.memory_space<vmem>>) target(%dma_start3A_384 : memref<512x32xf32, #tpu.memory_space<hbm>>) target_semaphore(%arg8 : memref<!tpu.dma_semaphore, #tpu.memory_space<semaphore_mem>>)
    %dma_wait3A_389 = arith.constant 0 : i32
    %dma_wait3A_390 = arith.constant 6 : i32
    %dma_wait3A_391 = arith.constant 0 : i32
    %dma_wait3A_392 = arith.constant 0 : i32
    %dma_wait3A_393 = tpu.memref_slice %arg6[%dma_wait3A_389, %dma_wait3A_391, %dma_wait3A_392] : memref<2x512x32xf32, #tpu.memory_space<vmem>> -> memref<1x512x32xf32, #tpu.memory_space<vmem>>
    %dma_wait3A_394 = tpu.memref_squeeze %dma_wait3A_393 : memref<1x512x32xf32, #tpu.memory_space<vmem>> -> memref<512x32xf32, #tpu.memory_space<vmem>>
    %dma_wait3A_395 = arith.constant 0 : i32
    %dma_wait3A_396 = tpu.memref_slice %arg4[%mul3A_2, %dma_wait3A_390, %dma_wait3A_395] : memref<16384x20x32xf32, #tpu.memory_space<hbm>> -> memref<512x1x32xf32, #tpu.memory_space<hbm>>
    %dma_wait3A_397 = tpu.memref_squeeze %dma_wait3A_396 : memref<512x1x32xf32, #tpu.memory_space<hbm>> -> memref<512x32xf32, #tpu.memory_space<hbm>>
    %dma_wait3A_398 = arith.constant 0 : i32
    %dma_wait3A_399 = tpu.memref_slice %arg4[%mul3A_2, %dma_wait3A_390, %dma_wait3A_398] : memref<16384x20x32xf32, #tpu.memory_space<hbm>> -> memref<512x1x32xf32, #tpu.memory_space<hbm>>
    %dma_wait3A_400 = tpu.memref_squeeze %dma_wait3A_399 : memref<512x1x32xf32, #tpu.memory_space<hbm>> -> memref<512x32xf32, #tpu.memory_space<hbm>>
    %dma_wait3A_401 = arith.constant 0 : i32
    %dma_wait3A_402 = arith.constant 0 : i32
    %dma_wait3A_403 = tpu.memref_slice %arg6[%dma_wait3A_389, %dma_wait3A_401, %dma_wait3A_402] : memref<2x512x32xf32, #tpu.memory_space<vmem>> -> memref<1x512x32xf32, #tpu.memory_space<vmem>>
    %dma_wait3A_404 = tpu.memref_squeeze %dma_wait3A_403 : memref<1x512x32xf32, #tpu.memory_space<vmem>> -> memref<512x32xf32, #tpu.memory_space<vmem>>
    tpu.wait_dma2 semaphore(%arg8 : memref<!tpu.dma_semaphore, #tpu.memory_space<semaphore_mem>>) src(%dma_wait3A_404 : memref<512x32xf32, #tpu.memory_space<vmem>>) dst(%dma_wait3A_400 : memref<512x32xf32, #tpu.memory_space<hbm>>)
    %dma_start3A_405 = arith.constant 8 : i32
    %dma_start3A_406 = arith.constant 0 : i32
    %dma_start3A_407 = arith.constant 0 : i32
    %dma_start3A_408 = arith.constant 0 : i32
    %dma_start3A_409 = tpu.memref_slice %arg6[%dma_start3A_406, %dma_start3A_407, %dma_start3A_408] : memref<2x512x32xf32, #tpu.memory_space<vmem>> -> memref<1x512x32xf32, #tpu.memory_space<vmem>>
    %dma_start3A_410 = tpu.memref_squeeze %dma_start3A_409 : memref<1x512x32xf32, #tpu.memory_space<vmem>> -> memref<512x32xf32, #tpu.memory_space<vmem>>
    %dma_start3A_411 = arith.constant 0 : i32
    %dma_start3A_412 = tpu.memref_slice %arg5[%dma_start3A_405, %dma_start3A_411] : memref<20x512xi32, #tpu.memory_space<vmem>> -> memref<1x512xi32, #tpu.memory_space<vmem>>
    %dma_start3A_413 = tpu.memref_squeeze %dma_start3A_412 : memref<1x512xi32, #tpu.memory_space<vmem>> -> memref<512xi32, #tpu.memory_space<vmem>>
    %dma_start3A_414 = arith.constant 0 : i32
    %dma_start3A_415 = arith.constant 0 : i32
    %dma_start3A_416 = tpu.memref_slice %arg3[%dma_start3A_414, %dma_start3A_415] : memref<1015808x32xf32, #tpu.memory_space<hbm>> -> memref<1015808x32xf32, #tpu.memory_space<hbm>>
    tpu.enqueue_indirect_dma source(%dma_start3A_416 : memref<1015808x32xf32, #tpu.memory_space<hbm>>) target(%dma_start3A_410 : memref<512x32xf32, #tpu.memory_space<vmem>>) offsets(%dma_start3A_413 : memref<512xi32, #tpu.memory_space<vmem>>) semaphore(%arg7 : memref<!tpu.dma_semaphore, #tpu.memory_space<semaphore_mem>>)
    %dma_wait3A_417 = arith.constant 7 : i32
    %dma_wait3A_418 = arith.constant 1 : i32
    %dma_wait3A_419 = arith.constant 0 : i32
    %dma_wait3A_420 = arith.constant 0 : i32
    %dma_wait3A_421 = tpu.memref_slice %arg6[%dma_wait3A_418, %dma_wait3A_419, %dma_wait3A_420] : memref<2x512x32xf32, #tpu.memory_space<vmem>> -> memref<1x512x32xf32, #tpu.memory_space<vmem>>
    %dma_wait3A_422 = tpu.memref_squeeze %dma_wait3A_421 : memref<1x512x32xf32, #tpu.memory_space<vmem>> -> memref<512x32xf32, #tpu.memory_space<vmem>>
    %dma_wait3A_423 = arith.constant 0 : i32
    %dma_wait3A_424 = tpu.memref_slice %arg5[%dma_wait3A_417, %dma_wait3A_423] : memref<20x512xi32, #tpu.memory_space<vmem>> -> memref<1x512xi32, #tpu.memory_space<vmem>>
    %dma_wait3A_425 = tpu.memref_squeeze %dma_wait3A_424 : memref<1x512xi32, #tpu.memory_space<vmem>> -> memref<512xi32, #tpu.memory_space<vmem>>
    %dma_wait3A_426 = arith.constant 0 : i32
    %dma_wait3A_427 = arith.constant 0 : i32
    %dma_wait3A_428 = tpu.memref_slice %arg3[%dma_wait3A_426, %dma_wait3A_427] : memref<1015808x32xf32, #tpu.memory_space<hbm>> -> memref<1015808x32xf32, #tpu.memory_space<hbm>>
    tpu.wait_indirect_dma semaphore(%arg7 : memref<!tpu.dma_semaphore, #tpu.memory_space<semaphore_mem>>) src(%dma_wait3A_428 : memref<1015808x32xf32, #tpu.memory_space<hbm>>) dst(%dma_wait3A_422 : memref<512x32xf32, #tpu.memory_space<vmem>>)
    %dma_start3A_429 = arith.constant 1 : i32
    %dma_start3A_430 = arith.constant 7 : i32
    %dma_start3A_431 = arith.constant 0 : i32
    %dma_start3A_432 = arith.constant 0 : i32
    %dma_start3A_433 = tpu.memref_slice %arg6[%dma_start3A_429, %dma_start3A_431, %dma_start3A_432] : memref<2x512x32xf32, #tpu.memory_space<vmem>> -> memref<1x512x32xf32, #tpu.memory_space<vmem>>
    %dma_start3A_434 = tpu.memref_squeeze %dma_start3A_433 : memref<1x512x32xf32, #tpu.memory_space<vmem>> -> memref<512x32xf32, #tpu.memory_space<vmem>>
    %dma_start3A_435 = arith.constant 0 : i32
    %dma_start3A_436 = tpu.memref_slice %arg4[%mul3A_2, %dma_start3A_430, %dma_start3A_435] : memref<16384x20x32xf32, #tpu.memory_space<hbm>> -> memref<512x1x32xf32, #tpu.memory_space<hbm>>
    %dma_start3A_437 = tpu.memref_squeeze %dma_start3A_436 : memref<512x1x32xf32, #tpu.memory_space<hbm>> -> memref<512x32xf32, #tpu.memory_space<hbm>>
    %dma_start3A_438 = arith.constant 0 : i32
    %dma_start3A_439 = tpu.memref_slice %arg4[%mul3A_2, %dma_start3A_430, %dma_start3A_438] : memref<16384x20x32xf32, #tpu.memory_space<hbm>> -> memref<512x1x32xf32, #tpu.memory_space<hbm>>
    %dma_start3A_440 = tpu.memref_squeeze %dma_start3A_439 : memref<512x1x32xf32, #tpu.memory_space<hbm>> -> memref<512x32xf32, #tpu.memory_space<hbm>>
    %dma_start3A_441 = arith.constant 0 : i32
    %dma_start3A_442 = arith.constant 0 : i32
    %dma_start3A_443 = tpu.memref_slice %arg6[%dma_start3A_429, %dma_start3A_441, %dma_start3A_442] : memref<2x512x32xf32, #tpu.memory_space<vmem>> -> memref<1x512x32xf32, #tpu.memory_space<vmem>>
    %dma_start3A_444 = tpu.memref_squeeze %dma_start3A_443 : memref<1x512x32xf32, #tpu.memory_space<vmem>> -> memref<512x32xf32, #tpu.memory_space<vmem>>
    tpu.enqueue_dma source(%dma_start3A_444 : memref<512x32xf32, #tpu.memory_space<vmem>>) target(%dma_start3A_440 : memref<512x32xf32, #tpu.memory_space<hbm>>) target_semaphore(%arg8 : memref<!tpu.dma_semaphore, #tpu.memory_space<semaphore_mem>>)
    %dma_wait3A_445 = arith.constant 1 : i32
    %dma_wait3A_446 = arith.constant 7 : i32
    %dma_wait3A_447 = arith.constant 0 : i32
    %dma_wait3A_448 = arith.constant 0 : i32
    %dma_wait3A_449 = tpu.memref_slice %arg6[%dma_wait3A_445, %dma_wait3A_447, %dma_wait3A_448] : memref<2x512x32xf32, #tpu.memory_space<vmem>> -> memref<1x512x32xf32, #tpu.memory_space<vmem>>
    %dma_wait3A_450 = tpu.memref_squeeze %dma_wait3A_449 : memref<1x512x32xf32, #tpu.memory_space<vmem>> -> memref<512x32xf32, #tpu.memory_space<vmem>>
    %dma_wait3A_451 = arith.constant 0 : i32
    %dma_wait3A_452 = tpu.memref_slice %arg4[%mul3A_2, %dma_wait3A_446, %dma_wait3A_451] : memref<16384x20x32xf32, #tpu.memory_space<hbm>> -> memref<512x1x32xf32, #tpu.memory_space<hbm>>
    %dma_wait3A_453 = tpu.memref_squeeze %dma_wait3A_452 : memref<512x1x32xf32, #tpu.memory_space<hbm>> -> memref<512x32xf32, #tpu.memory_space<hbm>>
    %dma_wait3A_454 = arith.constant 0 : i32
    %dma_wait3A_455 = tpu.memref_slice %arg4[%mul3A_2, %dma_wait3A_446, %dma_wait3A_454] : memref<16384x20x32xf32, #tpu.memory_space<hbm>> -> memref<512x1x32xf32, #tpu.memory_space<hbm>>
    %dma_wait3A_456 = tpu.memref_squeeze %dma_wait3A_455 : memref<512x1x32xf32, #tpu.memory_space<hbm>> -> memref<512x32xf32, #tpu.memory_space<hbm>>
    %dma_wait3A_457 = arith.constant 0 : i32
    %dma_wait3A_458 = arith.constant 0 : i32
    %dma_wait3A_459 = tpu.memref_slice %arg6[%dma_wait3A_445, %dma_wait3A_457, %dma_wait3A_458] : memref<2x512x32xf32, #tpu.memory_space<vmem>> -> memref<1x512x32xf32, #tpu.memory_space<vmem>>
    %dma_wait3A_460 = tpu.memref_squeeze %dma_wait3A_459 : memref<1x512x32xf32, #tpu.memory_space<vmem>> -> memref<512x32xf32, #tpu.memory_space<vmem>>
    tpu.wait_dma2 semaphore(%arg8 : memref<!tpu.dma_semaphore, #tpu.memory_space<semaphore_mem>>) src(%dma_wait3A_460 : memref<512x32xf32, #tpu.memory_space<vmem>>) dst(%dma_wait3A_456 : memref<512x32xf32, #tpu.memory_space<hbm>>)
    %dma_start3A_461 = arith.constant 9 : i32
    %dma_start3A_462 = arith.constant 1 : i32
    %dma_start3A_463 = arith.constant 0 : i32
    %dma_start3A_464 = arith.constant 0 : i32
    %dma_start3A_465 = tpu.memref_slice %arg6[%dma_start3A_462, %dma_start3A_463, %dma_start3A_464] : memref<2x512x32xf32, #tpu.memory_space<vmem>> -> memref<1x512x32xf32, #tpu.memory_space<vmem>>
    %dma_start3A_466 = tpu.memref_squeeze %dma_start3A_465 : memref<1x512x32xf32, #tpu.memory_space<vmem>> -> memref<512x32xf32, #tpu.memory_space<vmem>>
    %dma_start3A_467 = arith.constant 0 : i32
    %dma_start3A_468 = tpu.memref_slice %arg5[%dma_start3A_461, %dma_start3A_467] : memref<20x512xi32, #tpu.memory_space<vmem>> -> memref<1x512xi32, #tpu.memory_space<vmem>>
    %dma_start3A_469 = tpu.memref_squeeze %dma_start3A_468 : memref<1x512xi32, #tpu.memory_space<vmem>> -> memref<512xi32, #tpu.memory_space<vmem>>
    %dma_start3A_470 = arith.constant 0 : i32
    %dma_start3A_471 = arith.constant 0 : i32
    %dma_start3A_472 = tpu.memref_slice %arg3[%dma_start3A_470, %dma_start3A_471] : memref<1015808x32xf32, #tpu.memory_space<hbm>> -> memref<1015808x32xf32, #tpu.memory_space<hbm>>
    tpu.enqueue_indirect_dma source(%dma_start3A_472 : memref<1015808x32xf32, #tpu.memory_space<hbm>>) target(%dma_start3A_466 : memref<512x32xf32, #tpu.memory_space<vmem>>) offsets(%dma_start3A_469 : memref<512xi32, #tpu.memory_space<vmem>>) semaphore(%arg7 : memref<!tpu.dma_semaphore, #tpu.memory_space<semaphore_mem>>)
    %dma_wait3A_473 = arith.constant 8 : i32
    %dma_wait3A_474 = arith.constant 0 : i32
    %dma_wait3A_475 = arith.constant 0 : i32
    %dma_wait3A_476 = arith.constant 0 : i32
    %dma_wait3A_477 = tpu.memref_slice %arg6[%dma_wait3A_474, %dma_wait3A_475, %dma_wait3A_476] : memref<2x512x32xf32, #tpu.memory_space<vmem>> -> memref<1x512x32xf32, #tpu.memory_space<vmem>>
    %dma_wait3A_478 = tpu.memref_squeeze %dma_wait3A_477 : memref<1x512x32xf32, #tpu.memory_space<vmem>> -> memref<512x32xf32, #tpu.memory_space<vmem>>
    %dma_wait3A_479 = arith.constant 0 : i32
    %dma_wait3A_480 = tpu.memref_slice %arg5[%dma_wait3A_473, %dma_wait3A_479] : memref<20x512xi32, #tpu.memory_space<vmem>> -> memref<1x512xi32, #tpu.memory_space<vmem>>
    %dma_wait3A_481 = tpu.memref_squeeze %dma_wait3A_480 : memref<1x512xi32, #tpu.memory_space<vmem>> -> memref<512xi32, #tpu.memory_space<vmem>>
    %dma_wait3A_482 = arith.constant 0 : i32
    %dma_wait3A_483 = arith.constant 0 : i32
    %dma_wait3A_484 = tpu.memref_slice %arg3[%dma_wait3A_482, %dma_wait3A_483] : memref<1015808x32xf32, #tpu.memory_space<hbm>> -> memref<1015808x32xf32, #tpu.memory_space<hbm>>
    tpu.wait_indirect_dma semaphore(%arg7 : memref<!tpu.dma_semaphore, #tpu.memory_space<semaphore_mem>>) src(%dma_wait3A_484 : memref<1015808x32xf32, #tpu.memory_space<hbm>>) dst(%dma_wait3A_478 : memref<512x32xf32, #tpu.memory_space<vmem>>)
    %dma_start3A_485 = arith.constant 0 : i32
    %dma_start3A_486 = arith.constant 8 : i32
    %dma_start3A_487 = arith.constant 0 : i32
    %dma_start3A_488 = arith.constant 0 : i32
    %dma_start3A_489 = tpu.memref_slice %arg6[%dma_start3A_485, %dma_start3A_487, %dma_start3A_488] : memref<2x512x32xf32, #tpu.memory_space<vmem>> -> memref<1x512x32xf32, #tpu.memory_space<vmem>>
    %dma_start3A_490 = tpu.memref_squeeze %dma_start3A_489 : memref<1x512x32xf32, #tpu.memory_space<vmem>> -> memref<512x32xf32, #tpu.memory_space<vmem>>
    %dma_start3A_491 = arith.constant 0 : i32
    %dma_start3A_492 = tpu.memref_slice %arg4[%mul3A_2, %dma_start3A_486, %dma_start3A_491] : memref<16384x20x32xf32, #tpu.memory_space<hbm>> -> memref<512x1x32xf32, #tpu.memory_space<hbm>>
    %dma_start3A_493 = tpu.memref_squeeze %dma_start3A_492 : memref<512x1x32xf32, #tpu.memory_space<hbm>> -> memref<512x32xf32, #tpu.memory_space<hbm>>
    %dma_start3A_494 = arith.constant 0 : i32
    %dma_start3A_495 = tpu.memref_slice %arg4[%mul3A_2, %dma_start3A_486, %dma_start3A_494] : memref<16384x20x32xf32, #tpu.memory_space<hbm>> -> memref<512x1x32xf32, #tpu.memory_space<hbm>>
    %dma_start3A_496 = tpu.memref_squeeze %dma_start3A_495 : memref<512x1x32xf32, #tpu.memory_space<hbm>> -> memref<512x32xf32, #tpu.memory_space<hbm>>
    %dma_start3A_497 = arith.constant 0 : i32
    %dma_start3A_498 = arith.constant 0 : i32
    %dma_start3A_499 = tpu.memref_slice %arg6[%dma_start3A_485, %dma_start3A_497, %dma_start3A_498] : memref<2x512x32xf32, #tpu.memory_space<vmem>> -> memref<1x512x32xf32, #tpu.memory_space<vmem>>
    %dma_start3A_500 = tpu.memref_squeeze %dma_start3A_499 : memref<1x512x32xf32, #tpu.memory_space<vmem>> -> memref<512x32xf32, #tpu.memory_space<vmem>>
    tpu.enqueue_dma source(%dma_start3A_500 : memref<512x32xf32, #tpu.memory_space<vmem>>) target(%dma_start3A_496 : memref<512x32xf32, #tpu.memory_space<hbm>>) target_semaphore(%arg8 : memref<!tpu.dma_semaphore, #tpu.memory_space<semaphore_mem>>)
    %dma_wait3A_501 = arith.constant 0 : i32
    %dma_wait3A_502 = arith.constant 8 : i32
    %dma_wait3A_503 = arith.constant 0 : i32
    %dma_wait3A_504 = arith.constant 0 : i32
    %dma_wait3A_505 = tpu.memref_slice %arg6[%dma_wait3A_501, %dma_wait3A_503, %dma_wait3A_504] : memref<2x512x32xf32, #tpu.memory_space<vmem>> -> memref<1x512x32xf32, #tpu.memory_space<vmem>>
    %dma_wait3A_506 = tpu.memref_squeeze %dma_wait3A_505 : memref<1x512x32xf32, #tpu.memory_space<vmem>> -> memref<512x32xf32, #tpu.memory_space<vmem>>
    %dma_wait3A_507 = arith.constant 0 : i32
    %dma_wait3A_508 = tpu.memref_slice %arg4[%mul3A_2, %dma_wait3A_502, %dma_wait3A_507] : memref<16384x20x32xf32, #tpu.memory_space<hbm>> -> memref<512x1x32xf32, #tpu.memory_space<hbm>>
    %dma_wait3A_509 = tpu.memref_squeeze %dma_wait3A_508 : memref<512x1x32xf32, #tpu.memory_space<hbm>> -> memref<512x32xf32, #tpu.memory_space<hbm>>
    %dma_wait3A_510 = arith.constant 0 : i32
    %dma_wait3A_511 = tpu.memref_slice %arg4[%mul3A_2, %dma_wait3A_502, %dma_wait3A_510] : memref<16384x20x32xf32, #tpu.memory_space<hbm>> -> memref<512x1x32xf32, #tpu.memory_space<hbm>>
    %dma_wait3A_512 = tpu.memref_squeeze %dma_wait3A_511 : memref<512x1x32xf32, #tpu.memory_space<hbm>> -> memref<512x32xf32, #tpu.memory_space<hbm>>
    %dma_wait3A_513 = arith.constant 0 : i32
    %dma_wait3A_514 = arith.constant 0 : i32
    %dma_wait3A_515 = tpu.memref_slice %arg6[%dma_wait3A_501, %dma_wait3A_513, %dma_wait3A_514] : memref<2x512x32xf32, #tpu.memory_space<vmem>> -> memref<1x512x32xf32, #tpu.memory_space<vmem>>
    %dma_wait3A_516 = tpu.memref_squeeze %dma_wait3A_515 : memref<1x512x32xf32, #tpu.memory_space<vmem>> -> memref<512x32xf32, #tpu.memory_space<vmem>>
    tpu.wait_dma2 semaphore(%arg8 : memref<!tpu.dma_semaphore, #tpu.memory_space<semaphore_mem>>) src(%dma_wait3A_516 : memref<512x32xf32, #tpu.memory_space<vmem>>) dst(%dma_wait3A_512 : memref<512x32xf32, #tpu.memory_space<hbm>>)
    %dma_start3A_517 = arith.constant 10 : i32
    %dma_start3A_518 = arith.constant 0 : i32
    %dma_start3A_519 = arith.constant 0 : i32
    %dma_start3A_520 = arith.constant 0 : i32
    %dma_start3A_521 = tpu.memref_slice %arg6[%dma_start3A_518, %dma_start3A_519, %dma_start3A_520] : memref<2x512x32xf32, #tpu.memory_space<vmem>> -> memref<1x512x32xf32, #tpu.memory_space<vmem>>
    %dma_start3A_522 = tpu.memref_squeeze %dma_start3A_521 : memref<1x512x32xf32, #tpu.memory_space<vmem>> -> memref<512x32xf32, #tpu.memory_space<vmem>>
    %dma_start3A_523 = arith.constant 0 : i32
    %dma_start3A_524 = tpu.memref_slice %arg5[%dma_start3A_517, %dma_start3A_523] : memref<20x512xi32, #tpu.memory_space<vmem>> -> memref<1x512xi32, #tpu.memory_space<vmem>>
    %dma_start3A_525 = tpu.memref_squeeze %dma_start3A_524 : memref<1x512xi32, #tpu.memory_space<vmem>> -> memref<512xi32, #tpu.memory_space<vmem>>
    %dma_start3A_526 = arith.constant 0 : i32
    %dma_start3A_527 = arith.constant 0 : i32
    %dma_start3A_528 = tpu.memref_slice %arg3[%dma_start3A_526, %dma_start3A_527] : memref<1015808x32xf32, #tpu.memory_space<hbm>> -> memref<1015808x32xf32, #tpu.memory_space<hbm>>
    tpu.enqueue_indirect_dma source(%dma_start3A_528 : memref<1015808x32xf32, #tpu.memory_space<hbm>>) target(%dma_start3A_522 : memref<512x32xf32, #tpu.memory_space<vmem>>) offsets(%dma_start3A_525 : memref<512xi32, #tpu.memory_space<vmem>>) semaphore(%arg7 : memref<!tpu.dma_semaphore, #tpu.memory_space<semaphore_mem>>)
    %dma_wait3A_529 = arith.constant 9 : i32
    %dma_wait3A_530 = arith.constant 1 : i32
    %dma_wait3A_531 = arith.constant 0 : i32
    %dma_wait3A_532 = arith.constant 0 : i32
    %dma_wait3A_533 = tpu.memref_slice %arg6[%dma_wait3A_530, %dma_wait3A_531, %dma_wait3A_532] : memref<2x512x32xf32, #tpu.memory_space<vmem>> -> memref<1x512x32xf32, #tpu.memory_space<vmem>>
    %dma_wait3A_534 = tpu.memref_squeeze %dma_wait3A_533 : memref<1x512x32xf32, #tpu.memory_space<vmem>> -> memref<512x32xf32, #tpu.memory_space<vmem>>
    %dma_wait3A_535 = arith.constant 0 : i32
    %dma_wait3A_536 = tpu.memref_slice %arg5[%dma_wait3A_529, %dma_wait3A_535] : memref<20x512xi32, #tpu.memory_space<vmem>> -> memref<1x512xi32, #tpu.memory_space<vmem>>
    %dma_wait3A_537 = tpu.memref_squeeze %dma_wait3A_536 : memref<1x512xi32, #tpu.memory_space<vmem>> -> memref<512xi32, #tpu.memory_space<vmem>>
    %dma_wait3A_538 = arith.constant 0 : i32
    %dma_wait3A_539 = arith.constant 0 : i32
    %dma_wait3A_540 = tpu.memref_slice %arg3[%dma_wait3A_538, %dma_wait3A_539] : memref<1015808x32xf32, #tpu.memory_space<hbm>> -> memref<1015808x32xf32, #tpu.memory_space<hbm>>
    tpu.wait_indirect_dma semaphore(%arg7 : memref<!tpu.dma_semaphore, #tpu.memory_space<semaphore_mem>>) src(%dma_wait3A_540 : memref<1015808x32xf32, #tpu.memory_space<hbm>>) dst(%dma_wait3A_534 : memref<512x32xf32, #tpu.memory_space<vmem>>)
    %dma_start3A_541 = arith.constant 1 : i32
    %dma_start3A_542 = arith.constant 9 : i32
    %dma_start3A_543 = arith.constant 0 : i32
    %dma_start3A_544 = arith.constant 0 : i32
    %dma_start3A_545 = tpu.memref_slice %arg6[%dma_start3A_541, %dma_start3A_543, %dma_start3A_544] : memref<2x512x32xf32, #tpu.memory_space<vmem>> -> memref<1x512x32xf32, #tpu.memory_space<vmem>>
    %dma_start3A_546 = tpu.memref_squeeze %dma_start3A_545 : memref<1x512x32xf32, #tpu.memory_space<vmem>> -> memref<512x32xf32, #tpu.memory_space<vmem>>
    %dma_start3A_547 = arith.constant 0 : i32
    %dma_start3A_548 = tpu.memref_slice %arg4[%mul3A_2, %dma_start3A_542, %dma_start3A_547] : memref<16384x20x32xf32, #tpu.memory_space<hbm>> -> memref<512x1x32xf32, #tpu.memory_space<hbm>>
    %dma_start3A_549 = tpu.memref_squeeze %dma_start3A_548 : memref<512x1x32xf32, #tpu.memory_space<hbm>> -> memref<512x32xf32, #tpu.memory_space<hbm>>
    %dma_start3A_550 = arith.constant 0 : i32
    %dma_start3A_551 = tpu.memref_slice %arg4[%mul3A_2, %dma_start3A_542, %dma_start3A_550] : memref<16384x20x32xf32, #tpu.memory_space<hbm>> -> memref<512x1x32xf32, #tpu.memory_space<hbm>>
    %dma_start3A_552 = tpu.memref_squeeze %dma_start3A_551 : memref<512x1x32xf32, #tpu.memory_space<hbm>> -> memref<512x32xf32, #tpu.memory_space<hbm>>
    %dma_start3A_553 = arith.constant 0 : i32
    %dma_start3A_554 = arith.constant 0 : i32
    %dma_start3A_555 = tpu.memref_slice %arg6[%dma_start3A_541, %dma_start3A_553, %dma_start3A_554] : memref<2x512x32xf32, #tpu.memory_space<vmem>> -> memref<1x512x32xf32, #tpu.memory_space<vmem>>
    %dma_start3A_556 = tpu.memref_squeeze %dma_start3A_555 : memref<1x512x32xf32, #tpu.memory_space<vmem>> -> memref<512x32xf32, #tpu.memory_space<vmem>>
    tpu.enqueue_dma source(%dma_start3A_556 : memref<512x32xf32, #tpu.memory_space<vmem>>) target(%dma_start3A_552 : memref<512x32xf32, #tpu.memory_space<hbm>>) target_semaphore(%arg8 : memref<!tpu.dma_semaphore, #tpu.memory_space<semaphore_mem>>)
    %dma_wait3A_557 = arith.constant 1 : i32
    %dma_wait3A_558 = arith.constant 9 : i32
    %dma_wait3A_559 = arith.constant 0 : i32
    %dma_wait3A_560 = arith.constant 0 : i32
    %dma_wait3A_561 = tpu.memref_slice %arg6[%dma_wait3A_557, %dma_wait3A_559, %dma_wait3A_560] : memref<2x512x32xf32, #tpu.memory_space<vmem>> -> memref<1x512x32xf32, #tpu.memory_space<vmem>>
    %dma_wait3A_562 = tpu.memref_squeeze %dma_wait3A_561 : memref<1x512x32xf32, #tpu.memory_space<vmem>> -> memref<512x32xf32, #tpu.memory_space<vmem>>
    %dma_wait3A_563 = arith.constant 0 : i32
    %dma_wait3A_564 = tpu.memref_slice %arg4[%mul3A_2, %dma_wait3A_558, %dma_wait3A_563] : memref<16384x20x32xf32, #tpu.memory_space<hbm>> -> memref<512x1x32xf32, #tpu.memory_space<hbm>>
    %dma_wait3A_565 = tpu.memref_squeeze %dma_wait3A_564 : memref<512x1x32xf32, #tpu.memory_space<hbm>> -> memref<512x32xf32, #tpu.memory_space<hbm>>
    %dma_wait3A_566 = arith.constant 0 : i32
    %dma_wait3A_567 = tpu.memref_slice %arg4[%mul3A_2, %dma_wait3A_558, %dma_wait3A_566] : memref<16384x20x32xf32, #tpu.memory_space<hbm>> -> memref<512x1x32xf32, #tpu.memory_space<hbm>>
    %dma_wait3A_568 = tpu.memref_squeeze %dma_wait3A_567 : memref<512x1x32xf32, #tpu.memory_space<hbm>> -> memref<512x32xf32, #tpu.memory_space<hbm>>
    %dma_wait3A_569 = arith.constant 0 : i32
    %dma_wait3A_570 = arith.constant 0 : i32
    %dma_wait3A_571 = tpu.memref_slice %arg6[%dma_wait3A_557, %dma_wait3A_569, %dma_wait3A_570] : memref<2x512x32xf32, #tpu.memory_space<vmem>> -> memref<1x512x32xf32, #tpu.memory_space<vmem>>
    %dma_wait3A_572 = tpu.memref_squeeze %dma_wait3A_571 : memref<1x512x32xf32, #tpu.memory_space<vmem>> -> memref<512x32xf32, #tpu.memory_space<vmem>>
    tpu.wait_dma2 semaphore(%arg8 : memref<!tpu.dma_semaphore, #tpu.memory_space<semaphore_mem>>) src(%dma_wait3A_572 : memref<512x32xf32, #tpu.memory_space<vmem>>) dst(%dma_wait3A_568 : memref<512x32xf32, #tpu.memory_space<hbm>>)
    %dma_start3A_573 = arith.constant 11 : i32
    %dma_start3A_574 = arith.constant 1 : i32
    %dma_start3A_575 = arith.constant 0 : i32
    %dma_start3A_576 = arith.constant 0 : i32
    %dma_start3A_577 = tpu.memref_slice %arg6[%dma_start3A_574, %dma_start3A_575, %dma_start3A_576] : memref<2x512x32xf32, #tpu.memory_space<vmem>> -> memref<1x512x32xf32, #tpu.memory_space<vmem>>
    %dma_start3A_578 = tpu.memref_squeeze %dma_start3A_577 : memref<1x512x32xf32, #tpu.memory_space<vmem>> -> memref<512x32xf32, #tpu.memory_space<vmem>>
    %dma_start3A_579 = arith.constant 0 : i32
    %dma_start3A_580 = tpu.memref_slice %arg5[%dma_start3A_573, %dma_start3A_579] : memref<20x512xi32, #tpu.memory_space<vmem>> -> memref<1x512xi32, #tpu.memory_space<vmem>>
    %dma_start3A_581 = tpu.memref_squeeze %dma_start3A_580 : memref<1x512xi32, #tpu.memory_space<vmem>> -> memref<512xi32, #tpu.memory_space<vmem>>
    %dma_start3A_582 = arith.constant 0 : i32
    %dma_start3A_583 = arith.constant 0 : i32
    %dma_start3A_584 = tpu.memref_slice %arg3[%dma_start3A_582, %dma_start3A_583] : memref<1015808x32xf32, #tpu.memory_space<hbm>> -> memref<1015808x32xf32, #tpu.memory_space<hbm>>
    tpu.enqueue_indirect_dma source(%dma_start3A_584 : memref<1015808x32xf32, #tpu.memory_space<hbm>>) target(%dma_start3A_578 : memref<512x32xf32, #tpu.memory_space<vmem>>) offsets(%dma_start3A_581 : memref<512xi32, #tpu.memory_space<vmem>>) semaphore(%arg7 : memref<!tpu.dma_semaphore, #tpu.memory_space<semaphore_mem>>)
    %dma_wait3A_585 = arith.constant 10 : i32
    %dma_wait3A_586 = arith.constant 0 : i32
    %dma_wait3A_587 = arith.constant 0 : i32
    %dma_wait3A_588 = arith.constant 0 : i32
    %dma_wait3A_589 = tpu.memref_slice %arg6[%dma_wait3A_586, %dma_wait3A_587, %dma_wait3A_588] : memref<2x512x32xf32, #tpu.memory_space<vmem>> -> memref<1x512x32xf32, #tpu.memory_space<vmem>>
    %dma_wait3A_590 = tpu.memref_squeeze %dma_wait3A_589 : memref<1x512x32xf32, #tpu.memory_space<vmem>> -> memref<512x32xf32, #tpu.memory_space<vmem>>
    %dma_wait3A_591 = arith.constant 0 : i32
    %dma_wait3A_592 = tpu.memref_slice %arg5[%dma_wait3A_585, %dma_wait3A_591] : memref<20x512xi32, #tpu.memory_space<vmem>> -> memref<1x512xi32, #tpu.memory_space<vmem>>
    %dma_wait3A_593 = tpu.memref_squeeze %dma_wait3A_592 : memref<1x512xi32, #tpu.memory_space<vmem>> -> memref<512xi32, #tpu.memory_space<vmem>>
    %dma_wait3A_594 = arith.constant 0 : i32
    %dma_wait3A_595 = arith.constant 0 : i32
    %dma_wait3A_596 = tpu.memref_slice %arg3[%dma_wait3A_594, %dma_wait3A_595] : memref<1015808x32xf32, #tpu.memory_space<hbm>> -> memref<1015808x32xf32, #tpu.memory_space<hbm>>
    tpu.wait_indirect_dma semaphore(%arg7 : memref<!tpu.dma_semaphore, #tpu.memory_space<semaphore_mem>>) src(%dma_wait3A_596 : memref<1015808x32xf32, #tpu.memory_space<hbm>>) dst(%dma_wait3A_590 : memref<512x32xf32, #tpu.memory_space<vmem>>)
    %dma_start3A_597 = arith.constant 0 : i32
    %dma_start3A_598 = arith.constant 10 : i32
    %dma_start3A_599 = arith.constant 0 : i32
    %dma_start3A_600 = arith.constant 0 : i32
    %dma_start3A_601 = tpu.memref_slice %arg6[%dma_start3A_597, %dma_start3A_599, %dma_start3A_600] : memref<2x512x32xf32, #tpu.memory_space<vmem>> -> memref<1x512x32xf32, #tpu.memory_space<vmem>>
    %dma_start3A_602 = tpu.memref_squeeze %dma_start3A_601 : memref<1x512x32xf32, #tpu.memory_space<vmem>> -> memref<512x32xf32, #tpu.memory_space<vmem>>
    %dma_start3A_603 = arith.constant 0 : i32
    %dma_start3A_604 = tpu.memref_slice %arg4[%mul3A_2, %dma_start3A_598, %dma_start3A_603] : memref<16384x20x32xf32, #tpu.memory_space<hbm>> -> memref<512x1x32xf32, #tpu.memory_space<hbm>>
    %dma_start3A_605 = tpu.memref_squeeze %dma_start3A_604 : memref<512x1x32xf32, #tpu.memory_space<hbm>> -> memref<512x32xf32, #tpu.memory_space<hbm>>
    %dma_start3A_606 = arith.constant 0 : i32
    %dma_start3A_607 = tpu.memref_slice %arg4[%mul3A_2, %dma_start3A_598, %dma_start3A_606] : memref<16384x20x32xf32, #tpu.memory_space<hbm>> -> memref<512x1x32xf32, #tpu.memory_space<hbm>>
    %dma_start3A_608 = tpu.memref_squeeze %dma_start3A_607 : memref<512x1x32xf32, #tpu.memory_space<hbm>> -> memref<512x32xf32, #tpu.memory_space<hbm>>
    %dma_start3A_609 = arith.constant 0 : i32
    %dma_start3A_610 = arith.constant 0 : i32
    %dma_start3A_611 = tpu.memref_slice %arg6[%dma_start3A_597, %dma_start3A_609, %dma_start3A_610] : memref<2x512x32xf32, #tpu.memory_space<vmem>> -> memref<1x512x32xf32, #tpu.memory_space<vmem>>
    %dma_start3A_612 = tpu.memref_squeeze %dma_start3A_611 : memref<1x512x32xf32, #tpu.memory_space<vmem>> -> memref<512x32xf32, #tpu.memory_space<vmem>>
    tpu.enqueue_dma source(%dma_start3A_612 : memref<512x32xf32, #tpu.memory_space<vmem>>) target(%dma_start3A_608 : memref<512x32xf32, #tpu.memory_space<hbm>>) target_semaphore(%arg8 : memref<!tpu.dma_semaphore, #tpu.memory_space<semaphore_mem>>)
    %dma_wait3A_613 = arith.constant 0 : i32
    %dma_wait3A_614 = arith.constant 10 : i32
    %dma_wait3A_615 = arith.constant 0 : i32
    %dma_wait3A_616 = arith.constant 0 : i32
    %dma_wait3A_617 = tpu.memref_slice %arg6[%dma_wait3A_613, %dma_wait3A_615, %dma_wait3A_616] : memref<2x512x32xf32, #tpu.memory_space<vmem>> -> memref<1x512x32xf32, #tpu.memory_space<vmem>>
    %dma_wait3A_618 = tpu.memref_squeeze %dma_wait3A_617 : memref<1x512x32xf32, #tpu.memory_space<vmem>> -> memref<512x32xf32, #tpu.memory_space<vmem>>
    %dma_wait3A_619 = arith.constant 0 : i32
    %dma_wait3A_620 = tpu.memref_slice %arg4[%mul3A_2, %dma_wait3A_614, %dma_wait3A_619] : memref<16384x20x32xf32, #tpu.memory_space<hbm>> -> memref<512x1x32xf32, #tpu.memory_space<hbm>>
    %dma_wait3A_621 = tpu.memref_squeeze %dma_wait3A_620 : memref<512x1x32xf32, #tpu.memory_space<hbm>> -> memref<512x32xf32, #tpu.memory_space<hbm>>
    %dma_wait3A_622 = arith.constant 0 : i32
    %dma_wait3A_623 = tpu.memref_slice %arg4[%mul3A_2, %dma_wait3A_614, %dma_wait3A_622] : memref<16384x20x32xf32, #tpu.memory_space<hbm>> -> memref<512x1x32xf32, #tpu.memory_space<hbm>>
    %dma_wait3A_624 = tpu.memref_squeeze %dma_wait3A_623 : memref<512x1x32xf32, #tpu.memory_space<hbm>> -> memref<512x32xf32, #tpu.memory_space<hbm>>
    %dma_wait3A_625 = arith.constant 0 : i32
    %dma_wait3A_626 = arith.constant 0 : i32
    %dma_wait3A_627 = tpu.memref_slice %arg6[%dma_wait3A_613, %dma_wait3A_625, %dma_wait3A_626] : memref<2x512x32xf32, #tpu.memory_space<vmem>> -> memref<1x512x32xf32, #tpu.memory_space<vmem>>
    %dma_wait3A_628 = tpu.memref_squeeze %dma_wait3A_627 : memref<1x512x32xf32, #tpu.memory_space<vmem>> -> memref<512x32xf32, #tpu.memory_space<vmem>>
    tpu.wait_dma2 semaphore(%arg8 : memref<!tpu.dma_semaphore, #tpu.memory_space<semaphore_mem>>) src(%dma_wait3A_628 : memref<512x32xf32, #tpu.memory_space<vmem>>) dst(%dma_wait3A_624 : memref<512x32xf32, #tpu.memory_space<hbm>>)
    %dma_start3A_629 = arith.constant 12 : i32
    %dma_start3A_630 = arith.constant 0 : i32
    %dma_start3A_631 = arith.constant 0 : i32
    %dma_start3A_632 = arith.constant 0 : i32
    %dma_start3A_633 = tpu.memref_slice %arg6[%dma_start3A_630, %dma_start3A_631, %dma_start3A_632] : memref<2x512x32xf32, #tpu.memory_space<vmem>> -> memref<1x512x32xf32, #tpu.memory_space<vmem>>
    %dma_start3A_634 = tpu.memref_squeeze %dma_start3A_633 : memref<1x512x32xf32, #tpu.memory_space<vmem>> -> memref<512x32xf32, #tpu.memory_space<vmem>>
    %dma_start3A_635 = arith.constant 0 : i32
    %dma_start3A_636 = tpu.memref_slice %arg5[%dma_start3A_629, %dma_start3A_635] : memref<20x512xi32, #tpu.memory_space<vmem>> -> memref<1x512xi32, #tpu.memory_space<vmem>>
    %dma_start3A_637 = tpu.memref_squeeze %dma_start3A_636 : memref<1x512xi32, #tpu.memory_space<vmem>> -> memref<512xi32, #tpu.memory_space<vmem>>
    %dma_start3A_638 = arith.constant 0 : i32
    %dma_start3A_639 = arith.constant 0 : i32
    %dma_start3A_640 = tpu.memref_slice %arg3[%dma_start3A_638, %dma_start3A_639] : memref<1015808x32xf32, #tpu.memory_space<hbm>> -> memref<1015808x32xf32, #tpu.memory_space<hbm>>
    tpu.enqueue_indirect_dma source(%dma_start3A_640 : memref<1015808x32xf32, #tpu.memory_space<hbm>>) target(%dma_start3A_634 : memref<512x32xf32, #tpu.memory_space<vmem>>) offsets(%dma_start3A_637 : memref<512xi32, #tpu.memory_space<vmem>>) semaphore(%arg7 : memref<!tpu.dma_semaphore, #tpu.memory_space<semaphore_mem>>)
    %dma_wait3A_641 = arith.constant 11 : i32
    %dma_wait3A_642 = arith.constant 1 : i32
    %dma_wait3A_643 = arith.constant 0 : i32
    %dma_wait3A_644 = arith.constant 0 : i32
    %dma_wait3A_645 = tpu.memref_slice %arg6[%dma_wait3A_642, %dma_wait3A_643, %dma_wait3A_644] : memref<2x512x32xf32, #tpu.memory_space<vmem>> -> memref<1x512x32xf32, #tpu.memory_space<vmem>>
    %dma_wait3A_646 = tpu.memref_squeeze %dma_wait3A_645 : memref<1x512x32xf32, #tpu.memory_space<vmem>> -> memref<512x32xf32, #tpu.memory_space<vmem>>
    %dma_wait3A_647 = arith.constant 0 : i32
    %dma_wait3A_648 = tpu.memref_slice %arg5[%dma_wait3A_641, %dma_wait3A_647] : memref<20x512xi32, #tpu.memory_space<vmem>> -> memref<1x512xi32, #tpu.memory_space<vmem>>
    %dma_wait3A_649 = tpu.memref_squeeze %dma_wait3A_648 : memref<1x512xi32, #tpu.memory_space<vmem>> -> memref<512xi32, #tpu.memory_space<vmem>>
    %dma_wait3A_650 = arith.constant 0 : i32
    %dma_wait3A_651 = arith.constant 0 : i32
    %dma_wait3A_652 = tpu.memref_slice %arg3[%dma_wait3A_650, %dma_wait3A_651] : memref<1015808x32xf32, #tpu.memory_space<hbm>> -> memref<1015808x32xf32, #tpu.memory_space<hbm>>
    tpu.wait_indirect_dma semaphore(%arg7 : memref<!tpu.dma_semaphore, #tpu.memory_space<semaphore_mem>>) src(%dma_wait3A_652 : memref<1015808x32xf32, #tpu.memory_space<hbm>>) dst(%dma_wait3A_646 : memref<512x32xf32, #tpu.memory_space<vmem>>)
    %dma_start3A_653 = arith.constant 1 : i32
    %dma_start3A_654 = arith.constant 11 : i32
    %dma_start3A_655 = arith.constant 0 : i32
    %dma_start3A_656 = arith.constant 0 : i32
    %dma_start3A_657 = tpu.memref_slice %arg6[%dma_start3A_653, %dma_start3A_655, %dma_start3A_656] : memref<2x512x32xf32, #tpu.memory_space<vmem>> -> memref<1x512x32xf32, #tpu.memory_space<vmem>>
    %dma_start3A_658 = tpu.memref_squeeze %dma_start3A_657 : memref<1x512x32xf32, #tpu.memory_space<vmem>> -> memref<512x32xf32, #tpu.memory_space<vmem>>
    %dma_start3A_659 = arith.constant 0 : i32
    %dma_start3A_660 = tpu.memref_slice %arg4[%mul3A_2, %dma_start3A_654, %dma_start3A_659] : memref<16384x20x32xf32, #tpu.memory_space<hbm>> -> memref<512x1x32xf32, #tpu.memory_space<hbm>>
    %dma_start3A_661 = tpu.memref_squeeze %dma_start3A_660 : memref<512x1x32xf32, #tpu.memory_space<hbm>> -> memref<512x32xf32, #tpu.memory_space<hbm>>
    %dma_start3A_662 = arith.constant 0 : i32
    %dma_start3A_663 = tpu.memref_slice %arg4[%mul3A_2, %dma_start3A_654, %dma_start3A_662] : memref<16384x20x32xf32, #tpu.memory_space<hbm>> -> memref<512x1x32xf32, #tpu.memory_space<hbm>>
    %dma_start3A_664 = tpu.memref_squeeze %dma_start3A_663 : memref<512x1x32xf32, #tpu.memory_space<hbm>> -> memref<512x32xf32, #tpu.memory_space<hbm>>
    %dma_start3A_665 = arith.constant 0 : i32
    %dma_start3A_666 = arith.constant 0 : i32
    %dma_start3A_667 = tpu.memref_slice %arg6[%dma_start3A_653, %dma_start3A_665, %dma_start3A_666] : memref<2x512x32xf32, #tpu.memory_space<vmem>> -> memref<1x512x32xf32, #tpu.memory_space<vmem>>
    %dma_start3A_668 = tpu.memref_squeeze %dma_start3A_667 : memref<1x512x32xf32, #tpu.memory_space<vmem>> -> memref<512x32xf32, #tpu.memory_space<vmem>>
    tpu.enqueue_dma source(%dma_start3A_668 : memref<512x32xf32, #tpu.memory_space<vmem>>) target(%dma_start3A_664 : memref<512x32xf32, #tpu.memory_space<hbm>>) target_semaphore(%arg8 : memref<!tpu.dma_semaphore, #tpu.memory_space<semaphore_mem>>)
    %dma_wait3A_669 = arith.constant 1 : i32
    %dma_wait3A_670 = arith.constant 11 : i32
    %dma_wait3A_671 = arith.constant 0 : i32
    %dma_wait3A_672 = arith.constant 0 : i32
    %dma_wait3A_673 = tpu.memref_slice %arg6[%dma_wait3A_669, %dma_wait3A_671, %dma_wait3A_672] : memref<2x512x32xf32, #tpu.memory_space<vmem>> -> memref<1x512x32xf32, #tpu.memory_space<vmem>>
    %dma_wait3A_674 = tpu.memref_squeeze %dma_wait3A_673 : memref<1x512x32xf32, #tpu.memory_space<vmem>> -> memref<512x32xf32, #tpu.memory_space<vmem>>
    %dma_wait3A_675 = arith.constant 0 : i32
    %dma_wait3A_676 = tpu.memref_slice %arg4[%mul3A_2, %dma_wait3A_670, %dma_wait3A_675] : memref<16384x20x32xf32, #tpu.memory_space<hbm>> -> memref<512x1x32xf32, #tpu.memory_space<hbm>>
    %dma_wait3A_677 = tpu.memref_squeeze %dma_wait3A_676 : memref<512x1x32xf32, #tpu.memory_space<hbm>> -> memref<512x32xf32, #tpu.memory_space<hbm>>
    %dma_wait3A_678 = arith.constant 0 : i32
    %dma_wait3A_679 = tpu.memref_slice %arg4[%mul3A_2, %dma_wait3A_670, %dma_wait3A_678] : memref<16384x20x32xf32, #tpu.memory_space<hbm>> -> memref<512x1x32xf32, #tpu.memory_space<hbm>>
    %dma_wait3A_680 = tpu.memref_squeeze %dma_wait3A_679 : memref<512x1x32xf32, #tpu.memory_space<hbm>> -> memref<512x32xf32, #tpu.memory_space<hbm>>
    %dma_wait3A_681 = arith.constant 0 : i32
    %dma_wait3A_682 = arith.constant 0 : i32
    %dma_wait3A_683 = tpu.memref_slice %arg6[%dma_wait3A_669, %dma_wait3A_681, %dma_wait3A_682] : memref<2x512x32xf32, #tpu.memory_space<vmem>> -> memref<1x512x32xf32, #tpu.memory_space<vmem>>
    %dma_wait3A_684 = tpu.memref_squeeze %dma_wait3A_683 : memref<1x512x32xf32, #tpu.memory_space<vmem>> -> memref<512x32xf32, #tpu.memory_space<vmem>>
    tpu.wait_dma2 semaphore(%arg8 : memref<!tpu.dma_semaphore, #tpu.memory_space<semaphore_mem>>) src(%dma_wait3A_684 : memref<512x32xf32, #tpu.memory_space<vmem>>) dst(%dma_wait3A_680 : memref<512x32xf32, #tpu.memory_space<hbm>>)
    %dma_start3A_685 = arith.constant 13 : i32
    %dma_start3A_686 = arith.constant 1 : i32
    %dma_start3A_687 = arith.constant 0 : i32
    %dma_start3A_688 = arith.constant 0 : i32
    %dma_start3A_689 = tpu.memref_slice %arg6[%dma_start3A_686, %dma_start3A_687, %dma_start3A_688] : memref<2x512x32xf32, #tpu.memory_space<vmem>> -> memref<1x512x32xf32, #tpu.memory_space<vmem>>
    %dma_start3A_690 = tpu.memref_squeeze %dma_start3A_689 : memref<1x512x32xf32, #tpu.memory_space<vmem>> -> memref<512x32xf32, #tpu.memory_space<vmem>>
    %dma_start3A_691 = arith.constant 0 : i32
    %dma_start3A_692 = tpu.memref_slice %arg5[%dma_start3A_685, %dma_start3A_691] : memref<20x512xi32, #tpu.memory_space<vmem>> -> memref<1x512xi32, #tpu.memory_space<vmem>>
    %dma_start3A_693 = tpu.memref_squeeze %dma_start3A_692 : memref<1x512xi32, #tpu.memory_space<vmem>> -> memref<512xi32, #tpu.memory_space<vmem>>
    %dma_start3A_694 = arith.constant 0 : i32
    %dma_start3A_695 = arith.constant 0 : i32
    %dma_start3A_696 = tpu.memref_slice %arg3[%dma_start3A_694, %dma_start3A_695] : memref<1015808x32xf32, #tpu.memory_space<hbm>> -> memref<1015808x32xf32, #tpu.memory_space<hbm>>
    tpu.enqueue_indirect_dma source(%dma_start3A_696 : memref<1015808x32xf32, #tpu.memory_space<hbm>>) target(%dma_start3A_690 : memref<512x32xf32, #tpu.memory_space<vmem>>) offsets(%dma_start3A_693 : memref<512xi32, #tpu.memory_space<vmem>>) semaphore(%arg7 : memref<!tpu.dma_semaphore, #tpu.memory_space<semaphore_mem>>)
    %dma_wait3A_697 = arith.constant 12 : i32
    %dma_wait3A_698 = arith.constant 0 : i32
    %dma_wait3A_699 = arith.constant 0 : i32
    %dma_wait3A_700 = arith.constant 0 : i32
    %dma_wait3A_701 = tpu.memref_slice %arg6[%dma_wait3A_698, %dma_wait3A_699, %dma_wait3A_700] : memref<2x512x32xf32, #tpu.memory_space<vmem>> -> memref<1x512x32xf32, #tpu.memory_space<vmem>>
    %dma_wait3A_702 = tpu.memref_squeeze %dma_wait3A_701 : memref<1x512x32xf32, #tpu.memory_space<vmem>> -> memref<512x32xf32, #tpu.memory_space<vmem>>
    %dma_wait3A_703 = arith.constant 0 : i32
    %dma_wait3A_704 = tpu.memref_slice %arg5[%dma_wait3A_697, %dma_wait3A_703] : memref<20x512xi32, #tpu.memory_space<vmem>> -> memref<1x512xi32, #tpu.memory_space<vmem>>
    %dma_wait3A_705 = tpu.memref_squeeze %dma_wait3A_704 : memref<1x512xi32, #tpu.memory_space<vmem>> -> memref<512xi32, #tpu.memory_space<vmem>>
    %dma_wait3A_706 = arith.constant 0 : i32
    %dma_wait3A_707 = arith.constant 0 : i32
    %dma_wait3A_708 = tpu.memref_slice %arg3[%dma_wait3A_706, %dma_wait3A_707] : memref<1015808x32xf32, #tpu.memory_space<hbm>> -> memref<1015808x32xf32, #tpu.memory_space<hbm>>
    tpu.wait_indirect_dma semaphore(%arg7 : memref<!tpu.dma_semaphore, #tpu.memory_space<semaphore_mem>>) src(%dma_wait3A_708 : memref<1015808x32xf32, #tpu.memory_space<hbm>>) dst(%dma_wait3A_702 : memref<512x32xf32, #tpu.memory_space<vmem>>)
    %dma_start3A_709 = arith.constant 0 : i32
    %dma_start3A_710 = arith.constant 12 : i32
    %dma_start3A_711 = arith.constant 0 : i32
    %dma_start3A_712 = arith.constant 0 : i32
    %dma_start3A_713 = tpu.memref_slice %arg6[%dma_start3A_709, %dma_start3A_711, %dma_start3A_712] : memref<2x512x32xf32, #tpu.memory_space<vmem>> -> memref<1x512x32xf32, #tpu.memory_space<vmem>>
    %dma_start3A_714 = tpu.memref_squeeze %dma_start3A_713 : memref<1x512x32xf32, #tpu.memory_space<vmem>> -> memref<512x32xf32, #tpu.memory_space<vmem>>
    %dma_start3A_715 = arith.constant 0 : i32
    %dma_start3A_716 = tpu.memref_slice %arg4[%mul3A_2, %dma_start3A_710, %dma_start3A_715] : memref<16384x20x32xf32, #tpu.memory_space<hbm>> -> memref<512x1x32xf32, #tpu.memory_space<hbm>>
    %dma_start3A_717 = tpu.memref_squeeze %dma_start3A_716 : memref<512x1x32xf32, #tpu.memory_space<hbm>> -> memref<512x32xf32, #tpu.memory_space<hbm>>
    %dma_start3A_718 = arith.constant 0 : i32
    %dma_start3A_719 = tpu.memref_slice %arg4[%mul3A_2, %dma_start3A_710, %dma_start3A_718] : memref<16384x20x32xf32, #tpu.memory_space<hbm>> -> memref<512x1x32xf32, #tpu.memory_space<hbm>>
    %dma_start3A_720 = tpu.memref_squeeze %dma_start3A_719 : memref<512x1x32xf32, #tpu.memory_space<hbm>> -> memref<512x32xf32, #tpu.memory_space<hbm>>
    %dma_start3A_721 = arith.constant 0 : i32
    %dma_start3A_722 = arith.constant 0 : i32
    %dma_start3A_723 = tpu.memref_slice %arg6[%dma_start3A_709, %dma_start3A_721, %dma_start3A_722] : memref<2x512x32xf32, #tpu.memory_space<vmem>> -> memref<1x512x32xf32, #tpu.memory_space<vmem>>
    %dma_start3A_724 = tpu.memref_squeeze %dma_start3A_723 : memref<1x512x32xf32, #tpu.memory_space<vmem>> -> memref<512x32xf32, #tpu.memory_space<vmem>>
    tpu.enqueue_dma source(%dma_start3A_724 : memref<512x32xf32, #tpu.memory_space<vmem>>) target(%dma_start3A_720 : memref<512x32xf32, #tpu.memory_space<hbm>>) target_semaphore(%arg8 : memref<!tpu.dma_semaphore, #tpu.memory_space<semaphore_mem>>)
    %dma_wait3A_725 = arith.constant 0 : i32
    %dma_wait3A_726 = arith.constant 12 : i32
    %dma_wait3A_727 = arith.constant 0 : i32
    %dma_wait3A_728 = arith.constant 0 : i32
    %dma_wait3A_729 = tpu.memref_slice %arg6[%dma_wait3A_725, %dma_wait3A_727, %dma_wait3A_728] : memref<2x512x32xf32, #tpu.memory_space<vmem>> -> memref<1x512x32xf32, #tpu.memory_space<vmem>>
    %dma_wait3A_730 = tpu.memref_squeeze %dma_wait3A_729 : memref<1x512x32xf32, #tpu.memory_space<vmem>> -> memref<512x32xf32, #tpu.memory_space<vmem>>
    %dma_wait3A_731 = arith.constant 0 : i32
    %dma_wait3A_732 = tpu.memref_slice %arg4[%mul3A_2, %dma_wait3A_726, %dma_wait3A_731] : memref<16384x20x32xf32, #tpu.memory_space<hbm>> -> memref<512x1x32xf32, #tpu.memory_space<hbm>>
    %dma_wait3A_733 = tpu.memref_squeeze %dma_wait3A_732 : memref<512x1x32xf32, #tpu.memory_space<hbm>> -> memref<512x32xf32, #tpu.memory_space<hbm>>
    %dma_wait3A_734 = arith.constant 0 : i32
    %dma_wait3A_735 = tpu.memref_slice %arg4[%mul3A_2, %dma_wait3A_726, %dma_wait3A_734] : memref<16384x20x32xf32, #tpu.memory_space<hbm>> -> memref<512x1x32xf32, #tpu.memory_space<hbm>>
    %dma_wait3A_736 = tpu.memref_squeeze %dma_wait3A_735 : memref<512x1x32xf32, #tpu.memory_space<hbm>> -> memref<512x32xf32, #tpu.memory_space<hbm>>
    %dma_wait3A_737 = arith.constant 0 : i32
    %dma_wait3A_738 = arith.constant 0 : i32
    %dma_wait3A_739 = tpu.memref_slice %arg6[%dma_wait3A_725, %dma_wait3A_737, %dma_wait3A_738] : memref<2x512x32xf32, #tpu.memory_space<vmem>> -> memref<1x512x32xf32, #tpu.memory_space<vmem>>
    %dma_wait3A_740 = tpu.memref_squeeze %dma_wait3A_739 : memref<1x512x32xf32, #tpu.memory_space<vmem>> -> memref<512x32xf32, #tpu.memory_space<vmem>>
    tpu.wait_dma2 semaphore(%arg8 : memref<!tpu.dma_semaphore, #tpu.memory_space<semaphore_mem>>) src(%dma_wait3A_740 : memref<512x32xf32, #tpu.memory_space<vmem>>) dst(%dma_wait3A_736 : memref<512x32xf32, #tpu.memory_space<hbm>>)
    %dma_start3A_741 = arith.constant 14 : i32
    %dma_start3A_742 = arith.constant 0 : i32
    %dma_start3A_743 = arith.constant 0 : i32
    %dma_start3A_744 = arith.constant 0 : i32
    %dma_start3A_745 = tpu.memref_slice %arg6[%dma_start3A_742, %dma_start3A_743, %dma_start3A_744] : memref<2x512x32xf32, #tpu.memory_space<vmem>> -> memref<1x512x32xf32, #tpu.memory_space<vmem>>
    %dma_start3A_746 = tpu.memref_squeeze %dma_start3A_745 : memref<1x512x32xf32, #tpu.memory_space<vmem>> -> memref<512x32xf32, #tpu.memory_space<vmem>>
    %dma_start3A_747 = arith.constant 0 : i32
    %dma_start3A_748 = tpu.memref_slice %arg5[%dma_start3A_741, %dma_start3A_747] : memref<20x512xi32, #tpu.memory_space<vmem>> -> memref<1x512xi32, #tpu.memory_space<vmem>>
    %dma_start3A_749 = tpu.memref_squeeze %dma_start3A_748 : memref<1x512xi32, #tpu.memory_space<vmem>> -> memref<512xi32, #tpu.memory_space<vmem>>
    %dma_start3A_750 = arith.constant 0 : i32
    %dma_start3A_751 = arith.constant 0 : i32
    %dma_start3A_752 = tpu.memref_slice %arg3[%dma_start3A_750, %dma_start3A_751] : memref<1015808x32xf32, #tpu.memory_space<hbm>> -> memref<1015808x32xf32, #tpu.memory_space<hbm>>
    tpu.enqueue_indirect_dma source(%dma_start3A_752 : memref<1015808x32xf32, #tpu.memory_space<hbm>>) target(%dma_start3A_746 : memref<512x32xf32, #tpu.memory_space<vmem>>) offsets(%dma_start3A_749 : memref<512xi32, #tpu.memory_space<vmem>>) semaphore(%arg7 : memref<!tpu.dma_semaphore, #tpu.memory_space<semaphore_mem>>)
    %dma_wait3A_753 = arith.constant 13 : i32
    %dma_wait3A_754 = arith.constant 1 : i32
    %dma_wait3A_755 = arith.constant 0 : i32
    %dma_wait3A_756 = arith.constant 0 : i32
    %dma_wait3A_757 = tpu.memref_slice %arg6[%dma_wait3A_754, %dma_wait3A_755, %dma_wait3A_756] : memref<2x512x32xf32, #tpu.memory_space<vmem>> -> memref<1x512x32xf32, #tpu.memory_space<vmem>>
    %dma_wait3A_758 = tpu.memref_squeeze %dma_wait3A_757 : memref<1x512x32xf32, #tpu.memory_space<vmem>> -> memref<512x32xf32, #tpu.memory_space<vmem>>
    %dma_wait3A_759 = arith.constant 0 : i32
    %dma_wait3A_760 = tpu.memref_slice %arg5[%dma_wait3A_753, %dma_wait3A_759] : memref<20x512xi32, #tpu.memory_space<vmem>> -> memref<1x512xi32, #tpu.memory_space<vmem>>
    %dma_wait3A_761 = tpu.memref_squeeze %dma_wait3A_760 : memref<1x512xi32, #tpu.memory_space<vmem>> -> memref<512xi32, #tpu.memory_space<vmem>>
    %dma_wait3A_762 = arith.constant 0 : i32
    %dma_wait3A_763 = arith.constant 0 : i32
    %dma_wait3A_764 = tpu.memref_slice %arg3[%dma_wait3A_762, %dma_wait3A_763] : memref<1015808x32xf32, #tpu.memory_space<hbm>> -> memref<1015808x32xf32, #tpu.memory_space<hbm>>
    tpu.wait_indirect_dma semaphore(%arg7 : memref<!tpu.dma_semaphore, #tpu.memory_space<semaphore_mem>>) src(%dma_wait3A_764 : memref<1015808x32xf32, #tpu.memory_space<hbm>>) dst(%dma_wait3A_758 : memref<512x32xf32, #tpu.memory_space<vmem>>)
    %dma_start3A_765 = arith.constant 1 : i32
    %dma_start3A_766 = arith.constant 13 : i32
    %dma_start3A_767 = arith.constant 0 : i32
    %dma_start3A_768 = arith.constant 0 : i32
    %dma_start3A_769 = tpu.memref_slice %arg6[%dma_start3A_765, %dma_start3A_767, %dma_start3A_768] : memref<2x512x32xf32, #tpu.memory_space<vmem>> -> memref<1x512x32xf32, #tpu.memory_space<vmem>>
    %dma_start3A_770 = tpu.memref_squeeze %dma_start3A_769 : memref<1x512x32xf32, #tpu.memory_space<vmem>> -> memref<512x32xf32, #tpu.memory_space<vmem>>
    %dma_start3A_771 = arith.constant 0 : i32
    %dma_start3A_772 = tpu.memref_slice %arg4[%mul3A_2, %dma_start3A_766, %dma_start3A_771] : memref<16384x20x32xf32, #tpu.memory_space<hbm>> -> memref<512x1x32xf32, #tpu.memory_space<hbm>>
    %dma_start3A_773 = tpu.memref_squeeze %dma_start3A_772 : memref<512x1x32xf32, #tpu.memory_space<hbm>> -> memref<512x32xf32, #tpu.memory_space<hbm>>
    %dma_start3A_774 = arith.constant 0 : i32
    %dma_start3A_775 = tpu.memref_slice %arg4[%mul3A_2, %dma_start3A_766, %dma_start3A_774] : memref<16384x20x32xf32, #tpu.memory_space<hbm>> -> memref<512x1x32xf32, #tpu.memory_space<hbm>>
    %dma_start3A_776 = tpu.memref_squeeze %dma_start3A_775 : memref<512x1x32xf32, #tpu.memory_space<hbm>> -> memref<512x32xf32, #tpu.memory_space<hbm>>
    %dma_start3A_777 = arith.constant 0 : i32
    %dma_start3A_778 = arith.constant 0 : i32
    %dma_start3A_779 = tpu.memref_slice %arg6[%dma_start3A_765, %dma_start3A_777, %dma_start3A_778] : memref<2x512x32xf32, #tpu.memory_space<vmem>> -> memref<1x512x32xf32, #tpu.memory_space<vmem>>
    %dma_start3A_780 = tpu.memref_squeeze %dma_start3A_779 : memref<1x512x32xf32, #tpu.memory_space<vmem>> -> memref<512x32xf32, #tpu.memory_space<vmem>>
    tpu.enqueue_dma source(%dma_start3A_780 : memref<512x32xf32, #tpu.memory_space<vmem>>) target(%dma_start3A_776 : memref<512x32xf32, #tpu.memory_space<hbm>>) target_semaphore(%arg8 : memref<!tpu.dma_semaphore, #tpu.memory_space<semaphore_mem>>)
    %dma_wait3A_781 = arith.constant 1 : i32
    %dma_wait3A_782 = arith.constant 13 : i32
    %dma_wait3A_783 = arith.constant 0 : i32
    %dma_wait3A_784 = arith.constant 0 : i32
    %dma_wait3A_785 = tpu.memref_slice %arg6[%dma_wait3A_781, %dma_wait3A_783, %dma_wait3A_784] : memref<2x512x32xf32, #tpu.memory_space<vmem>> -> memref<1x512x32xf32, #tpu.memory_space<vmem>>
    %dma_wait3A_786 = tpu.memref_squeeze %dma_wait3A_785 : memref<1x512x32xf32, #tpu.memory_space<vmem>> -> memref<512x32xf32, #tpu.memory_space<vmem>>
    %dma_wait3A_787 = arith.constant 0 : i32
    %dma_wait3A_788 = tpu.memref_slice %arg4[%mul3A_2, %dma_wait3A_782, %dma_wait3A_787] : memref<16384x20x32xf32, #tpu.memory_space<hbm>> -> memref<512x1x32xf32, #tpu.memory_space<hbm>>
    %dma_wait3A_789 = tpu.memref_squeeze %dma_wait3A_788 : memref<512x1x32xf32, #tpu.memory_space<hbm>> -> memref<512x32xf32, #tpu.memory_space<hbm>>
    %dma_wait3A_790 = arith.constant 0 : i32
    %dma_wait3A_791 = tpu.memref_slice %arg4[%mul3A_2, %dma_wait3A_782, %dma_wait3A_790] : memref<16384x20x32xf32, #tpu.memory_space<hbm>> -> memref<512x1x32xf32, #tpu.memory_space<hbm>>
    %dma_wait3A_792 = tpu.memref_squeeze %dma_wait3A_791 : memref<512x1x32xf32, #tpu.memory_space<hbm>> -> memref<512x32xf32, #tpu.memory_space<hbm>>
    %dma_wait3A_793 = arith.constant 0 : i32
    %dma_wait3A_794 = arith.constant 0 : i32
    %dma_wait3A_795 = tpu.memref_slice %arg6[%dma_wait3A_781, %dma_wait3A_793, %dma_wait3A_794] : memref<2x512x32xf32, #tpu.memory_space<vmem>> -> memref<1x512x32xf32, #tpu.memory_space<vmem>>
    %dma_wait3A_796 = tpu.memref_squeeze %dma_wait3A_795 : memref<1x512x32xf32, #tpu.memory_space<vmem>> -> memref<512x32xf32, #tpu.memory_space<vmem>>
    tpu.wait_dma2 semaphore(%arg8 : memref<!tpu.dma_semaphore, #tpu.memory_space<semaphore_mem>>) src(%dma_wait3A_796 : memref<512x32xf32, #tpu.memory_space<vmem>>) dst(%dma_wait3A_792 : memref<512x32xf32, #tpu.memory_space<hbm>>)
    %dma_start3A_797 = arith.constant 15 : i32
    %dma_start3A_798 = arith.constant 1 : i32
    %dma_start3A_799 = arith.constant 0 : i32
    %dma_start3A_800 = arith.constant 0 : i32
    %dma_start3A_801 = tpu.memref_slice %arg6[%dma_start3A_798, %dma_start3A_799, %dma_start3A_800] : memref<2x512x32xf32, #tpu.memory_space<vmem>> -> memref<1x512x32xf32, #tpu.memory_space<vmem>>
    %dma_start3A_802 = tpu.memref_squeeze %dma_start3A_801 : memref<1x512x32xf32, #tpu.memory_space<vmem>> -> memref<512x32xf32, #tpu.memory_space<vmem>>
    %dma_start3A_803 = arith.constant 0 : i32
    %dma_start3A_804 = tpu.memref_slice %arg5[%dma_start3A_797, %dma_start3A_803] : memref<20x512xi32, #tpu.memory_space<vmem>> -> memref<1x512xi32, #tpu.memory_space<vmem>>
    %dma_start3A_805 = tpu.memref_squeeze %dma_start3A_804 : memref<1x512xi32, #tpu.memory_space<vmem>> -> memref<512xi32, #tpu.memory_space<vmem>>
    %dma_start3A_806 = arith.constant 0 : i32
    %dma_start3A_807 = arith.constant 0 : i32
    %dma_start3A_808 = tpu.memref_slice %arg3[%dma_start3A_806, %dma_start3A_807] : memref<1015808x32xf32, #tpu.memory_space<hbm>> -> memref<1015808x32xf32, #tpu.memory_space<hbm>>
    tpu.enqueue_indirect_dma source(%dma_start3A_808 : memref<1015808x32xf32, #tpu.memory_space<hbm>>) target(%dma_start3A_802 : memref<512x32xf32, #tpu.memory_space<vmem>>) offsets(%dma_start3A_805 : memref<512xi32, #tpu.memory_space<vmem>>) semaphore(%arg7 : memref<!tpu.dma_semaphore, #tpu.memory_space<semaphore_mem>>)
    %dma_wait3A_809 = arith.constant 14 : i32
    %dma_wait3A_810 = arith.constant 0 : i32
    %dma_wait3A_811 = arith.constant 0 : i32
    %dma_wait3A_812 = arith.constant 0 : i32
    %dma_wait3A_813 = tpu.memref_slice %arg6[%dma_wait3A_810, %dma_wait3A_811, %dma_wait3A_812] : memref<2x512x32xf32, #tpu.memory_space<vmem>> -> memref<1x512x32xf32, #tpu.memory_space<vmem>>
    %dma_wait3A_814 = tpu.memref_squeeze %dma_wait3A_813 : memref<1x512x32xf32, #tpu.memory_space<vmem>> -> memref<512x32xf32, #tpu.memory_space<vmem>>
    %dma_wait3A_815 = arith.constant 0 : i32
    %dma_wait3A_816 = tpu.memref_slice %arg5[%dma_wait3A_809, %dma_wait3A_815] : memref<20x512xi32, #tpu.memory_space<vmem>> -> memref<1x512xi32, #tpu.memory_space<vmem>>
    %dma_wait3A_817 = tpu.memref_squeeze %dma_wait3A_816 : memref<1x512xi32, #tpu.memory_space<vmem>> -> memref<512xi32, #tpu.memory_space<vmem>>
    %dma_wait3A_818 = arith.constant 0 : i32
    %dma_wait3A_819 = arith.constant 0 : i32
    %dma_wait3A_820 = tpu.memref_slice %arg3[%dma_wait3A_818, %dma_wait3A_819] : memref<1015808x32xf32, #tpu.memory_space<hbm>> -> memref<1015808x32xf32, #tpu.memory_space<hbm>>
    tpu.wait_indirect_dma semaphore(%arg7 : memref<!tpu.dma_semaphore, #tpu.memory_space<semaphore_mem>>) src(%dma_wait3A_820 : memref<1015808x32xf32, #tpu.memory_space<hbm>>) dst(%dma_wait3A_814 : memref<512x32xf32, #tpu.memory_space<vmem>>)
    %dma_start3A_821 = arith.constant 0 : i32
    %dma_start3A_822 = arith.constant 14 : i32
    %dma_start3A_823 = arith.constant 0 : i32
    %dma_start3A_824 = arith.constant 0 : i32
    %dma_start3A_825 = tpu.memref_slice %arg6[%dma_start3A_821, %dma_start3A_823, %dma_start3A_824] : memref<2x512x32xf32, #tpu.memory_space<vmem>> -> memref<1x512x32xf32, #tpu.memory_space<vmem>>
    %dma_start3A_826 = tpu.memref_squeeze %dma_start3A_825 : memref<1x512x32xf32, #tpu.memory_space<vmem>> -> memref<512x32xf32, #tpu.memory_space<vmem>>
    %dma_start3A_827 = arith.constant 0 : i32
    %dma_start3A_828 = tpu.memref_slice %arg4[%mul3A_2, %dma_start3A_822, %dma_start3A_827] : memref<16384x20x32xf32, #tpu.memory_space<hbm>> -> memref<512x1x32xf32, #tpu.memory_space<hbm>>
    %dma_start3A_829 = tpu.memref_squeeze %dma_start3A_828 : memref<512x1x32xf32, #tpu.memory_space<hbm>> -> memref<512x32xf32, #tpu.memory_space<hbm>>
    %dma_start3A_830 = arith.constant 0 : i32
    %dma_start3A_831 = tpu.memref_slice %arg4[%mul3A_2, %dma_start3A_822, %dma_start3A_830] : memref<16384x20x32xf32, #tpu.memory_space<hbm>> -> memref<512x1x32xf32, #tpu.memory_space<hbm>>
    %dma_start3A_832 = tpu.memref_squeeze %dma_start3A_831 : memref<512x1x32xf32, #tpu.memory_space<hbm>> -> memref<512x32xf32, #tpu.memory_space<hbm>>
    %dma_start3A_833 = arith.constant 0 : i32
    %dma_start3A_834 = arith.constant 0 : i32
    %dma_start3A_835 = tpu.memref_slice %arg6[%dma_start3A_821, %dma_start3A_833, %dma_start3A_834] : memref<2x512x32xf32, #tpu.memory_space<vmem>> -> memref<1x512x32xf32, #tpu.memory_space<vmem>>
    %dma_start3A_836 = tpu.memref_squeeze %dma_start3A_835 : memref<1x512x32xf32, #tpu.memory_space<vmem>> -> memref<512x32xf32, #tpu.memory_space<vmem>>
    tpu.enqueue_dma source(%dma_start3A_836 : memref<512x32xf32, #tpu.memory_space<vmem>>) target(%dma_start3A_832 : memref<512x32xf32, #tpu.memory_space<hbm>>) target_semaphore(%arg8 : memref<!tpu.dma_semaphore, #tpu.memory_space<semaphore_mem>>)
    %dma_wait3A_837 = arith.constant 0 : i32
    %dma_wait3A_838 = arith.constant 14 : i32
    %dma_wait3A_839 = arith.constant 0 : i32
    %dma_wait3A_840 = arith.constant 0 : i32
    %dma_wait3A_841 = tpu.memref_slice %arg6[%dma_wait3A_837, %dma_wait3A_839, %dma_wait3A_840] : memref<2x512x32xf32, #tpu.memory_space<vmem>> -> memref<1x512x32xf32, #tpu.memory_space<vmem>>
    %dma_wait3A_842 = tpu.memref_squeeze %dma_wait3A_841 : memref<1x512x32xf32, #tpu.memory_space<vmem>> -> memref<512x32xf32, #tpu.memory_space<vmem>>
    %dma_wait3A_843 = arith.constant 0 : i32
    %dma_wait3A_844 = tpu.memref_slice %arg4[%mul3A_2, %dma_wait3A_838, %dma_wait3A_843] : memref<16384x20x32xf32, #tpu.memory_space<hbm>> -> memref<512x1x32xf32, #tpu.memory_space<hbm>>
    %dma_wait3A_845 = tpu.memref_squeeze %dma_wait3A_844 : memref<512x1x32xf32, #tpu.memory_space<hbm>> -> memref<512x32xf32, #tpu.memory_space<hbm>>
    %dma_wait3A_846 = arith.constant 0 : i32
    %dma_wait3A_847 = tpu.memref_slice %arg4[%mul3A_2, %dma_wait3A_838, %dma_wait3A_846] : memref<16384x20x32xf32, #tpu.memory_space<hbm>> -> memref<512x1x32xf32, #tpu.memory_space<hbm>>
    %dma_wait3A_848 = tpu.memref_squeeze %dma_wait3A_847 : memref<512x1x32xf32, #tpu.memory_space<hbm>> -> memref<512x32xf32, #tpu.memory_space<hbm>>
    %dma_wait3A_849 = arith.constant 0 : i32
    %dma_wait3A_850 = arith.constant 0 : i32
    %dma_wait3A_851 = tpu.memref_slice %arg6[%dma_wait3A_837, %dma_wait3A_849, %dma_wait3A_850] : memref<2x512x32xf32, #tpu.memory_space<vmem>> -> memref<1x512x32xf32, #tpu.memory_space<vmem>>
    %dma_wait3A_852 = tpu.memref_squeeze %dma_wait3A_851 : memref<1x512x32xf32, #tpu.memory_space<vmem>> -> memref<512x32xf32, #tpu.memory_space<vmem>>
    tpu.wait_dma2 semaphore(%arg8 : memref<!tpu.dma_semaphore, #tpu.memory_space<semaphore_mem>>) src(%dma_wait3A_852 : memref<512x32xf32, #tpu.memory_space<vmem>>) dst(%dma_wait3A_848 : memref<512x32xf32, #tpu.memory_space<hbm>>)
    %dma_start3A_853 = arith.constant 16 : i32
    %dma_start3A_854 = arith.constant 0 : i32
    %dma_start3A_855 = arith.constant 0 : i32
    %dma_start3A_856 = arith.constant 0 : i32
    %dma_start3A_857 = tpu.memref_slice %arg6[%dma_start3A_854, %dma_start3A_855, %dma_start3A_856] : memref<2x512x32xf32, #tpu.memory_space<vmem>> -> memref<1x512x32xf32, #tpu.memory_space<vmem>>
    %dma_start3A_858 = tpu.memref_squeeze %dma_start3A_857 : memref<1x512x32xf32, #tpu.memory_space<vmem>> -> memref<512x32xf32, #tpu.memory_space<vmem>>
    %dma_start3A_859 = arith.constant 0 : i32
    %dma_start3A_860 = tpu.memref_slice %arg5[%dma_start3A_853, %dma_start3A_859] : memref<20x512xi32, #tpu.memory_space<vmem>> -> memref<1x512xi32, #tpu.memory_space<vmem>>
    %dma_start3A_861 = tpu.memref_squeeze %dma_start3A_860 : memref<1x512xi32, #tpu.memory_space<vmem>> -> memref<512xi32, #tpu.memory_space<vmem>>
    %dma_start3A_862 = arith.constant 0 : i32
    %dma_start3A_863 = arith.constant 0 : i32
    %dma_start3A_864 = tpu.memref_slice %arg3[%dma_start3A_862, %dma_start3A_863] : memref<1015808x32xf32, #tpu.memory_space<hbm>> -> memref<1015808x32xf32, #tpu.memory_space<hbm>>
    tpu.enqueue_indirect_dma source(%dma_start3A_864 : memref<1015808x32xf32, #tpu.memory_space<hbm>>) target(%dma_start3A_858 : memref<512x32xf32, #tpu.memory_space<vmem>>) offsets(%dma_start3A_861 : memref<512xi32, #tpu.memory_space<vmem>>) semaphore(%arg7 : memref<!tpu.dma_semaphore, #tpu.memory_space<semaphore_mem>>)
    %dma_wait3A_865 = arith.constant 15 : i32
    %dma_wait3A_866 = arith.constant 1 : i32
    %dma_wait3A_867 = arith.constant 0 : i32
    %dma_wait3A_868 = arith.constant 0 : i32
    %dma_wait3A_869 = tpu.memref_slice %arg6[%dma_wait3A_866, %dma_wait3A_867, %dma_wait3A_868] : memref<2x512x32xf32, #tpu.memory_space<vmem>> -> memref<1x512x32xf32, #tpu.memory_space<vmem>>
    %dma_wait3A_870 = tpu.memref_squeeze %dma_wait3A_869 : memref<1x512x32xf32, #tpu.memory_space<vmem>> -> memref<512x32xf32, #tpu.memory_space<vmem>>
    %dma_wait3A_871 = arith.constant 0 : i32
    %dma_wait3A_872 = tpu.memref_slice %arg5[%dma_wait3A_865, %dma_wait3A_871] : memref<20x512xi32, #tpu.memory_space<vmem>> -> memref<1x512xi32, #tpu.memory_space<vmem>>
    %dma_wait3A_873 = tpu.memref_squeeze %dma_wait3A_872 : memref<1x512xi32, #tpu.memory_space<vmem>> -> memref<512xi32, #tpu.memory_space<vmem>>
    %dma_wait3A_874 = arith.constant 0 : i32
    %dma_wait3A_875 = arith.constant 0 : i32
    %dma_wait3A_876 = tpu.memref_slice %arg3[%dma_wait3A_874, %dma_wait3A_875] : memref<1015808x32xf32, #tpu.memory_space<hbm>> -> memref<1015808x32xf32, #tpu.memory_space<hbm>>
    tpu.wait_indirect_dma semaphore(%arg7 : memref<!tpu.dma_semaphore, #tpu.memory_space<semaphore_mem>>) src(%dma_wait3A_876 : memref<1015808x32xf32, #tpu.memory_space<hbm>>) dst(%dma_wait3A_870 : memref<512x32xf32, #tpu.memory_space<vmem>>)
    %dma_start3A_877 = arith.constant 1 : i32
    %dma_start3A_878 = arith.constant 15 : i32
    %dma_start3A_879 = arith.constant 0 : i32
    %dma_start3A_880 = arith.constant 0 : i32
    %dma_start3A_881 = tpu.memref_slice %arg6[%dma_start3A_877, %dma_start3A_879, %dma_start3A_880] : memref<2x512x32xf32, #tpu.memory_space<vmem>> -> memref<1x512x32xf32, #tpu.memory_space<vmem>>
    %dma_start3A_882 = tpu.memref_squeeze %dma_start3A_881 : memref<1x512x32xf32, #tpu.memory_space<vmem>> -> memref<512x32xf32, #tpu.memory_space<vmem>>
    %dma_start3A_883 = arith.constant 0 : i32
    %dma_start3A_884 = tpu.memref_slice %arg4[%mul3A_2, %dma_start3A_878, %dma_start3A_883] : memref<16384x20x32xf32, #tpu.memory_space<hbm>> -> memref<512x1x32xf32, #tpu.memory_space<hbm>>
    %dma_start3A_885 = tpu.memref_squeeze %dma_start3A_884 : memref<512x1x32xf32, #tpu.memory_space<hbm>> -> memref<512x32xf32, #tpu.memory_space<hbm>>
    %dma_start3A_886 = arith.constant 0 : i32
    %dma_start3A_887 = tpu.memref_slice %arg4[%mul3A_2, %dma_start3A_878, %dma_start3A_886] : memref<16384x20x32xf32, #tpu.memory_space<hbm>> -> memref<512x1x32xf32, #tpu.memory_space<hbm>>
    %dma_start3A_888 = tpu.memref_squeeze %dma_start3A_887 : memref<512x1x32xf32, #tpu.memory_space<hbm>> -> memref<512x32xf32, #tpu.memory_space<hbm>>
    %dma_start3A_889 = arith.constant 0 : i32
    %dma_start3A_890 = arith.constant 0 : i32
    %dma_start3A_891 = tpu.memref_slice %arg6[%dma_start3A_877, %dma_start3A_889, %dma_start3A_890] : memref<2x512x32xf32, #tpu.memory_space<vmem>> -> memref<1x512x32xf32, #tpu.memory_space<vmem>>
    %dma_start3A_892 = tpu.memref_squeeze %dma_start3A_891 : memref<1x512x32xf32, #tpu.memory_space<vmem>> -> memref<512x32xf32, #tpu.memory_space<vmem>>
    tpu.enqueue_dma source(%dma_start3A_892 : memref<512x32xf32, #tpu.memory_space<vmem>>) target(%dma_start3A_888 : memref<512x32xf32, #tpu.memory_space<hbm>>) target_semaphore(%arg8 : memref<!tpu.dma_semaphore, #tpu.memory_space<semaphore_mem>>)
    %dma_wait3A_893 = arith.constant 1 : i32
    %dma_wait3A_894 = arith.constant 15 : i32
    %dma_wait3A_895 = arith.constant 0 : i32
    %dma_wait3A_896 = arith.constant 0 : i32
    %dma_wait3A_897 = tpu.memref_slice %arg6[%dma_wait3A_893, %dma_wait3A_895, %dma_wait3A_896] : memref<2x512x32xf32, #tpu.memory_space<vmem>> -> memref<1x512x32xf32, #tpu.memory_space<vmem>>
    %dma_wait3A_898 = tpu.memref_squeeze %dma_wait3A_897 : memref<1x512x32xf32, #tpu.memory_space<vmem>> -> memref<512x32xf32, #tpu.memory_space<vmem>>
    %dma_wait3A_899 = arith.constant 0 : i32
    %dma_wait3A_900 = tpu.memref_slice %arg4[%mul3A_2, %dma_wait3A_894, %dma_wait3A_899] : memref<16384x20x32xf32, #tpu.memory_space<hbm>> -> memref<512x1x32xf32, #tpu.memory_space<hbm>>
    %dma_wait3A_901 = tpu.memref_squeeze %dma_wait3A_900 : memref<512x1x32xf32, #tpu.memory_space<hbm>> -> memref<512x32xf32, #tpu.memory_space<hbm>>
    %dma_wait3A_902 = arith.constant 0 : i32
    %dma_wait3A_903 = tpu.memref_slice %arg4[%mul3A_2, %dma_wait3A_894, %dma_wait3A_902] : memref<16384x20x32xf32, #tpu.memory_space<hbm>> -> memref<512x1x32xf32, #tpu.memory_space<hbm>>
    %dma_wait3A_904 = tpu.memref_squeeze %dma_wait3A_903 : memref<512x1x32xf32, #tpu.memory_space<hbm>> -> memref<512x32xf32, #tpu.memory_space<hbm>>
    %dma_wait3A_905 = arith.constant 0 : i32
    %dma_wait3A_906 = arith.constant 0 : i32
    %dma_wait3A_907 = tpu.memref_slice %arg6[%dma_wait3A_893, %dma_wait3A_905, %dma_wait3A_906] : memref<2x512x32xf32, #tpu.memory_space<vmem>> -> memref<1x512x32xf32, #tpu.memory_space<vmem>>
    %dma_wait3A_908 = tpu.memref_squeeze %dma_wait3A_907 : memref<1x512x32xf32, #tpu.memory_space<vmem>> -> memref<512x32xf32, #tpu.memory_space<vmem>>
    tpu.wait_dma2 semaphore(%arg8 : memref<!tpu.dma_semaphore, #tpu.memory_space<semaphore_mem>>) src(%dma_wait3A_908 : memref<512x32xf32, #tpu.memory_space<vmem>>) dst(%dma_wait3A_904 : memref<512x32xf32, #tpu.memory_space<hbm>>)
    %dma_start3A_909 = arith.constant 17 : i32
    %dma_start3A_910 = arith.constant 1 : i32
    %dma_start3A_911 = arith.constant 0 : i32
    %dma_start3A_912 = arith.constant 0 : i32
    %dma_start3A_913 = tpu.memref_slice %arg6[%dma_start3A_910, %dma_start3A_911, %dma_start3A_912] : memref<2x512x32xf32, #tpu.memory_space<vmem>> -> memref<1x512x32xf32, #tpu.memory_space<vmem>>
    %dma_start3A_914 = tpu.memref_squeeze %dma_start3A_913 : memref<1x512x32xf32, #tpu.memory_space<vmem>> -> memref<512x32xf32, #tpu.memory_space<vmem>>
    %dma_start3A_915 = arith.constant 0 : i32
    %dma_start3A_916 = tpu.memref_slice %arg5[%dma_start3A_909, %dma_start3A_915] : memref<20x512xi32, #tpu.memory_space<vmem>> -> memref<1x512xi32, #tpu.memory_space<vmem>>
    %dma_start3A_917 = tpu.memref_squeeze %dma_start3A_916 : memref<1x512xi32, #tpu.memory_space<vmem>> -> memref<512xi32, #tpu.memory_space<vmem>>
    %dma_start3A_918 = arith.constant 0 : i32
    %dma_start3A_919 = arith.constant 0 : i32
    %dma_start3A_920 = tpu.memref_slice %arg3[%dma_start3A_918, %dma_start3A_919] : memref<1015808x32xf32, #tpu.memory_space<hbm>> -> memref<1015808x32xf32, #tpu.memory_space<hbm>>
    tpu.enqueue_indirect_dma source(%dma_start3A_920 : memref<1015808x32xf32, #tpu.memory_space<hbm>>) target(%dma_start3A_914 : memref<512x32xf32, #tpu.memory_space<vmem>>) offsets(%dma_start3A_917 : memref<512xi32, #tpu.memory_space<vmem>>) semaphore(%arg7 : memref<!tpu.dma_semaphore, #tpu.memory_space<semaphore_mem>>)
    %dma_wait3A_921 = arith.constant 16 : i32
    %dma_wait3A_922 = arith.constant 0 : i32
    %dma_wait3A_923 = arith.constant 0 : i32
    %dma_wait3A_924 = arith.constant 0 : i32
    %dma_wait3A_925 = tpu.memref_slice %arg6[%dma_wait3A_922, %dma_wait3A_923, %dma_wait3A_924] : memref<2x512x32xf32, #tpu.memory_space<vmem>> -> memref<1x512x32xf32, #tpu.memory_space<vmem>>
    %dma_wait3A_926 = tpu.memref_squeeze %dma_wait3A_925 : memref<1x512x32xf32, #tpu.memory_space<vmem>> -> memref<512x32xf32, #tpu.memory_space<vmem>>
    %dma_wait3A_927 = arith.constant 0 : i32
    %dma_wait3A_928 = tpu.memref_slice %arg5[%dma_wait3A_921, %dma_wait3A_927] : memref<20x512xi32, #tpu.memory_space<vmem>> -> memref<1x512xi32, #tpu.memory_space<vmem>>
    %dma_wait3A_929 = tpu.memref_squeeze %dma_wait3A_928 : memref<1x512xi32, #tpu.memory_space<vmem>> -> memref<512xi32, #tpu.memory_space<vmem>>
    %dma_wait3A_930 = arith.constant 0 : i32
    %dma_wait3A_931 = arith.constant 0 : i32
    %dma_wait3A_932 = tpu.memref_slice %arg3[%dma_wait3A_930, %dma_wait3A_931] : memref<1015808x32xf32, #tpu.memory_space<hbm>> -> memref<1015808x32xf32, #tpu.memory_space<hbm>>
    tpu.wait_indirect_dma semaphore(%arg7 : memref<!tpu.dma_semaphore, #tpu.memory_space<semaphore_mem>>) src(%dma_wait3A_932 : memref<1015808x32xf32, #tpu.memory_space<hbm>>) dst(%dma_wait3A_926 : memref<512x32xf32, #tpu.memory_space<vmem>>)
    %dma_start3A_933 = arith.constant 0 : i32
    %dma_start3A_934 = arith.constant 16 : i32
    %dma_start3A_935 = arith.constant 0 : i32
    %dma_start3A_936 = arith.constant 0 : i32
    %dma_start3A_937 = tpu.memref_slice %arg6[%dma_start3A_933, %dma_start3A_935, %dma_start3A_936] : memref<2x512x32xf32, #tpu.memory_space<vmem>> -> memref<1x512x32xf32, #tpu.memory_space<vmem>>
    %dma_start3A_938 = tpu.memref_squeeze %dma_start3A_937 : memref<1x512x32xf32, #tpu.memory_space<vmem>> -> memref<512x32xf32, #tpu.memory_space<vmem>>
    %dma_start3A_939 = arith.constant 0 : i32
    %dma_start3A_940 = tpu.memref_slice %arg4[%mul3A_2, %dma_start3A_934, %dma_start3A_939] : memref<16384x20x32xf32, #tpu.memory_space<hbm>> -> memref<512x1x32xf32, #tpu.memory_space<hbm>>
    %dma_start3A_941 = tpu.memref_squeeze %dma_start3A_940 : memref<512x1x32xf32, #tpu.memory_space<hbm>> -> memref<512x32xf32, #tpu.memory_space<hbm>>
    %dma_start3A_942 = arith.constant 0 : i32
    %dma_start3A_943 = tpu.memref_slice %arg4[%mul3A_2, %dma_start3A_934, %dma_start3A_942] : memref<16384x20x32xf32, #tpu.memory_space<hbm>> -> memref<512x1x32xf32, #tpu.memory_space<hbm>>
    %dma_start3A_944 = tpu.memref_squeeze %dma_start3A_943 : memref<512x1x32xf32, #tpu.memory_space<hbm>> -> memref<512x32xf32, #tpu.memory_space<hbm>>
    %dma_start3A_945 = arith.constant 0 : i32
    %dma_start3A_946 = arith.constant 0 : i32
    %dma_start3A_947 = tpu.memref_slice %arg6[%dma_start3A_933, %dma_start3A_945, %dma_start3A_946] : memref<2x512x32xf32, #tpu.memory_space<vmem>> -> memref<1x512x32xf32, #tpu.memory_space<vmem>>
    %dma_start3A_948 = tpu.memref_squeeze %dma_start3A_947 : memref<1x512x32xf32, #tpu.memory_space<vmem>> -> memref<512x32xf32, #tpu.memory_space<vmem>>
    tpu.enqueue_dma source(%dma_start3A_948 : memref<512x32xf32, #tpu.memory_space<vmem>>) target(%dma_start3A_944 : memref<512x32xf32, #tpu.memory_space<hbm>>) target_semaphore(%arg8 : memref<!tpu.dma_semaphore, #tpu.memory_space<semaphore_mem>>)
    %dma_wait3A_949 = arith.constant 0 : i32
    %dma_wait3A_950 = arith.constant 16 : i32
    %dma_wait3A_951 = arith.constant 0 : i32
    %dma_wait3A_952 = arith.constant 0 : i32
    %dma_wait3A_953 = tpu.memref_slice %arg6[%dma_wait3A_949, %dma_wait3A_951, %dma_wait3A_952] : memref<2x512x32xf32, #tpu.memory_space<vmem>> -> memref<1x512x32xf32, #tpu.memory_space<vmem>>
    %dma_wait3A_954 = tpu.memref_squeeze %dma_wait3A_953 : memref<1x512x32xf32, #tpu.memory_space<vmem>> -> memref<512x32xf32, #tpu.memory_space<vmem>>
    %dma_wait3A_955 = arith.constant 0 : i32
    %dma_wait3A_956 = tpu.memref_slice %arg4[%mul3A_2, %dma_wait3A_950, %dma_wait3A_955] : memref<16384x20x32xf32, #tpu.memory_space<hbm>> -> memref<512x1x32xf32, #tpu.memory_space<hbm>>
    %dma_wait3A_957 = tpu.memref_squeeze %dma_wait3A_956 : memref<512x1x32xf32, #tpu.memory_space<hbm>> -> memref<512x32xf32, #tpu.memory_space<hbm>>
    %dma_wait3A_958 = arith.constant 0 : i32
    %dma_wait3A_959 = tpu.memref_slice %arg4[%mul3A_2, %dma_wait3A_950, %dma_wait3A_958] : memref<16384x20x32xf32, #tpu.memory_space<hbm>> -> memref<512x1x32xf32, #tpu.memory_space<hbm>>
    %dma_wait3A_960 = tpu.memref_squeeze %dma_wait3A_959 : memref<512x1x32xf32, #tpu.memory_space<hbm>> -> memref<512x32xf32, #tpu.memory_space<hbm>>
    %dma_wait3A_961 = arith.constant 0 : i32
    %dma_wait3A_962 = arith.constant 0 : i32
    %dma_wait3A_963 = tpu.memref_slice %arg6[%dma_wait3A_949, %dma_wait3A_961, %dma_wait3A_962] : memref<2x512x32xf32, #tpu.memory_space<vmem>> -> memref<1x512x32xf32, #tpu.memory_space<vmem>>
    %dma_wait3A_964 = tpu.memref_squeeze %dma_wait3A_963 : memref<1x512x32xf32, #tpu.memory_space<vmem>> -> memref<512x32xf32, #tpu.memory_space<vmem>>
    tpu.wait_dma2 semaphore(%arg8 : memref<!tpu.dma_semaphore, #tpu.memory_space<semaphore_mem>>) src(%dma_wait3A_964 : memref<512x32xf32, #tpu.memory_space<vmem>>) dst(%dma_wait3A_960 : memref<512x32xf32, #tpu.memory_space<hbm>>)
    %dma_start3A_965 = arith.constant 18 : i32
    %dma_start3A_966 = arith.constant 0 : i32
    %dma_start3A_967 = arith.constant 0 : i32
    %dma_start3A_968 = arith.constant 0 : i32
    %dma_start3A_969 = tpu.memref_slice %arg6[%dma_start3A_966, %dma_start3A_967, %dma_start3A_968] : memref<2x512x32xf32, #tpu.memory_space<vmem>> -> memref<1x512x32xf32, #tpu.memory_space<vmem>>
    %dma_start3A_970 = tpu.memref_squeeze %dma_start3A_969 : memref<1x512x32xf32, #tpu.memory_space<vmem>> -> memref<512x32xf32, #tpu.memory_space<vmem>>
    %dma_start3A_971 = arith.constant 0 : i32
    %dma_start3A_972 = tpu.memref_slice %arg5[%dma_start3A_965, %dma_start3A_971] : memref<20x512xi32, #tpu.memory_space<vmem>> -> memref<1x512xi32, #tpu.memory_space<vmem>>
    %dma_start3A_973 = tpu.memref_squeeze %dma_start3A_972 : memref<1x512xi32, #tpu.memory_space<vmem>> -> memref<512xi32, #tpu.memory_space<vmem>>
    %dma_start3A_974 = arith.constant 0 : i32
    %dma_start3A_975 = arith.constant 0 : i32
    %dma_start3A_976 = tpu.memref_slice %arg3[%dma_start3A_974, %dma_start3A_975] : memref<1015808x32xf32, #tpu.memory_space<hbm>> -> memref<1015808x32xf32, #tpu.memory_space<hbm>>
    tpu.enqueue_indirect_dma source(%dma_start3A_976 : memref<1015808x32xf32, #tpu.memory_space<hbm>>) target(%dma_start3A_970 : memref<512x32xf32, #tpu.memory_space<vmem>>) offsets(%dma_start3A_973 : memref<512xi32, #tpu.memory_space<vmem>>) semaphore(%arg7 : memref<!tpu.dma_semaphore, #tpu.memory_space<semaphore_mem>>)
    %dma_wait3A_977 = arith.constant 17 : i32
    %dma_wait3A_978 = arith.constant 1 : i32
    %dma_wait3A_979 = arith.constant 0 : i32
    %dma_wait3A_980 = arith.constant 0 : i32
    %dma_wait3A_981 = tpu.memref_slice %arg6[%dma_wait3A_978, %dma_wait3A_979, %dma_wait3A_980] : memref<2x512x32xf32, #tpu.memory_space<vmem>> -> memref<1x512x32xf32, #tpu.memory_space<vmem>>
    %dma_wait3A_982 = tpu.memref_squeeze %dma_wait3A_981 : memref<1x512x32xf32, #tpu.memory_space<vmem>> -> memref<512x32xf32, #tpu.memory_space<vmem>>
    %dma_wait3A_983 = arith.constant 0 : i32
    %dma_wait3A_984 = tpu.memref_slice %arg5[%dma_wait3A_977, %dma_wait3A_983] : memref<20x512xi32, #tpu.memory_space<vmem>> -> memref<1x512xi32, #tpu.memory_space<vmem>>
    %dma_wait3A_985 = tpu.memref_squeeze %dma_wait3A_984 : memref<1x512xi32, #tpu.memory_space<vmem>> -> memref<512xi32, #tpu.memory_space<vmem>>
    %dma_wait3A_986 = arith.constant 0 : i32
    %dma_wait3A_987 = arith.constant 0 : i32
    %dma_wait3A_988 = tpu.memref_slice %arg3[%dma_wait3A_986, %dma_wait3A_987] : memref<1015808x32xf32, #tpu.memory_space<hbm>> -> memref<1015808x32xf32, #tpu.memory_space<hbm>>
    tpu.wait_indirect_dma semaphore(%arg7 : memref<!tpu.dma_semaphore, #tpu.memory_space<semaphore_mem>>) src(%dma_wait3A_988 : memref<1015808x32xf32, #tpu.memory_space<hbm>>) dst(%dma_wait3A_982 : memref<512x32xf32, #tpu.memory_space<vmem>>)
    %dma_start3A_989 = arith.constant 1 : i32
    %dma_start3A_990 = arith.constant 17 : i32
    %dma_start3A_991 = arith.constant 0 : i32
    %dma_start3A_992 = arith.constant 0 : i32
    %dma_start3A_993 = tpu.memref_slice %arg6[%dma_start3A_989, %dma_start3A_991, %dma_start3A_992] : memref<2x512x32xf32, #tpu.memory_space<vmem>> -> memref<1x512x32xf32, #tpu.memory_space<vmem>>
    %dma_start3A_994 = tpu.memref_squeeze %dma_start3A_993 : memref<1x512x32xf32, #tpu.memory_space<vmem>> -> memref<512x32xf32, #tpu.memory_space<vmem>>
    %dma_start3A_995 = arith.constant 0 : i32
    %dma_start3A_996 = tpu.memref_slice %arg4[%mul3A_2, %dma_start3A_990, %dma_start3A_995] : memref<16384x20x32xf32, #tpu.memory_space<hbm>> -> memref<512x1x32xf32, #tpu.memory_space<hbm>>
    %dma_start3A_997 = tpu.memref_squeeze %dma_start3A_996 : memref<512x1x32xf32, #tpu.memory_space<hbm>> -> memref<512x32xf32, #tpu.memory_space<hbm>>
    %dma_start3A_998 = arith.constant 0 : i32
    %dma_start3A_999 = tpu.memref_slice %arg4[%mul3A_2, %dma_start3A_990, %dma_start3A_998] : memref<16384x20x32xf32, #tpu.memory_space<hbm>> -> memref<512x1x32xf32, #tpu.memory_space<hbm>>
    %dma_start3A_1000 = tpu.memref_squeeze %dma_start3A_999 : memref<512x1x32xf32, #tpu.memory_space<hbm>> -> memref<512x32xf32, #tpu.memory_space<hbm>>
    %dma_start3A_1001 = arith.constant 0 : i32
    %dma_start3A_1002 = arith.constant 0 : i32
    %dma_start3A_1003 = tpu.memref_slice %arg6[%dma_start3A_989, %dma_start3A_1001, %dma_start3A_1002] : memref<2x512x32xf32, #tpu.memory_space<vmem>> -> memref<1x512x32xf32, #tpu.memory_space<vmem>>
    %dma_start3A_1004 = tpu.memref_squeeze %dma_start3A_1003 : memref<1x512x32xf32, #tpu.memory_space<vmem>> -> memref<512x32xf32, #tpu.memory_space<vmem>>
    tpu.enqueue_dma source(%dma_start3A_1004 : memref<512x32xf32, #tpu.memory_space<vmem>>) target(%dma_start3A_1000 : memref<512x32xf32, #tpu.memory_space<hbm>>) target_semaphore(%arg8 : memref<!tpu.dma_semaphore, #tpu.memory_space<semaphore_mem>>)
    %dma_wait3A_1005 = arith.constant 1 : i32
    %dma_wait3A_1006 = arith.constant 17 : i32
    %dma_wait3A_1007 = arith.constant 0 : i32
    %dma_wait3A_1008 = arith.constant 0 : i32
    %dma_wait3A_1009 = tpu.memref_slice %arg6[%dma_wait3A_1005, %dma_wait3A_1007, %dma_wait3A_1008] : memref<2x512x32xf32, #tpu.memory_space<vmem>> -> memref<1x512x32xf32, #tpu.memory_space<vmem>>
    %dma_wait3A_1010 = tpu.memref_squeeze %dma_wait3A_1009 : memref<1x512x32xf32, #tpu.memory_space<vmem>> -> memref<512x32xf32, #tpu.memory_space<vmem>>
    %dma_wait3A_1011 = arith.constant 0 : i32
    %dma_wait3A_1012 = tpu.memref_slice %arg4[%mul3A_2, %dma_wait3A_1006, %dma_wait3A_1011] : memref<16384x20x32xf32, #tpu.memory_space<hbm>> -> memref<512x1x32xf32, #tpu.memory_space<hbm>>
    %dma_wait3A_1013 = tpu.memref_squeeze %dma_wait3A_1012 : memref<512x1x32xf32, #tpu.memory_space<hbm>> -> memref<512x32xf32, #tpu.memory_space<hbm>>
    %dma_wait3A_1014 = arith.constant 0 : i32
    %dma_wait3A_1015 = tpu.memref_slice %arg4[%mul3A_2, %dma_wait3A_1006, %dma_wait3A_1014] : memref<16384x20x32xf32, #tpu.memory_space<hbm>> -> memref<512x1x32xf32, #tpu.memory_space<hbm>>
    %dma_wait3A_1016 = tpu.memref_squeeze %dma_wait3A_1015 : memref<512x1x32xf32, #tpu.memory_space<hbm>> -> memref<512x32xf32, #tpu.memory_space<hbm>>
    %dma_wait3A_1017 = arith.constant 0 : i32
    %dma_wait3A_1018 = arith.constant 0 : i32
    %dma_wait3A_1019 = tpu.memref_slice %arg6[%dma_wait3A_1005, %dma_wait3A_1017, %dma_wait3A_1018] : memref<2x512x32xf32, #tpu.memory_space<vmem>> -> memref<1x512x32xf32, #tpu.memory_space<vmem>>
    %dma_wait3A_1020 = tpu.memref_squeeze %dma_wait3A_1019 : memref<1x512x32xf32, #tpu.memory_space<vmem>> -> memref<512x32xf32, #tpu.memory_space<vmem>>
    tpu.wait_dma2 semaphore(%arg8 : memref<!tpu.dma_semaphore, #tpu.memory_space<semaphore_mem>>) src(%dma_wait3A_1020 : memref<512x32xf32, #tpu.memory_space<vmem>>) dst(%dma_wait3A_1016 : memref<512x32xf32, #tpu.memory_space<hbm>>)
    %dma_start3A_1021 = arith.constant 19 : i32
    %dma_start3A_1022 = arith.constant 1 : i32
    %dma_start3A_1023 = arith.constant 0 : i32
    %dma_start3A_1024 = arith.constant 0 : i32
    %dma_start3A_1025 = tpu.memref_slice %arg6[%dma_start3A_1022, %dma_start3A_1023, %dma_start3A_1024] : memref<2x512x32xf32, #tpu.memory_space<vmem>> -> memref<1x512x32xf32, #tpu.memory_space<vmem>>
    %dma_start3A_1026 = tpu.memref_squeeze %dma_start3A_1025 : memref<1x512x32xf32, #tpu.memory_space<vmem>> -> memref<512x32xf32, #tpu.memory_space<vmem>>
    %dma_start3A_1027 = arith.constant 0 : i32
    %dma_start3A_1028 = tpu.memref_slice %arg5[%dma_start3A_1021, %dma_start3A_1027] : memref<20x512xi32, #tpu.memory_space<vmem>> -> memref<1x512xi32, #tpu.memory_space<vmem>>
    %dma_start3A_1029 = tpu.memref_squeeze %dma_start3A_1028 : memref<1x512xi32, #tpu.memory_space<vmem>> -> memref<512xi32, #tpu.memory_space<vmem>>
    %dma_start3A_1030 = arith.constant 0 : i32
    %dma_start3A_1031 = arith.constant 0 : i32
    %dma_start3A_1032 = tpu.memref_slice %arg3[%dma_start3A_1030, %dma_start3A_1031] : memref<1015808x32xf32, #tpu.memory_space<hbm>> -> memref<1015808x32xf32, #tpu.memory_space<hbm>>
    tpu.enqueue_indirect_dma source(%dma_start3A_1032 : memref<1015808x32xf32, #tpu.memory_space<hbm>>) target(%dma_start3A_1026 : memref<512x32xf32, #tpu.memory_space<vmem>>) offsets(%dma_start3A_1029 : memref<512xi32, #tpu.memory_space<vmem>>) semaphore(%arg7 : memref<!tpu.dma_semaphore, #tpu.memory_space<semaphore_mem>>)
    %dma_wait3A_1033 = arith.constant 18 : i32
    %dma_wait3A_1034 = arith.constant 0 : i32
    %dma_wait3A_1035 = arith.constant 0 : i32
    %dma_wait3A_1036 = arith.constant 0 : i32
    %dma_wait3A_1037 = tpu.memref_slice %arg6[%dma_wait3A_1034, %dma_wait3A_1035, %dma_wait3A_1036] : memref<2x512x32xf32, #tpu.memory_space<vmem>> -> memref<1x512x32xf32, #tpu.memory_space<vmem>>
    %dma_wait3A_1038 = tpu.memref_squeeze %dma_wait3A_1037 : memref<1x512x32xf32, #tpu.memory_space<vmem>> -> memref<512x32xf32, #tpu.memory_space<vmem>>
    %dma_wait3A_1039 = arith.constant 0 : i32
    %dma_wait3A_1040 = tpu.memref_slice %arg5[%dma_wait3A_1033, %dma_wait3A_1039] : memref<20x512xi32, #tpu.memory_space<vmem>> -> memref<1x512xi32, #tpu.memory_space<vmem>>
    %dma_wait3A_1041 = tpu.memref_squeeze %dma_wait3A_1040 : memref<1x512xi32, #tpu.memory_space<vmem>> -> memref<512xi32, #tpu.memory_space<vmem>>
    %dma_wait3A_1042 = arith.constant 0 : i32
    %dma_wait3A_1043 = arith.constant 0 : i32
    %dma_wait3A_1044 = tpu.memref_slice %arg3[%dma_wait3A_1042, %dma_wait3A_1043] : memref<1015808x32xf32, #tpu.memory_space<hbm>> -> memref<1015808x32xf32, #tpu.memory_space<hbm>>
    tpu.wait_indirect_dma semaphore(%arg7 : memref<!tpu.dma_semaphore, #tpu.memory_space<semaphore_mem>>) src(%dma_wait3A_1044 : memref<1015808x32xf32, #tpu.memory_space<hbm>>) dst(%dma_wait3A_1038 : memref<512x32xf32, #tpu.memory_space<vmem>>)
    %dma_start3A_1045 = arith.constant 0 : i32
    %dma_start3A_1046 = arith.constant 18 : i32
    %dma_start3A_1047 = arith.constant 0 : i32
    %dma_start3A_1048 = arith.constant 0 : i32
    %dma_start3A_1049 = tpu.memref_slice %arg6[%dma_start3A_1045, %dma_start3A_1047, %dma_start3A_1048] : memref<2x512x32xf32, #tpu.memory_space<vmem>> -> memref<1x512x32xf32, #tpu.memory_space<vmem>>
    %dma_start3A_1050 = tpu.memref_squeeze %dma_start3A_1049 : memref<1x512x32xf32, #tpu.memory_space<vmem>> -> memref<512x32xf32, #tpu.memory_space<vmem>>
    %dma_start3A_1051 = arith.constant 0 : i32
    %dma_start3A_1052 = tpu.memref_slice %arg4[%mul3A_2, %dma_start3A_1046, %dma_start3A_1051] : memref<16384x20x32xf32, #tpu.memory_space<hbm>> -> memref<512x1x32xf32, #tpu.memory_space<hbm>>
    %dma_start3A_1053 = tpu.memref_squeeze %dma_start3A_1052 : memref<512x1x32xf32, #tpu.memory_space<hbm>> -> memref<512x32xf32, #tpu.memory_space<hbm>>
    %dma_start3A_1054 = arith.constant 0 : i32
    %dma_start3A_1055 = tpu.memref_slice %arg4[%mul3A_2, %dma_start3A_1046, %dma_start3A_1054] : memref<16384x20x32xf32, #tpu.memory_space<hbm>> -> memref<512x1x32xf32, #tpu.memory_space<hbm>>
    %dma_start3A_1056 = tpu.memref_squeeze %dma_start3A_1055 : memref<512x1x32xf32, #tpu.memory_space<hbm>> -> memref<512x32xf32, #tpu.memory_space<hbm>>
    %dma_start3A_1057 = arith.constant 0 : i32
    %dma_start3A_1058 = arith.constant 0 : i32
    %dma_start3A_1059 = tpu.memref_slice %arg6[%dma_start3A_1045, %dma_start3A_1057, %dma_start3A_1058] : memref<2x512x32xf32, #tpu.memory_space<vmem>> -> memref<1x512x32xf32, #tpu.memory_space<vmem>>
    %dma_start3A_1060 = tpu.memref_squeeze %dma_start3A_1059 : memref<1x512x32xf32, #tpu.memory_space<vmem>> -> memref<512x32xf32, #tpu.memory_space<vmem>>
    tpu.enqueue_dma source(%dma_start3A_1060 : memref<512x32xf32, #tpu.memory_space<vmem>>) target(%dma_start3A_1056 : memref<512x32xf32, #tpu.memory_space<hbm>>) target_semaphore(%arg8 : memref<!tpu.dma_semaphore, #tpu.memory_space<semaphore_mem>>)
    %dma_wait3A_1061 = arith.constant 19 : i32
    %dma_wait3A_1062 = arith.constant 1 : i32
    %dma_wait3A_1063 = arith.constant 0 : i32
    %dma_wait3A_1064 = arith.constant 0 : i32
    %dma_wait3A_1065 = tpu.memref_slice %arg6[%dma_wait3A_1062, %dma_wait3A_1063, %dma_wait3A_1064] : memref<2x512x32xf32, #tpu.memory_space<vmem>> -> memref<1x512x32xf32, #tpu.memory_space<vmem>>
    %dma_wait3A_1066 = tpu.memref_squeeze %dma_wait3A_1065 : memref<1x512x32xf32, #tpu.memory_space<vmem>> -> memref<512x32xf32, #tpu.memory_space<vmem>>
    %dma_wait3A_1067 = arith.constant 0 : i32
    %dma_wait3A_1068 = tpu.memref_slice %arg5[%dma_wait3A_1061, %dma_wait3A_1067] : memref<20x512xi32, #tpu.memory_space<vmem>> -> memref<1x512xi32, #tpu.memory_space<vmem>>
    %dma_wait3A_1069 = tpu.memref_squeeze %dma_wait3A_1068 : memref<1x512xi32, #tpu.memory_space<vmem>> -> memref<512xi32, #tpu.memory_space<vmem>>
    %dma_wait3A_1070 = arith.constant 0 : i32
    %dma_wait3A_1071 = arith.constant 0 : i32
    %dma_wait3A_1072 = tpu.memref_slice %arg3[%dma_wait3A_1070, %dma_wait3A_1071] : memref<1015808x32xf32, #tpu.memory_space<hbm>> -> memref<1015808x32xf32, #tpu.memory_space<hbm>>
    tpu.wait_indirect_dma semaphore(%arg7 : memref<!tpu.dma_semaphore, #tpu.memory_space<semaphore_mem>>) src(%dma_wait3A_1072 : memref<1015808x32xf32, #tpu.memory_space<hbm>>) dst(%dma_wait3A_1066 : memref<512x32xf32, #tpu.memory_space<vmem>>)
    %dma_start3A_1073 = arith.constant 1 : i32
    %dma_start3A_1074 = arith.constant 19 : i32
    %dma_start3A_1075 = arith.constant 0 : i32
    %dma_start3A_1076 = arith.constant 0 : i32
    %dma_start3A_1077 = tpu.memref_slice %arg6[%dma_start3A_1073, %dma_start3A_1075, %dma_start3A_1076] : memref<2x512x32xf32, #tpu.memory_space<vmem>> -> memref<1x512x32xf32, #tpu.memory_space<vmem>>
    %dma_start3A_1078 = tpu.memref_squeeze %dma_start3A_1077 : memref<1x512x32xf32, #tpu.memory_space<vmem>> -> memref<512x32xf32, #tpu.memory_space<vmem>>
    %dma_start3A_1079 = arith.constant 0 : i32
    %dma_start3A_1080 = tpu.memref_slice %arg4[%mul3A_2, %dma_start3A_1074, %dma_start3A_1079] : memref<16384x20x32xf32, #tpu.memory_space<hbm>> -> memref<512x1x32xf32, #tpu.memory_space<hbm>>
    %dma_start3A_1081 = tpu.memref_squeeze %dma_start3A_1080 : memref<512x1x32xf32, #tpu.memory_space<hbm>> -> memref<512x32xf32, #tpu.memory_space<hbm>>
    %dma_start3A_1082 = arith.constant 0 : i32
    %dma_start3A_1083 = tpu.memref_slice %arg4[%mul3A_2, %dma_start3A_1074, %dma_start3A_1082] : memref<16384x20x32xf32, #tpu.memory_space<hbm>> -> memref<512x1x32xf32, #tpu.memory_space<hbm>>
    %dma_start3A_1084 = tpu.memref_squeeze %dma_start3A_1083 : memref<512x1x32xf32, #tpu.memory_space<hbm>> -> memref<512x32xf32, #tpu.memory_space<hbm>>
    %dma_start3A_1085 = arith.constant 0 : i32
    %dma_start3A_1086 = arith.constant 0 : i32
    %dma_start3A_1087 = tpu.memref_slice %arg6[%dma_start3A_1073, %dma_start3A_1085, %dma_start3A_1086] : memref<2x512x32xf32, #tpu.memory_space<vmem>> -> memref<1x512x32xf32, #tpu.memory_space<vmem>>
    %dma_start3A_1088 = tpu.memref_squeeze %dma_start3A_1087 : memref<1x512x32xf32, #tpu.memory_space<vmem>> -> memref<512x32xf32, #tpu.memory_space<vmem>>
    tpu.enqueue_dma source(%dma_start3A_1088 : memref<512x32xf32, #tpu.memory_space<vmem>>) target(%dma_start3A_1084 : memref<512x32xf32, #tpu.memory_space<hbm>>) target_semaphore(%arg8 : memref<!tpu.dma_semaphore, #tpu.memory_space<semaphore_mem>>)
    %dma_wait3A_1089 = arith.constant 0 : i32
    %dma_wait3A_1090 = arith.constant 18 : i32
    %dma_wait3A_1091 = arith.constant 0 : i32
    %dma_wait3A_1092 = arith.constant 0 : i32
    %dma_wait3A_1093 = tpu.memref_slice %arg6[%dma_wait3A_1089, %dma_wait3A_1091, %dma_wait3A_1092] : memref<2x512x32xf32, #tpu.memory_space<vmem>> -> memref<1x512x32xf32, #tpu.memory_space<vmem>>
    %dma_wait3A_1094 = tpu.memref_squeeze %dma_wait3A_1093 : memref<1x512x32xf32, #tpu.memory_space<vmem>> -> memref<512x32xf32, #tpu.memory_space<vmem>>
    %dma_wait3A_1095 = arith.constant 0 : i32
    %dma_wait3A_1096 = tpu.memref_slice %arg4[%mul3A_2, %dma_wait3A_1090, %dma_wait3A_1095] : memref<16384x20x32xf32, #tpu.memory_space<hbm>> -> memref<512x1x32xf32, #tpu.memory_space<hbm>>
    %dma_wait3A_1097 = tpu.memref_squeeze %dma_wait3A_1096 : memref<512x1x32xf32, #tpu.memory_space<hbm>> -> memref<512x32xf32, #tpu.memory_space<hbm>>
    %dma_wait3A_1098 = arith.constant 0 : i32
    %dma_wait3A_1099 = tpu.memref_slice %arg4[%mul3A_2, %dma_wait3A_1090, %dma_wait3A_1098] : memref<16384x20x32xf32, #tpu.memory_space<hbm>> -> memref<512x1x32xf32, #tpu.memory_space<hbm>>
    %dma_wait3A_1100 = tpu.memref_squeeze %dma_wait3A_1099 : memref<512x1x32xf32, #tpu.memory_space<hbm>> -> memref<512x32xf32, #tpu.memory_space<hbm>>
    %dma_wait3A_1101 = arith.constant 0 : i32
    %dma_wait3A_1102 = arith.constant 0 : i32
    %dma_wait3A_1103 = tpu.memref_slice %arg6[%dma_wait3A_1089, %dma_wait3A_1101, %dma_wait3A_1102] : memref<2x512x32xf32, #tpu.memory_space<vmem>> -> memref<1x512x32xf32, #tpu.memory_space<vmem>>
    %dma_wait3A_1104 = tpu.memref_squeeze %dma_wait3A_1103 : memref<1x512x32xf32, #tpu.memory_space<vmem>> -> memref<512x32xf32, #tpu.memory_space<vmem>>
    tpu.wait_dma2 semaphore(%arg8 : memref<!tpu.dma_semaphore, #tpu.memory_space<semaphore_mem>>) src(%dma_wait3A_1104 : memref<512x32xf32, #tpu.memory_space<vmem>>) dst(%dma_wait3A_1100 : memref<512x32xf32, #tpu.memory_space<hbm>>)
    %dma_wait3A_1105 = arith.constant 1 : i32
    %dma_wait3A_1106 = arith.constant 19 : i32
    %dma_wait3A_1107 = arith.constant 0 : i32
    %dma_wait3A_1108 = arith.constant 0 : i32
    %dma_wait3A_1109 = tpu.memref_slice %arg6[%dma_wait3A_1105, %dma_wait3A_1107, %dma_wait3A_1108] : memref<2x512x32xf32, #tpu.memory_space<vmem>> -> memref<1x512x32xf32, #tpu.memory_space<vmem>>
    %dma_wait3A_1110 = tpu.memref_squeeze %dma_wait3A_1109 : memref<1x512x32xf32, #tpu.memory_space<vmem>> -> memref<512x32xf32, #tpu.memory_space<vmem>>
    %dma_wait3A_1111 = arith.constant 0 : i32
    %dma_wait3A_1112 = tpu.memref_slice %arg4[%mul3A_2, %dma_wait3A_1106, %dma_wait3A_1111] : memref<16384x20x32xf32, #tpu.memory_space<hbm>> -> memref<512x1x32xf32, #tpu.memory_space<hbm>>
    %dma_wait3A_1113 = tpu.memref_squeeze %dma_wait3A_1112 : memref<512x1x32xf32, #tpu.memory_space<hbm>> -> memref<512x32xf32, #tpu.memory_space<hbm>>
    %dma_wait3A_1114 = arith.constant 0 : i32
    %dma_wait3A_1115 = tpu.memref_slice %arg4[%mul3A_2, %dma_wait3A_1106, %dma_wait3A_1114] : memref<16384x20x32xf32, #tpu.memory_space<hbm>> -> memref<512x1x32xf32, #tpu.memory_space<hbm>>
    %dma_wait3A_1116 = tpu.memref_squeeze %dma_wait3A_1115 : memref<512x1x32xf32, #tpu.memory_space<hbm>> -> memref<512x32xf32, #tpu.memory_space<hbm>>
    %dma_wait3A_1117 = arith.constant 0 : i32
    %dma_wait3A_1118 = arith.constant 0 : i32
    %dma_wait3A_1119 = tpu.memref_slice %arg6[%dma_wait3A_1105, %dma_wait3A_1117, %dma_wait3A_1118] : memref<2x512x32xf32, #tpu.memory_space<vmem>> -> memref<1x512x32xf32, #tpu.memory_space<vmem>>
    %dma_wait3A_1120 = tpu.memref_squeeze %dma_wait3A_1119 : memref<1x512x32xf32, #tpu.memory_space<vmem>> -> memref<512x32xf32, #tpu.memory_space<vmem>>
    tpu.wait_dma2 semaphore(%arg8 : memref<!tpu.dma_semaphore, #tpu.memory_space<semaphore_mem>>) src(%dma_wait3A_1120 : memref<512x32xf32, #tpu.memory_space<vmem>>) dst(%dma_wait3A_1116 : memref<512x32xf32, #tpu.memory_space<hbm>>)
    return
  }
}

module attributes {stable_mosaic.version = 14 : i64} {
  func.func @_format_body(%arg0: i32, %arg1: memref<32x32768xf32, #tpu.memory_space<vmem>>, %arg2: memref<8192x128xf32, #tpu.memory_space<vmem>>) attributes {dimension_semantics = [#tpu.dimension_semantics<arbitrary>], iteration_bounds = array<i64: 31>, scalar_prefetch = 0 : i64, scratch_operands = 0 : i64, tpu.core_type = #tpu.core_type<tc>, window_params = [{transform_indices = @transform_0, window_bounds = array<i64: 32, 32768>}, {transform_indices = @transform_1, window_bounds = array<i64: 8192, 128>}]} {
    %get3A = arith.constant 0 : index
    %get3A_0 = arith.constant 0 : index
    %get3A_1 = vector.load %arg1[%get3A, %get3A_0] : memref<32x32768xf32, #tpu.memory_space<vmem>>, vector<32x32768xf32>
    %slice3A = vector.extract_strided_slice %get3A_1 {offsets = [0, 0], sizes = [32, 8192], strides = [1, 1]} : vector<32x32768xf32> to vector<32x8192xf32>
    %transpose3A = tpu.transpose %slice3A, [1, 0] : vector<32x8192xf32> -> vector<8192x32xf32>
    %swap3A = arith.constant 0 : index
    %swap3A_2 = arith.constant 0 : index
    %swap3A_3 = vector.load %arg2[%swap3A, %swap3A_2] : memref<8192x128xf32, #tpu.memory_space<vmem>>, vector<8192x32xf32>
    tpu.vector_store %arg2[%swap3A, %swap3A_2], %transpose3A {strides = array<i32>} : memref<8192x128xf32, #tpu.memory_space<vmem>>, vector<8192x32xf32>,
    %slice3A_4 = vector.extract_strided_slice %get3A_1 {offsets = [0, 8192], sizes = [32, 8192], strides = [1, 1]} : vector<32x32768xf32> to vector<32x8192xf32>
    %transpose3A_5 = tpu.transpose %slice3A_4, [1, 0] : vector<32x8192xf32> -> vector<8192x32xf32>
    %swap3A_6 = arith.constant 0 : index
    %swap3A_7 = arith.constant 32 : index
    %swap3A_8 = vector.load %arg2[%swap3A_6, %swap3A_7] : memref<8192x128xf32, #tpu.memory_space<vmem>>, vector<8192x32xf32>
    tpu.vector_store %arg2[%swap3A_6, %swap3A_7], %transpose3A_5 {strides = array<i32>} : memref<8192x128xf32, #tpu.memory_space<vmem>>, vector<8192x32xf32>,
    %slice3A_9 = vector.extract_strided_slice %get3A_1 {offsets = [0, 16384], sizes = [32, 8192], strides = [1, 1]} : vector<32x32768xf32> to vector<32x8192xf32>
    %transpose3A_10 = tpu.transpose %slice3A_9, [1, 0] : vector<32x8192xf32> -> vector<8192x32xf32>
    %swap3A_11 = arith.constant 0 : index
    %swap3A_12 = arith.constant 64 : index
    %swap3A_13 = vector.load %arg2[%swap3A_11, %swap3A_12] : memref<8192x128xf32, #tpu.memory_space<vmem>>, vector<8192x32xf32>
    tpu.vector_store %arg2[%swap3A_11, %swap3A_12], %transpose3A_10 {strides = array<i32>} : memref<8192x128xf32, #tpu.memory_space<vmem>>, vector<8192x32xf32>,
    %slice3A_14 = vector.extract_strided_slice %get3A_1 {offsets = [0, 24576], sizes = [32, 8192], strides = [1, 1]} : vector<32x32768xf32> to vector<32x8192xf32>
    %transpose3A_15 = tpu.transpose %slice3A_14, [1, 0] : vector<32x8192xf32> -> vector<8192x32xf32>
    %swap3A_16 = arith.constant 0 : index
    %swap3A_17 = arith.constant 96 : index
    %swap3A_18 = vector.load %arg2[%swap3A_16, %swap3A_17] : memref<8192x128xf32, #tpu.memory_space<vmem>>, vector<8192x32xf32>
    tpu.vector_store %arg2[%swap3A_16, %swap3A_17], %transpose3A_15 {strides = array<i32>} : memref<8192x128xf32, #tpu.memory_space<vmem>>, vector<8192x32xf32>,
    return
  }
  func.func @transform_0(%arg0: i32) -> (i32, i32) {
    %c0_i32 = arith.constant 0 : i32
    %c0_i32_0 = arith.constant 0 : i32
    return %c0_i32, %arg0 : i32, i32
  }
  func.func @transform_1(%arg0: i32) -> (i32, i32) {
    %c0_i32 = arith.constant 0 : i32
    %c0_i32_0 = arith.constant 0 : i32
    return %arg0, %c0_i32 : i32, i32
  }
}

</mosaic_0001>

<sc_bundles>
// kernel: kernel.4.cloned.1.call-start
scs
__scs_entry_jumppad:
0x0: {  	(pc) =	sbr.rel $0x88, $3  }
0x1: {  	(tag) =	ssettag $0x0;
	lr =	simm.s32 $0x1  }
0x2: {  	[smem:$0x3F9F] =	sst lr;
	_ =	strace $0xD0000000  }
0x3: {  	_ = 	snop  }
0x4: {  	_ = 	snop  }
0x5: {  	_ = 	snop  }
0x6: {  	_ = 	snop  }
0x7: {  	_ = 	snop  }
__scs_overlays_trampoline_lowered:
0x8: {  	[smem:$0x3FAE] =	sst s0  }
0x9: {  	[smem:$0x3FAF] =	sst s1  }
0xa: {  	[smem:$0x3FB0] =	sst s2  }
0xb: {  	[smem:$0x3FB1] =	sst s3  }
0xc: {  	[smem:$0x3FB2] =	sst s4  }
0xd: {  	[smem:$0x3FB3] =	sst s5  }
0xe: {  	[smem:$0x3FB4] =	sst s6  }
0xf: {  	[smem:$0x3FB5] =	sst s7  }
0x10: {  	[smem:$0x3FB6] =	sst s8  }
0x11: {  	[smem:$0x3FB7] =	sst s9;
	s0 =	simm.s32 @!p0 $0x0  }
0x12: {  	s1 =	sld [smem:$0x3F9D];
	s0 =	simm.s32 @p0 $0x1  }
0x13: {  	[smem:$0x3FB8] =	sst s0;
	s0 =	simm.s32 @!p1 $0x0  }
0x14: {  	s2 =	sld [smem:$0x3F9C];
	s0 =	simm.s32 @p1 $0x1  }
0x15: {  	[smem:$0x3FB9] =	sst s0;
	s0 =	simm.s32 @!p2 $0x0  }
0x16: {  	s3 =	sld [smem:$0x3FDB];
	s0 =	simm.s32 @p2 $0x1  }
0x17: {  	s4 =	simm.s32 $0x1BF5;
	[smem:$0x3FBB] =	sst s0  }
0x18: {  	s0 =	sld [smem:$0x3F9E];
	_ =	swait.ge [sflag:s4], $0x0  }
0x19: {  	s7 =	sld [smem:$0x3F9F]  }
0x1a: {  	s8 =	sadd.s32 $0xFFFFE003, lr  }
0x1b: {  	s9 =	sadd.s32 $0xFFFFFEF7, lr;
	s5 =	simm.s32 $0xFFFFFFFF;
	p2 =	slt.u32 s8, $0xFFFFF086  }
0x1c: {  	p1 =	slt.u32 s9, $0xF7A;
	s5 =	simm.s32 @!p2 $0x0  }
0x1d: {  	s5 =	simm.s32 @p1 $0x1;
	p0 =	seq.s32 s7, s2  }
0x1e: {  	s7 =	smul.u32 @!p0 $0xF7A, s2;
	p2 =	seq.s32 @!p0 s5, $0x0  }
0x1f: {  	s9 =	smul.u32 $0xF7A, s1;
	s8 =	simm.s32 @!p0 $0x1BF5;
	p2 =	por !p2, p0  }
0x20: {  	[sflag:s8] =	ssyncset.s32 @!p0 $0xFFFFF086;
	s6 =	sadd.s32 @!p0 s3, s7;
	s7 =	simm.s32 @!p0 $0x108  }
0x21: {  	s3 =	sadd.s32 s3, s9;
	s6 =	sadd.s32 @!p0 $0x88, s6;
	s7 =	simm.s32 @p2 $0x1082  }
0x22: {  	[simem:s7], [sflag:s8] =	dma.local @!p0 [hbm:s6], $0xF7A  }
0x23: {  	s9 =	sor.u32 $0xD0000000, s2;
	s6 =	simm.s32 $0x108;
	_ =	swait.ge @!p0 [sflag:s8], $0x0  }
0x24: {  	s3 =	sadd.s32 $0x88, s3;
	s6 =	simm.s32 @!p1 $0x1082;
	[sflag:s4] =	ssyncset.s32 $0xFFFFF086  }
0x25: {  	[simem:s6], [sflag:s4] =	dma.local [hbm:s3], $0xF7A  }
0x26: {  	[smem:$0x3F9F] =	sst s1;
	(tag) =	ssettag s2;
	_ =	strace s9  }
0x27: {  	s1 =	sld [smem:$0x3FAF]  }
0x28: {  	s2 =	sld [smem:$0x3FB0]  }
0x29: {  	s4 =	sld [smem:$0x3FB2]  }
0x2a: {  	p0 =	seq.s32 s5, $0x0;
	s5 =	sld [smem:$0x3FB3]  }
0x2b: {  	s6 =	sld [smem:$0x3FB4]  }
0x2c: {  	s7 =	sld [smem:$0x3FB5]  }
0x2d: {  	s3 =	simm.s32 $0x108;
	s8 =	sld [smem:$0x3FB6]  }
0x2e: {  	s3 =	simm.s32 @!p0 $0x1082;
	s9 =	sld [smem:$0x3FB7]  }
0x2f: {  	lr =	sadd.s32 s0, s3;
	s0 =	sld [smem:$0x3FAE]  }
0x30: {  	s3 =	sld [smem:$0x3FB1]  }
0x31: {  	[smem:$0x3FBA] =	sst s10  }
0x32: {  	s10 =	sld [smem:$0x3FB8];
	_ =	sdelay $0x3  }
0x33: {  	p0 =	seq.s32 s10, $0x1;
	s10 =	sld [smem:$0x3FBA];
	_ =	sdelay $0x3  }
0x34: {  	[smem:$0x3FBA] =	sst s10  }
0x35: {  	s10 =	sld [smem:$0x3FB9];
	_ =	sdelay $0x3  }
0x36: {  	p1 =	seq.s32 s10, $0x1;
	s10 =	sld [smem:$0x3FBA];
	_ =	sdelay $0x3  }
0x37: {  	[smem:$0x3FBA] =	sst s10  }
0x38: {  	s10 =	sld [smem:$0x3FBB]  }
0x39: {  	_ = 	snop;
	(pc) =	sbr.ind lr, $3  }
0x3a: {  	_ = 	snop  }
0x3b: {  	_ = 	snop  }
0x3c: {  	p2 =	seq.s32 s10, $0x1;
	s10 =	sld [smem:$0x3FBA]  }
0x3d: {  	_ =	shalt  }
0x3e: {  	_ =	shalt  }
0x3f: {  	_ =	shalt  }
0x40: {  	_ =	shalt  }
0x41: {  	_ =	shalt  }
0x42: {  	_ =	shalt  }
0x43: {  	_ =	shalt  }
0x44: {  	_ =	shalt  }
0x45: {  	_ =	shalt  }
0x46: {  	_ =	shalt  }
0x47: {  	_ =	shalt  }
0x48: {  	_ =	shalt  }
0x49: {  	_ =	shalt  }
0x4a: {  	_ =	shalt  }
0x4b: {  	_ =	shalt  }
0x4c: {  	_ =	shalt  }
0x4d: {  	_ =	shalt  }
0x4e: {  	_ =	shalt  }
0x4f: {  	_ =	shalt  }
0x50: {  	_ =	shalt  }
0x51: {  	_ =	shalt  }
0x52: {  	_ =	shalt  }
0x53: {  	_ =	shalt  }
0x54: {  	_ =	shalt  }
0x55: {  	_ =	shalt  }
0x56: {  	_ =	shalt  }
0x57: {  	_ =	shalt  }
0x58: {  	_ =	shalt  }
0x59: {  	_ =	shalt  }
0x5a: {  	_ =	shalt  }
0x5b: {  	_ =	shalt  }
0x5c: {  	_ =	shalt  }
0x5d: {  	_ =	shalt  }
0x5e: {  	_ =	shalt  }
0x5f: {  	_ =	shalt  }
0x60: {  	_ =	shalt  }
0x61: {  	_ =	shalt  }
0x62: {  	_ =	shalt  }
0x63: {  	_ =	shalt  }
0x64: {  	_ =	shalt  }
0x65: {  	_ =	shalt  }
0x66: {  	_ =	shalt  }
0x67: {  	_ =	shalt  }
0x68: {  	_ =	shalt  }
0x69: {  	_ =	shalt  }
0x6a: {  	_ =	shalt  }
0x6b: {  	_ =	shalt  }
0x6c: {  	_ =	shalt  }
0x6d: {  	_ =	shalt  }
0x6e: {  	_ =	shalt  }
0x6f: {  	_ =	shalt  }
0x70: {  	_ =	shalt  }
0x71: {  	_ =	shalt  }
0x72: {  	_ =	shalt  }
0x73: {  	_ =	shalt  }
0x74: {  	_ =	shalt  }
0x75: {  	_ =	shalt  }
0x76: {  	_ =	shalt  }
0x77: {  	_ =	shalt  }
0x78: {  	_ =	shalt  }
0x79: {  	_ =	shalt  }
0x7a: {  	_ =	shalt  }
0x7b: {  	_ =	shalt  }
0x7c: {  	_ =	shalt  }
0x7d: {  	_ =	shalt  }
0x7e: {  	_ =	shalt  }
0x7f: {  	_ =	shalt  }
0x80: {  	_ =	shalt  }
0x81: {  	_ =	shalt  }
0x82: {  	_ =	shalt  }
0x83: {  	_ =	shalt  }
0x84: {  	_ =	shalt  }
0x85: {  	_ =	shalt  }
0x86: {  	_ =	shalt  }
0x87: {  	_ =	shalt  }
.Lfunc_end0:
.L_simem_size_0:
called_computation.1_lowered:
.L_overlay_start_0:
0x88: {  	s2 =	sld [smem:$0x3FD9]  }
0x89: {  	s3 =	sld [smem:$0x3FFE];
	_ =	sdelay $0x1  }
0x8a: {  	s1 =	srdreg.scid  }
0x8b: {  	s0 =	sand.u32 $0x1, s1  }
0x8c: {  	s17 =	sshll.u32 s0, $0xA;
	s2 =	sadd.s32 s3, s2  }
0x8d: {  	s2 =	sadd.s32 s2, s17  }
0x8e: {  	[smem:$0x3FC6] =	sst s2  }
0x8f: {  	_ = 	snop  }
0x90: {  	s2 =	sld [smem:$0x3FD0];
	(tm) =	ssettm $0x1  }
0x91: {  	s18 =	sld [smem:$0x3FFB];
	_ =	sdelay $0x3  }
0x92: {  	_ =	strace s18  }
0x93: {  	s3 =	sld [smem:$0x3FFC];
	_ =	sdelay $0x3  }
0x94: {  	_ =	strace s3  }
0x95: {  	s3 =	sld [smem:$0x3FFD];
	_ =	sdelay $0x3  }
0x96: {  	_ =	strace s3  }
0x97: {  	_ =	strace $0x8FFFFFFF  }
0x98: {  	s19 =	sld [smem:$0x3FDB];
	_ =	sdelay $0x1  }
0x99: {  	s4 =	simm.s32 $_scs_section_size  }
0x9a: {  	s5 =	simm.s32 $_size__tile_overlayer_lowered;
	s6 =	simm.s32 $_tile_overlayer_lowered  }
0x9b: {  	s22 =	simm.s32 $0x1BFF;
	s21 =	sshll.u32 s6, $0x1;
	s3 =	sadd.s32 s4, s19  }
0x9c: {  	s7 =	simm.s32 $0x0;
	s20 =	sshll.u32 s5, $0x1;
	s5 =	sadd.s32 s21, s3  }
0x9d: {  	[timem:s7], [sflag:s22] =	dma.local [hbm:s5], s20  }
0x9e: {  	_ =	swait.ge [sflag:s22], s20  }
0x9f: {  	s4 =	ssub.s32 $0x0, s20;
	[sflag:s22] =	ssyncset.done $0x0  }
0xa0: {  	[sflag:s22] =	ssyncadd.s32 s4;
	_ =	sdelay $0x1  }
0xa1: {  	s23 =	simm.s32 $0x1B8B  }
0xa2: {  	_ =	swait.ge [sflag:s23], $0x1  }
0xa3: {  	[sflag:s23] =	ssyncset.done $0x0  }
0xa4: {  	s25 =	simm.s32 $0x1B8E;
	s24 =	sld [smem:$0x3FFE];
	[sflag:s23] =	ssyncadd.s32 $0xFFFFFFFF  }
0xa5: {  	s26 =	simm.s32 $execute0_lowered;
	[smem:$0x3FD2] =	sst s25  }
0xa6: {  	s5 =	sshll.u32 s26, $0x1;
	_ =	strace $0x80000046;
	[dreg:$0x1] =	wrdreg $0xFFFFFFFF  }
0xa7: {  	s28 =	simm.s32 $_size_execute0_lowered;
	s3 =	sadd.s32 s3, s5;
	[dreg:$0x0] =	wrdreg $0x0  }
0xa8: {  	s5 =	sshll.u32 s28, $0x1;
	[dreg:$0x2] =	wrdreg s3  }
0xa9: {  	[dreg:$0x3] =	wrdreg s5  }
0xaa: {  	[dreg:$0x4] =	wrdreg $0xC0  }
0xab: {  	_ =	task [dreg:s7], $0x5FFFF  }
0xac: {  	[dreg:$0x1] =	wrdreg $0xFFFFFFFF  }
0xad: {  	[dreg:$0x0] =	wrdreg $0x60  }
0xae: {  	[dreg:$0x2] =	wrdreg s24  }
0xaf: {  	[dreg:$0x3] =	wrdreg s2  }
0xb0: {  	[dreg:$0x4] =	wrdreg $0x9  }
0xb1: {  	_ =	task.clear_ibuf [dreg:s7], $0x5FFFF;
	_ =	strace $0x90000046  }
0xb2: {  	s29 =	simm.s32 $0x9;
	_ =	strace $0x80000048  }
0xb3: {  	_ =	swait.ge [sflag:s29], $0x1  }
0xb4: {  	[sflag:s29] =	ssyncadd.s32 $0xFFFFFFFF  }
0xb5: {  	_ =	strace $0x90000048  }
0xb6: {  	_ =	sfence  }
0xb7: {  	s30 =	sld [smem:$0x0];
	_ =	sdelay $0x2  }
0xb8: {  	s31 =	sshll.u32 s1, $0xD;
	s1 =	sshrl.u32 s1, $0x2  }
0xb9: {  	s3 =	sand.u32 $0x4000, s31;
	s1 =	sadd.s32 s1, s30  }
0xba: {  	s0 =	sor.u32 s3, s0;
	s1 =	sshll.u32 s1, $0x11  }
0xbb: {  	s0 =	sor.u32 s1, s0  }
0xbc: {  	s0 =	sadd.s32 $0x8F2B, s0  }
0xbd: {  	[sflag:s0] =	ssyncadd.remote.s32 $0x1  }
0xbe: {  	_ =	sfence.sel $0xFFFF  }
0xbf: {  	[dreg:$0x0] =	wrdreg $0xFFFFFFFF;
	(pc) =	sbr.abs _section_cstart, $3  }
0xc0: {  	[dreg:$0x1] =	wrdreg $0xFFFFFFFF  }
0xc1: {  	_ =	task.clear_ibuf [dreg:s7], $0x2FFFF;
	_ =	strace $0x9FFFFFFF  }
0xc2: {  	(tm) =	ssettm $0x7FFFFFFF  }
0xc3: {  	_ =	shalt  }
tec
execute0_lowered:
.L_overlay_start_1:
0x0: {  	(tag) =	ssettag $0x1  }
0x1: {  	s0 =	srdreg.scid  }
0x2: {  	s10 =	stileid.u32;
	s0 =	sand.u32 $0x1, s0  }
0x3: {  	s1 =	rddreg [dreg:$0x0];
	s3 =	sshll.u32 s10, $0xA;
	s4 =	sshll.u32 s0, $0x9  }
0x4: {  	s2 =	rddreg [dreg:$0x1];
	s21 =	simm.s32 $0x0;
	s3 =	sor.u32 s4, s3  }
0x5: {  	[smem:$0x7FF] =	sst s21;
	s4 =	sshrl.u32 s3, $0x3;
	s3 =	smul.u32 $0x50, s3  }
0x6: {  	s26 =	simm.s32 $0x4000;
	_ =	strace $0x80000047;
	s4 =	sadd.s32 s4, s1  }
0x7: {  	[dreg:$0x17] =	wrdreg s26;
	s4 =	sadd.s32 $0x800, s4;
	s22 =	sadd.s32 s2, s3  }
0x8: {  	[dreg:$0x3] =	wrdreg s4;
	s2 =	sadd.s32 $0x4, s22  }
0x9: {  	s4 =	sadd.s32 $0x8, s22;
	[dreg:$0x4] =	wrdreg s2  }
0xa: {  	s5 =	sadd.s32 $0xC, s22;
	[dreg:$0x5] =	wrdreg s4  }
0xb: {  	s6 =	sadd.s32 $0x10, s22;
	[dreg:$0x6] =	wrdreg s5  }
0xc: {  	s7 =	sadd.s32 $0x14, s22;
	[dreg:$0x7] =	wrdreg s6  }
0xd: {  	s8 =	sadd.s32 $0x18, s22;
	[dreg:$0x8] =	wrdreg s7  }
0xe: {  	s9 =	sadd.s32 $0x1C, s22;
	[dreg:$0x9] =	wrdreg s8  }
0xf: {  	s31 =	simm.s32 $0x3;
	s11 =	sadd.s32 $0x20, s22;
	[dreg:$0xa] =	wrdreg s9  }
0x10: {  	s30 =	simm.s32 $0x600;
	s12 =	sadd.s32 $0x24, s22;
	[dreg:$0xb] =	wrdreg s11  }
0x11: {  	s29 =	simm.s32 $0x800;
	s13 =	sadd.s32 $0x28, s22;
	[dreg:$0xc] =	wrdreg s12  }
0x12: {  	s28 =	simm.s32 $0xA00;
	s14 =	sadd.s32 $0x2C, s22;
	[dreg:$0xd] =	wrdreg s13  }
0x13: {  	p0 =	por $0x0, $0x0;
	s15 =	sadd.s32 $0x30, s22;
	[dreg:$0xe] =	wrdreg s14  }
0x14: {  	s0 =	ssub.s32 $0x2, s0;
	s16 =	sadd.s32 $0x34, s22;
	[dreg:$0xf] =	wrdreg s15  }
0x15: {  	s26 =	simm.s32 $0xC00;
	s17 =	sadd.s32 $0x38, s22;
	[dreg:$0x10] =	wrdreg s16  }
0x16: {  	s24 =	sshrl.u32 s0, $0x1;
	s18 =	sadd.s32 $0x3C, s22;
	[dreg:$0x11] =	wrdreg s17  }
0x17: {  	s0 =	ssub.s32 s0, s24;
	s19 =	sadd.s32 $0x40, s22;
	[dreg:$0x12] =	wrdreg s18  }
0x18: {  	s24 =	simm.s32 $0x1000;
	s20 =	sadd.s32 $0x44, s22;
	[dreg:$0x13] =	wrdreg s19  }
0x19: {  	s0 =	smax.u32 s0, $0x1;
	s23 =	sadd.s32 $0x48, s22;
	[dreg:$0x14] =	wrdreg s20  }
0x1a: {  	s3 =	simm.s32 $0x6800;
	s25 =	sadd.s32 $0x4C, s22;
	[dreg:$0x15] =	wrdreg s23  }
0x1b: {  	p1 =	sne.s32 s0, $0x1;
	s4 =	sadd.s32 $0xA800, s1;
	[dreg:$0x16] =	wrdreg s25  }
0x1c: {  	s9 =	simm.s32 $0x200;
	s8 =	simm.s32 $0x2800;
	s5 =	simm.s32 $0x1  }
0x1d: {  	s6 =	simm.s32 $0x20;
	s7 =	simm.s32 $0x280;
	s2 =	simm.s32 $0x2  }
.Ltmp0:
0x1e: {  	s25 =	simm.s32 $0xE00;
	s23 =	simm.s32 $0x1200;
	(pc) =	sbr.rel @!p1 .LBB2_1-.Ltmp0, $4  }
0x1f: {  	s20 =	simm.s32 $0x1400;
	s19 =	simm.s32 $0x1600;
	s18 =	simm.s32 $0x1800  }
0x20: {  	s17 =	simm.s32 $0x1A00;
	s1 =	sadd.s32 $0xFFFFFFFF, s0;
	s16 =	simm.s32 $0x1C00  }
0x21: {  	s15 =	simm.s32 $0x1E00;
	s14 =	simm.s32 $0x2000;
	s13 =	simm.s32 $0x2200  }
0x22: {  	s12 =	simm.s32 $0x2400;
	s11 =	simm.s32 $0x2600;
	s0 =	rddreg [dreg:$0x3]  }
0x23: {  	s10 =	smov.u32 s1;
	s1 =	rddreg [dreg:$0x17]  }
0x24: {  	[tilespmem:s21], [sflag:$0x3] =	stream.strided.gather [hbm4b:s0+s9], $0x2800, s1, s9, $0x38;
	[tilespmem:$0xA800] =	vst v63  }
0x25: {  	_ =	swait.ge [sflag:s31], $0x2800  }
0x26: {  	[sflag:s31] =	ssyncset.done $0x0  }
0x27: {  	[sflag:s31] =	ssyncadd.s32 $0xFFFFD800  }
0x28: {  	[tilespmem:s8], [sflag:$0x1] =	stream.indirect.gather [hbm4b:s4+s9], $0x20, s21, s9, $0xb8;
	[tilespmem:$0xA800] =	vst v63  }
0x29: {  	_ = 	snop  }
0x2a: {  	[tilespmem:s3], [sflag:$0x1] =	stream.indirect.gather [hbm4b:s4+s9], $0x20, s9, s9, $0xb8;
	[tilespmem:$0xA800] =	vst v63  }
0x2b: {  	_ =	swait.ge [sflag:s5], $0x4000  }
0x2c: {  	[sflag:s5] =	ssyncset.done $0x0  }
0x2d: {  	[sflag:s5] =	ssyncadd.s32 $0xFFFFC000  }
0x2e: {  	[hbm4b:s22+s6] =	stream.strided.scatter [tilespmem:s8], [sflag:$0x2], $0x4000, s7, s6, $0x38;
	[tilespmem:$0xA800] =	vst v63  }
0x2f: {  	_ =	swait.ge [sflag:s2], $0x4000  }
0x30: {  	[sflag:s2] =	ssyncset.done $0x0  }
0x31: {  	s1 =	simm.s32 $0x400;
	[sflag:s2] =	ssyncadd.s32 $0xFFFFC000  }
0x32: {  	[tilespmem:s8], [sflag:$0x1] =	stream.indirect.gather [hbm4b:s4+s9], $0x20, s1, s9, $0xb8;
	[tilespmem:$0xA800] =	vst v63  }
0x33: {  	_ =	swait.ge [sflag:s5], $0x4000  }
0x34: {  	[sflag:s5] =	ssyncset.done $0x0  }
0x35: {  	s1 =	rddreg [dreg:$0x4];
	[sflag:s5] =	ssyncadd.s32 $0xFFFFC000  }
0x36: {  	[hbm4b:s1+s6] =	stream.strided.scatter [tilespmem:s3], [sflag:$0x2], $0x4000, s7, s6, $0x38;
	[tilespmem:$0xA800] =	vst v63  }
0x37: {  	_ =	swait.ge [sflag:s2], $0x4000  }
0x38: {  	[sflag:s2] =	ssyncset.done $0x0  }
0x39: {  	[sflag:s2] =	ssyncadd.s32 $0xFFFFC000  }
0x3a: {  	[tilespmem:s3], [sflag:$0x1] =	stream.indirect.gather [hbm4b:s4+s9], $0x20, s30, s9, $0xb8;
	[tilespmem:$0xA800] =	vst v63  }
0x3b: {  	_ =	swait.ge [sflag:s5], $0x4000  }
0x3c: {  	[sflag:s5] =	ssyncset.done $0x0  }
0x3d: {  	s1 =	rddreg [dreg:$0x5];
	[sflag:s5] =	ssyncadd.s32 $0xFFFFC000  }
0x3e: {  	[hbm4b:s1+s6] =	stream.strided.scatter [tilespmem:s8], [sflag:$0x2], $0x4000, s7, s6, $0x38;
	[tilespmem:$0xA800] =	vst v63  }
0x3f: {  	_ =	swait.ge [sflag:s2], $0x4000  }
0x40: {  	[sflag:s2] =	ssyncset.done $0x0  }
0x41: {  	[sflag:s2] =	ssyncadd.s32 $0xFFFFC000  }
0x42: {  	[tilespmem:s8], [sflag:$0x1] =	stream.indirect.gather [hbm4b:s4+s9], $0x20, s29, s9, $0xb8;
	[tilespmem:$0xA800] =	vst v63  }
0x43: {  	_ =	swait.ge [sflag:s5], $0x4000  }
0x44: {  	[sflag:s5] =	ssyncset.done $0x0  }
0x45: {  	s1 =	rddreg [dreg:$0x6];
	[sflag:s5] =	ssyncadd.s32 $0xFFFFC000  }
0x46: {  	[hbm4b:s1+s6] =	stream.strided.scatter [tilespmem:s3], [sflag:$0x2], $0x4000, s7, s6, $0x38;
	[tilespmem:$0xA800] =	vst v63  }
0x47: {  	_ =	swait.ge [sflag:s2], $0x4000  }
0x48: {  	[sflag:s2] =	ssyncset.done $0x0  }
0x49: {  	[sflag:s2] =	ssyncadd.s32 $0xFFFFC000  }
0x4a: {  	[tilespmem:s3], [sflag:$0x1] =	stream.indirect.gather [hbm4b:s4+s9], $0x20, s28, s9, $0xb8;
	[tilespmem:$0xA800] =	vst v63  }
0x4b: {  	_ =	swait.ge [sflag:s5], $0x4000  }
0x4c: {  	[sflag:s5] =	ssyncset.done $0x0  }
0x4d: {  	s1 =	rddreg [dreg:$0x7];
	[sflag:s5] =	ssyncadd.s32 $0xFFFFC000  }
0x4e: {  	[hbm4b:s1+s6] =	stream.strided.scatter [tilespmem:s8], [sflag:$0x2], $0x4000, s7, s6, $0x38;
	[tilespmem:$0xA800] =	vst v63  }
0x4f: {  	_ =	swait.ge [sflag:s2], $0x4000  }
0x50: {  	[sflag:s2] =	ssyncset.done $0x0  }
0x51: {  	[sflag:s2] =	ssyncadd.s32 $0xFFFFC000  }
0x52: {  	[tilespmem:s8], [sflag:$0x1] =	stream.indirect.gather [hbm4b:s4+s9], $0x20, s26, s9, $0xb8;
	[tilespmem:$0xA800] =	vst v63  }
0x53: {  	_ =	swait.ge [sflag:s5], $0x4000  }
0x54: {  	[sflag:s5] =	ssyncset.done $0x0  }
0x55: {  	s1 =	rddreg [dreg:$0x8];
	[sflag:s5] =	ssyncadd.s32 $0xFFFFC000  }
0x56: {  	[hbm4b:s1+s6] =	stream.strided.scatter [tilespmem:s3], [sflag:$0x2], $0x4000, s7, s6, $0x38;
	[tilespmem:$0xA800] =	vst v63  }
0x57: {  	_ =	swait.ge [sflag:s2], $0x4000  }
0x58: {  	[sflag:s2] =	ssyncset.done $0x0  }
0x59: {  	[sflag:s2] =	ssyncadd.s32 $0xFFFFC000  }
0x5a: {  	[tilespmem:s3], [sflag:$0x1] =	stream.indirect.gather [hbm4b:s4+s9], $0x20, s25, s9, $0xb8;
	[tilespmem:$0xA800] =	vst v63  }
0x5b: {  	_ =	swait.ge [sflag:s5], $0x4000  }
0x5c: {  	[sflag:s5] =	ssyncset.done $0x0  }
0x5d: {  	s1 =	rddreg [dreg:$0x9];
	[sflag:s5] =	ssyncadd.s32 $0xFFFFC000  }
0x5e: {  	[hbm4b:s1+s6] =	stream.strided.scatter [tilespmem:s8], [sflag:$0x2], $0x4000, s7, s6, $0x38;
	[tilespmem:$0xA800] =	vst v63  }
0x5f: {  	_ =	swait.ge [sflag:s2], $0x4000  }
0x60: {  	[sflag:s2] =	ssyncset.done $0x0  }
0x61: {  	[sflag:s2] =	ssyncadd.s32 $0xFFFFC000  }
0x62: {  	[tilespmem:s8], [sflag:$0x1] =	stream.indirect.gather [hbm4b:s4+s9], $0x20, s24, s9, $0xb8;
	[tilespmem:$0xA800] =	vst v63  }
0x63: {  	_ =	swait.ge [sflag:s5], $0x4000  }
0x64: {  	[sflag:s5] =	ssyncset.done $0x0  }
0x65: {  	s1 =	rddreg [dreg:$0xa];
	[sflag:s5] =	ssyncadd.s32 $0xFFFFC000  }
0x66: {  	[hbm4b:s1+s6] =	stream.strided.scatter [tilespmem:s3], [sflag:$0x2], $0x4000, s7, s6, $0x38;
	[tilespmem:$0xA800] =	vst v63  }
0x67: {  	_ =	swait.ge [sflag:s2], $0x4000  }
0x68: {  	[sflag:s2] =	ssyncset.done $0x0  }
0x69: {  	[sflag:s2] =	ssyncadd.s32 $0xFFFFC000  }
0x6a: {  	[tilespmem:s3], [sflag:$0x1] =	stream.indirect.gather [hbm4b:s4+s9], $0x20, s23, s9, $0xb8;
	[tilespmem:$0xA800] =	vst v63  }
0x6b: {  	_ =	swait.ge [sflag:s5], $0x4000  }
0x6c: {  	[sflag:s5] =	ssyncset.done $0x0  }
0x6d: {  	s1 =	rddreg [dreg:$0xb];
	[sflag:s5] =	ssyncadd.s32 $0xFFFFC000  }
0x6e: {  	[hbm4b:s1+s6] =	stream.strided.scatter [tilespmem:s8], [sflag:$0x2], $0x4000, s7, s6, $0x38;
	[tilespmem:$0xA800] =	vst v63  }
0x6f: {  	_ =	swait.ge [sflag:s2], $0x4000  }
0x70: {  	[sflag:s2] =	ssyncset.done $0x0  }
0x71: {  	[sflag:s2] =	ssyncadd.s32 $0xFFFFC000  }
0x72: {  	[tilespmem:s8], [sflag:$0x1] =	stream.indirect.gather [hbm4b:s4+s9], $0x20, s20, s9, $0xb8;
	[tilespmem:$0xA800] =	vst v63  }
0x73: {  	_ =	swait.ge [sflag:s5], $0x4000  }
0x74: {  	[sflag:s5] =	ssyncset.done $0x0  }
0x75: {  	s1 =	rddreg [dreg:$0xc];
	[sflag:s5] =	ssyncadd.s32 $0xFFFFC000  }
0x76: {  	[hbm4b:s1+s6] =	stream.strided.scatter [tilespmem:s3], [sflag:$0x2], $0x4000, s7, s6, $0x38;
	[tilespmem:$0xA800] =	vst v63  }
0x77: {  	_ =	swait.ge [sflag:s2], $0x4000  }
0x78: {  	[sflag:s2] =	ssyncset.done $0x0  }
0x79: {  	[sflag:s2] =	ssyncadd.s32 $0xFFFFC000  }
0x7a: {  	[tilespmem:s3], [sflag:$0x1] =	stream.indirect.gather [hbm4b:s4+s9], $0x20, s19, s9, $0xb8;
	[tilespmem:$0xA800] =	vst v63  }
0x7b: {  	_ =	swait.ge [sflag:s5], $0x4000  }
0x7c: {  	[sflag:s5] =	ssyncset.done $0x0  }
0x7d: {  	s1 =	rddreg [dreg:$0xd];
	[sflag:s5] =	ssyncadd.s32 $0xFFFFC000  }
0x7e: {  	[hbm4b:s1+s6] =	stream.strided.scatter [tilespmem:s8], [sflag:$0x2], $0x4000, s7, s6, $0x38;
	[tilespmem:$0xA800] =	vst v63  }
0x7f: {  	_ =	swait.ge [sflag:s2], $0x4000  }
0x80: {  	[sflag:s2] =	ssyncset.done $0x0  }
0x81: {  	[sflag:s2] =	ssyncadd.s32 $0xFFFFC000  }
0x82: {  	[tilespmem:s8], [sflag:$0x1] =	stream.indirect.gather [hbm4b:s4+s9], $0x20, s18, s9, $0xb8;
	[tilespmem:$0xA800] =	vst v63  }
0x83: {  	_ =	swait.ge [sflag:s5], $0x4000  }
0x84: {  	[sflag:s5] =	ssyncset.done $0x0  }
0x85: {  	s1 =	rddreg [dreg:$0xe];
	[sflag:s5] =	ssyncadd.s32 $0xFFFFC000  }
0x86: {  	[hbm4b:s1+s6] =	stream.strided.scatter [tilespmem:s3], [sflag:$0x2], $0x4000, s7, s6, $0x38;
	[tilespmem:$0xA800] =	vst v63  }
0x87: {  	_ =	swait.ge [sflag:s2], $0x4000  }
0x88: {  	[sflag:s2] =	ssyncset.done $0x0  }
0x89: {  	[sflag:s2] =	ssyncadd.s32 $0xFFFFC000  }
0x8a: {  	[tilespmem:s3], [sflag:$0x1] =	stream.indirect.gather [hbm4b:s4+s9], $0x20, s17, s9, $0xb8;
	[tilespmem:$0xA800] =	vst v63  }
0x8b: {  	_ =	swait.ge [sflag:s5], $0x4000  }
0x8c: {  	[sflag:s5] =	ssyncset.done $0x0  }
0x8d: {  	s1 =	rddreg [dreg:$0xf];
	[sflag:s5] =	ssyncadd.s32 $0xFFFFC000  }
0x8e: {  	[hbm4b:s1+s6] =	stream.strided.scatter [tilespmem:s8], [sflag:$0x2], $0x4000, s7, s6, $0x38;
	[tilespmem:$0xA800] =	vst v63  }
0x8f: {  	_ =	swait.ge [sflag:s2], $0x4000  }
0x90: {  	[sflag:s2] =	ssyncset.done $0x0  }
0x91: {  	[sflag:s2] =	ssyncadd.s32 $0xFFFFC000  }
0x92: {  	[tilespmem:s8], [sflag:$0x1] =	stream.indirect.gather [hbm4b:s4+s9], $0x20, s16, s9, $0xb8;
	[tilespmem:$0xA800] =	vst v63  }
0x93: {  	_ =	swait.ge [sflag:s5], $0x4000  }
0x94: {  	[sflag:s5] =	ssyncset.done $0x0  }
0x95: {  	s1 =	rddreg [dreg:$0x10];
	[sflag:s5] =	ssyncadd.s32 $0xFFFFC000  }
0x96: {  	[hbm4b:s1+s6] =	stream.strided.scatter [tilespmem:s3], [sflag:$0x2], $0x4000, s7, s6, $0x38;
	[tilespmem:$0xA800] =	vst v63  }
0x97: {  	_ =	swait.ge [sflag:s2], $0x4000  }
0x98: {  	[sflag:s2] =	ssyncset.done $0x0  }
0x99: {  	[sflag:s2] =	ssyncadd.s32 $0xFFFFC000  }
0x9a: {  	[tilespmem:s3], [sflag:$0x1] =	stream.indirect.gather [hbm4b:s4+s9], $0x20, s15, s9, $0xb8;
	[tilespmem:$0xA800] =	vst v63  }
0x9b: {  	_ =	swait.ge [sflag:s5], $0x4000  }
0x9c: {  	[sflag:s5] =	ssyncset.done $0x0  }
0x9d: {  	s1 =	rddreg [dreg:$0x11];
	[sflag:s5] =	ssyncadd.s32 $0xFFFFC000  }
0x9e: {  	[hbm4b:s1+s6] =	stream.strided.scatter [tilespmem:s8], [sflag:$0x2], $0x4000, s7, s6, $0x38;
	[tilespmem:$0xA800] =	vst v63  }
0x9f: {  	_ =	swait.ge [sflag:s2], $0x4000  }
0xa0: {  	[sflag:s2] =	ssyncset.done $0x0  }
0xa1: {  	[sflag:s2] =	ssyncadd.s32 $0xFFFFC000  }
0xa2: {  	[tilespmem:s8], [sflag:$0x1] =	stream.indirect.gather [hbm4b:s4+s9], $0x20, s14, s9, $0xb8;
	[tilespmem:$0xA800] =	vst v63  }
0xa3: {  	_ =	swait.ge [sflag:s5], $0x4000  }
0xa4: {  	[sflag:s5] =	ssyncset.done $0x0  }
0xa5: {  	s1 =	rddreg [dreg:$0x12];
	[sflag:s5] =	ssyncadd.s32 $0xFFFFC000  }
0xa6: {  	[hbm4b:s1+s6] =	stream.strided.scatter [tilespmem:s3], [sflag:$0x2], $0x4000, s7, s6, $0x38;
	[tilespmem:$0xA800] =	vst v63  }
0xa7: {  	_ =	swait.ge [sflag:s2], $0x4000  }
0xa8: {  	[sflag:s2] =	ssyncset.done $0x0  }
0xa9: {  	[sflag:s2] =	ssyncadd.s32 $0xFFFFC000  }
0xaa: {  	[tilespmem:s3], [sflag:$0x1] =	stream.indirect.gather [hbm4b:s4+s9], $0x20, s13, s9, $0xb8;
	[tilespmem:$0xA800] =	vst v63  }
0xab: {  	_ =	swait.ge [sflag:s5], $0x4000  }
0xac: {  	[sflag:s5] =	ssyncset.done $0x0  }
0xad: {  	s1 =	rddreg [dreg:$0x13];
	[sflag:s5] =	ssyncadd.s32 $0xFFFFC000  }
0xae: {  	[hbm4b:s1+s6] =	stream.strided.scatter [tilespmem:s8], [sflag:$0x2], $0x4000, s7, s6, $0x38;
	[tilespmem:$0xA800] =	vst v63  }
0xaf: {  	_ =	swait.ge [sflag:s2], $0x4000  }
0xb0: {  	[sflag:s2] =	ssyncset.done $0x0  }
0xb1: {  	[sflag:s2] =	ssyncadd.s32 $0xFFFFC000  }
0xb2: {  	[tilespmem:s8], [sflag:$0x1] =	stream.indirect.gather [hbm4b:s4+s9], $0x20, s12, s9, $0xb8;
	[tilespmem:$0xA800] =	vst v63  }
0xb3: {  	_ =	swait.ge [sflag:s5], $0x4000  }
0xb4: {  	[sflag:s5] =	ssyncset.done $0x0  }
0xb5: {  	s1 =	rddreg [dreg:$0x14];
	[sflag:s5] =	ssyncadd.s32 $0xFFFFC000  }
0xb6: {  	[hbm4b:s1+s6] =	stream.strided.scatter [tilespmem:s3], [sflag:$0x2], $0x4000, s7, s6, $0x38;
	[tilespmem:$0xA800] =	vst v63  }
0xb7: {  	_ =	swait.ge [sflag:s2], $0x4000  }
0xb8: {  	[sflag:s2] =	ssyncset.done $0x0  }
0xb9: {  	[sflag:s2] =	ssyncadd.s32 $0xFFFFC000  }
0xba: {  	[tilespmem:s3], [sflag:$0x1] =	stream.indirect.gather [hbm4b:s4+s9], $0x20, s11, s9, $0xb8;
	[tilespmem:$0xA800] =	vst v63  }
0xbb: {  	_ =	swait.ge [sflag:s5], $0x4000  }
0xbc: {  	[sflag:s5] =	ssyncset.done $0x0  }
0xbd: {  	s1 =	rddreg [dreg:$0x15];
	[sflag:s5] =	ssyncadd.s32 $0xFFFFC000  }
0xbe: {  	[hbm4b:s1+s6] =	stream.strided.scatter [tilespmem:s8], [sflag:$0x2], $0x4000, s7, s6, $0x38;
	[tilespmem:$0xA800] =	vst v63  }
0xbf: {  	_ =	swait.ge [sflag:s5], $0x4000  }
0xc0: {  	[sflag:s5] =	ssyncset.done $0x0  }
0xc1: {  	p1 =	sne.s32 s10, $0x1;
	s1 =	rddreg [dreg:$0x16];
	[sflag:s5] =	ssyncadd.s32 $0xFFFFC000  }
0xc2: {  	[hbm4b:s1+s6] =	stream.strided.scatter [tilespmem:s3], [sflag:$0x2], $0x4000, s7, s6, $0x38;
	[tilespmem:$0xA800] =	vst v63  }
.Ltmp1:
0xc3: {  	_ =	swait.ge [sflag:s2], $0x4000;
	(pc) =	sbr.rel @!p1 .LBB2_3-.Ltmp1, $4  }
0xc4: {  	[sflag:s2] =	ssyncset.done $0x0  }
0xc5: {  	[sflag:s2] =	ssyncadd.s32 $0xFFFFC000  }
0xc6: {  	p0 =	por $0x1, $0x1;
	_ =	swait.ge [sflag:s2], $0x4000  }
0xc7: {  	s1 =	sadd.s32 $0xFFFFFFFF, s10;
	s0 =	rddreg [dreg:$0x3];
	[sflag:s2] =	ssyncset.done $0x0  }
.LBB2_4:
0xc8: {  	s10 =	rddreg [dreg:$0x17];
	[sflag:s2] =	ssyncadd.s32 $0xFFFFC000  }
0xc9: {  	[tilespmem:s21], [sflag:$0x3] =	stream.strided.gather [hbm4b:s0+s9], $0x2800, s10, s9, $0x38;
	[tilespmem:$0xA800] =	vst v63  }
0xca: {  	_ =	swait.ge [sflag:s31], $0x2800  }
0xcb: {  	[sflag:s31] =	ssyncset.done $0x0  }
0xcc: {  	[sflag:s31] =	ssyncadd.s32 $0xFFFFD800  }
0xcd: {  	[tilespmem:s8], [sflag:$0x1] =	stream.indirect.gather [hbm4b:s4+s9], $0x20, s21, s9, $0xb8;
	[tilespmem:$0xA800] =	vst v63  }
0xce: {  	_ = 	snop  }
0xcf: {  	[tilespmem:s3], [sflag:$0x1] =	stream.indirect.gather [hbm4b:s4+s9], $0x20, s9, s9, $0xb8;
	[tilespmem:$0xA800] =	vst v63  }
0xd0: {  	_ =	swait.ge [sflag:s5], $0x4000  }
0xd1: {  	[sflag:s5] =	ssyncset.done $0x0  }
0xd2: {  	[sflag:s5] =	ssyncadd.s32 $0xFFFFC000  }
0xd3: {  	[hbm4b:s22+s6] =	stream.strided.scatter [tilespmem:s8], [sflag:$0x2], $0x4000, s7, s6, $0x38;
	[tilespmem:$0xA800] =	vst v63  }
0xd4: {  	_ =	swait.ge [sflag:s2], $0x4000  }
0xd5: {  	[sflag:s2] =	ssyncset.done $0x0  }
0xd6: {  	s10 =	simm.s32 $0x400;
	[sflag:s2] =	ssyncadd.s32 $0xFFFFC000  }
0xd7: {  	[tilespmem:s8], [sflag:$0x1] =	stream.indirect.gather [hbm4b:s4+s9], $0x20, s10, s9, $0xb8;
	[tilespmem:$0xA800] =	vst v63  }
0xd8: {  	_ =	swait.ge [sflag:s5], $0x4000  }
0xd9: {  	[sflag:s5] =	ssyncset.done $0x0  }
0xda: {  	s10 =	rddreg [dreg:$0x4];
	[sflag:s5] =	ssyncadd.s32 $0xFFFFC000  }
0xdb: {  	[hbm4b:s10+s6] =	stream.strided.scatter [tilespmem:s3], [sflag:$0x2], $0x4000, s7, s6, $0x38;
	[tilespmem:$0xA800] =	vst v63  }
0xdc: {  	_ =	swait.ge [sflag:s2], $0x4000  }
0xdd: {  	[sflag:s2] =	ssyncset.done $0x0  }
0xde: {  	[sflag:s2] =	ssyncadd.s32 $0xFFFFC000  }
0xdf: {  	[tilespmem:s3], [sflag:$0x1] =	stream.indirect.gather [hbm4b:s4+s9], $0x20, s30, s9, $0xb8;
	[tilespmem:$0xA800] =	vst v63  }
0xe0: {  	_ =	swait.ge [sflag:s5], $0x4000  }
0xe1: {  	[sflag:s5] =	ssyncset.done $0x0  }
0xe2: {  	s10 =	rddreg [dreg:$0x5];
	[sflag:s5] =	ssyncadd.s32 $0xFFFFC000  }
0xe3: {  	[hbm4b:s10+s6] =	stream.strided.scatter [tilespmem:s8], [sflag:$0x2], $0x4000, s7, s6, $0x38;
	[tilespmem:$0xA800] =	vst v63  }
0xe4: {  	_ =	swait.ge [sflag:s2], $0x4000  }
0xe5: {  	[sflag:s2] =	ssyncset.done $0x0  }
0xe6: {  	[sflag:s2] =	ssyncadd.s32 $0xFFFFC000  }
0xe7: {  	[tilespmem:s8], [sflag:$0x1] =	stream.indirect.gather [hbm4b:s4+s9], $0x20, s29, s9, $0xb8;
	[tilespmem:$0xA800] =	vst v63  }
0xe8: {  	_ =	swait.ge [sflag:s5], $0x4000  }
0xe9: {  	[sflag:s5] =	ssyncset.done $0x0  }
0xea: {  	s10 =	rddreg [dreg:$0x6];
	[sflag:s5] =	ssyncadd.s32 $0xFFFFC000  }
0xeb: {  	[hbm4b:s10+s6] =	stream.strided.scatter [tilespmem:s3], [sflag:$0x2], $0x4000, s7, s6, $0x38;
	[tilespmem:$0xA800] =	vst v63  }
0xec: {  	_ =	swait.ge [sflag:s2], $0x4000  }
0xed: {  	[sflag:s2] =	ssyncset.done $0x0  }
0xee: {  	[sflag:s2] =	ssyncadd.s32 $0xFFFFC000  }
0xef: {  	[tilespmem:s3], [sflag:$0x1] =	stream.indirect.gather [hbm4b:s4+s9], $0x20, s28, s9, $0xb8;
	[tilespmem:$0xA800] =	vst v63  }
0xf0: {  	_ =	swait.ge [sflag:s5], $0x4000  }
0xf1: {  	[sflag:s5] =	ssyncset.done $0x0  }
0xf2: {  	s10 =	rddreg [dreg:$0x7];
	[sflag:s5] =	ssyncadd.s32 $0xFFFFC000  }
0xf3: {  	[hbm4b:s10+s6] =	stream.strided.scatter [tilespmem:s8], [sflag:$0x2], $0x4000, s7, s6, $0x38;
	[tilespmem:$0xA800] =	vst v63  }
0xf4: {  	_ =	swait.ge [sflag:s2], $0x4000  }
0xf5: {  	[sflag:s2] =	ssyncset.done $0x0  }
0xf6: {  	[sflag:s2] =	ssyncadd.s32 $0xFFFFC000  }
0xf7: {  	[tilespmem:s8], [sflag:$0x1] =	stream.indirect.gather [hbm4b:s4+s9], $0x20, s26, s9, $0xb8;
	[tilespmem:$0xA800] =	vst v63  }
0xf8: {  	_ =	swait.ge [sflag:s5], $0x4000  }
0xf9: {  	[sflag:s5] =	ssyncset.done $0x0  }
0xfa: {  	s10 =	rddreg [dreg:$0x8];
	[sflag:s5] =	ssyncadd.s32 $0xFFFFC000  }
0xfb: {  	[hbm4b:s10+s6] =	stream.strided.scatter [tilespmem:s3], [sflag:$0x2], $0x4000, s7, s6, $0x38;
	[tilespmem:$0xA800] =	vst v63  }
0xfc: {  	_ =	swait.ge [sflag:s2], $0x4000  }
0xfd: {  	[sflag:s2] =	ssyncset.done $0x0  }
0xfe: {  	[sflag:s2] =	ssyncadd.s32 $0xFFFFC000  }
0xff: {  	[tilespmem:s3], [sflag:$0x1] =	stream.indirect.gather [hbm4b:s4+s9], $0x20, s25, s9, $0xb8;
	[tilespmem:$0xA800] =	vst v63  }
0x100: {  	_ =	swait.ge [sflag:s5], $0x4000  }
0x101: {  	[sflag:s5] =	ssyncset.done $0x0  }
0x102: {  	s10 =	rddreg [dreg:$0x9];
	[sflag:s5] =	ssyncadd.s32 $0xFFFFC000  }
0x103: {  	[hbm4b:s10+s6] =	stream.strided.scatter [tilespmem:s8], [sflag:$0x2], $0x4000, s7, s6, $0x38;
	[tilespmem:$0xA800] =	vst v63  }
0x104: {  	_ =	swait.ge [sflag:s2], $0x4000  }
0x105: {  	[sflag:s2] =	ssyncset.done $0x0  }
0x106: {  	[sflag:s2] =	ssyncadd.s32 $0xFFFFC000  }
0x107: {  	[tilespmem:s8], [sflag:$0x1] =	stream.indirect.gather [hbm4b:s4+s9], $0x20, s24, s9, $0xb8;
	[tilespmem:$0xA800] =	vst v63  }
0x108: {  	_ =	swait.ge [sflag:s5], $0x4000  }
0x109: {  	[sflag:s5] =	ssyncset.done $0x0  }
0x10a: {  	s10 =	rddreg [dreg:$0xa];
	[sflag:s5] =	ssyncadd.s32 $0xFFFFC000  }
0x10b: {  	[hbm4b:s10+s6] =	stream.strided.scatter [tilespmem:s3], [sflag:$0x2], $0x4000, s7, s6, $0x38;
	[tilespmem:$0xA800] =	vst v63  }
0x10c: {  	_ =	swait.ge [sflag:s2], $0x4000  }
0x10d: {  	[sflag:s2] =	ssyncset.done $0x0  }
0x10e: {  	[sflag:s2] =	ssyncadd.s32 $0xFFFFC000  }
0x10f: {  	[tilespmem:s3], [sflag:$0x1] =	stream.indirect.gather [hbm4b:s4+s9], $0x20, s23, s9, $0xb8;
	[tilespmem:$0xA800] =	vst v63  }
0x110: {  	_ =	swait.ge [sflag:s5], $0x4000  }
0x111: {  	[sflag:s5] =	ssyncset.done $0x0  }
0x112: {  	s10 =	rddreg [dreg:$0xb];
	[sflag:s5] =	ssyncadd.s32 $0xFFFFC000  }
0x113: {  	[hbm4b:s10+s6] =	stream.strided.scatter [tilespmem:s8], [sflag:$0x2], $0x4000, s7, s6, $0x38;
	[tilespmem:$0xA800] =	vst v63  }
0x114: {  	_ =	swait.ge [sflag:s2], $0x4000  }
0x115: {  	[sflag:s2] =	ssyncset.done $0x0  }
0x116: {  	[sflag:s2] =	ssyncadd.s32 $0xFFFFC000  }
0x117: {  	[tilespmem:s8], [sflag:$0x1] =	stream.indirect.gather [hbm4b:s4+s9], $0x20, s20, s9, $0xb8;
	[tilespmem:$0xA800] =	vst v63  }
0x118: {  	_ =	swait.ge [sflag:s5], $0x4000  }
0x119: {  	[sflag:s5] =	ssyncset.done $0x0  }
0x11a: {  	s10 =	rddreg [dreg:$0xc];
	[sflag:s5] =	ssyncadd.s32 $0xFFFFC000  }
0x11b: {  	[hbm4b:s10+s6] =	stream.strided.scatter [tilespmem:s3], [sflag:$0x2], $0x4000, s7, s6, $0x38;
	[tilespmem:$0xA800] =	vst v63  }
0x11c: {  	_ =	swait.ge [sflag:s2], $0x4000  }
0x11d: {  	[sflag:s2] =	ssyncset.done $0x0  }
0x11e: {  	[sflag:s2] =	ssyncadd.s32 $0xFFFFC000  }
0x11f: {  	[tilespmem:s3], [sflag:$0x1] =	stream.indirect.gather [hbm4b:s4+s9], $0x20, s19, s9, $0xb8;
	[tilespmem:$0xA800] =	vst v63  }
0x120: {  	_ =	swait.ge [sflag:s5], $0x4000  }
0x121: {  	[sflag:s5] =	ssyncset.done $0x0  }
0x122: {  	s10 =	rddreg [dreg:$0xd];
	[sflag:s5] =	ssyncadd.s32 $0xFFFFC000  }
0x123: {  	[hbm4b:s10+s6] =	stream.strided.scatter [tilespmem:s8], [sflag:$0x2], $0x4000, s7, s6, $0x38;
	[tilespmem:$0xA800] =	vst v63  }
0x124: {  	_ =	swait.ge [sflag:s2], $0x4000  }
0x125: {  	[sflag:s2] =	ssyncset.done $0x0  }
0x126: {  	[sflag:s2] =	ssyncadd.s32 $0xFFFFC000  }
0x127: {  	[tilespmem:s8], [sflag:$0x1] =	stream.indirect.gather [hbm4b:s4+s9], $0x20, s18, s9, $0xb8;
	[tilespmem:$0xA800] =	vst v63  }
0x128: {  	_ =	swait.ge [sflag:s5], $0x4000  }
0x129: {  	[sflag:s5] =	ssyncset.done $0x0  }
0x12a: {  	s10 =	rddreg [dreg:$0xe];
	[sflag:s5] =	ssyncadd.s32 $0xFFFFC000  }
0x12b: {  	[hbm4b:s10+s6] =	stream.strided.scatter [tilespmem:s3], [sflag:$0x2], $0x4000, s7, s6, $0x38;
	[tilespmem:$0xA800] =	vst v63  }
0x12c: {  	_ =	swait.ge [sflag:s2], $0x4000  }
0x12d: {  	[sflag:s2] =	ssyncset.done $0x0  }
0x12e: {  	[sflag:s2] =	ssyncadd.s32 $0xFFFFC000  }
0x12f: {  	[tilespmem:s3], [sflag:$0x1] =	stream.indirect.gather [hbm4b:s4+s9], $0x20, s17, s9, $0xb8;
	[tilespmem:$0xA800] =	vst v63  }
0x130: {  	_ =	swait.ge [sflag:s5], $0x4000  }
0x131: {  	[sflag:s5] =	ssyncset.done $0x0  }
0x132: {  	s10 =	rddreg [dreg:$0xf];
	[sflag:s5] =	ssyncadd.s32 $0xFFFFC000  }
0x133: {  	[hbm4b:s10+s6] =	stream.strided.scatter [tilespmem:s8], [sflag:$0x2], $0x4000, s7, s6, $0x38;
	[tilespmem:$0xA800] =	vst v63  }
0x134: {  	_ =	swait.ge [sflag:s2], $0x4000  }
0x135: {  	[sflag:s2] =	ssyncset.done $0x0  }
0x136: {  	[sflag:s2] =	ssyncadd.s32 $0xFFFFC000  }
0x137: {  	[tilespmem:s8], [sflag:$0x1] =	stream.indirect.gather [hbm4b:s4+s9], $0x20, s16, s9, $0xb8;
	[tilespmem:$0xA800] =	vst v63  }
0x138: {  	_ =	swait.ge [sflag:s5], $0x4000  }
0x139: {  	[sflag:s5] =	ssyncset.done $0x0  }
0x13a: {  	s10 =	rddreg [dreg:$0x10];
	[sflag:s5] =	ssyncadd.s32 $0xFFFFC000  }
0x13b: {  	[hbm4b:s10+s6] =	stream.strided.scatter [tilespmem:s3], [sflag:$0x2], $0x4000, s7, s6, $0x38;
	[tilespmem:$0xA800] =	vst v63  }
0x13c: {  	_ =	swait.ge [sflag:s2], $0x4000  }
0x13d: {  	[sflag:s2] =	ssyncset.done $0x0  }
0x13e: {  	[sflag:s2] =	ssyncadd.s32 $0xFFFFC000  }
0x13f: {  	[tilespmem:s3], [sflag:$0x1] =	stream.indirect.gather [hbm4b:s4+s9], $0x20, s15, s9, $0xb8;
	[tilespmem:$0xA800] =	vst v63  }
0x140: {  	_ =	swait.ge [sflag:s5], $0x4000  }
0x141: {  	[sflag:s5] =	ssyncset.done $0x0  }
0x142: {  	s10 =	rddreg [dreg:$0x11];
	[sflag:s5] =	ssyncadd.s32 $0xFFFFC000  }
0x143: {  	[hbm4b:s10+s6] =	stream.strided.scatter [tilespmem:s8], [sflag:$0x2], $0x4000, s7, s6, $0x38;
	[tilespmem:$0xA800] =	vst v63  }
0x144: {  	_ =	swait.ge [sflag:s2], $0x4000  }
0x145: {  	[sflag:s2] =	ssyncset.done $0x0  }
0x146: {  	[sflag:s2] =	ssyncadd.s32 $0xFFFFC000  }
0x147: {  	[tilespmem:s8], [sflag:$0x1] =	stream.indirect.gather [hbm4b:s4+s9], $0x20, s14, s9, $0xb8;
	[tilespmem:$0xA800] =	vst v63  }
0x148: {  	_ =	swait.ge [sflag:s5], $0x4000  }
0x149: {  	[sflag:s5] =	ssyncset.done $0x0  }
0x14a: {  	s10 =	rddreg [dreg:$0x12];
	[sflag:s5] =	ssyncadd.s32 $0xFFFFC000  }
0x14b: {  	[hbm4b:s10+s6] =	stream.strided.scatter [tilespmem:s3], [sflag:$0x2], $0x4000, s7, s6, $0x38;
	[tilespmem:$0xA800] =	vst v63  }
0x14c: {  	_ =	swait.ge [sflag:s2], $0x4000  }
0x14d: {  	[sflag:s2] =	ssyncset.done $0x0  }
0x14e: {  	[sflag:s2] =	ssyncadd.s32 $0xFFFFC000  }
0x14f: {  	[tilespmem:s3], [sflag:$0x1] =	stream.indirect.gather [hbm4b:s4+s9], $0x20, s13, s9, $0xb8;
	[tilespmem:$0xA800] =	vst v63  }
0x150: {  	_ =	swait.ge [sflag:s5], $0x4000  }
0x151: {  	[sflag:s5] =	ssyncset.done $0x0  }
0x152: {  	s10 =	rddreg [dreg:$0x13];
	[sflag:s5] =	ssyncadd.s32 $0xFFFFC000  }
0x153: {  	[hbm4b:s10+s6] =	stream.strided.scatter [tilespmem:s8], [sflag:$0x2], $0x4000, s7, s6, $0x38;
	[tilespmem:$0xA800] =	vst v63  }
0x154: {  	_ =	swait.ge [sflag:s2], $0x4000  }
0x155: {  	[sflag:s2] =	ssyncset.done $0x0  }
0x156: {  	[sflag:s2] =	ssyncadd.s32 $0xFFFFC000  }
0x157: {  	[tilespmem:s8], [sflag:$0x1] =	stream.indirect.gather [hbm4b:s4+s9], $0x20, s12, s9, $0xb8;
	[tilespmem:$0xA800] =	vst v63  }
0x158: {  	_ =	swait.ge [sflag:s5], $0x4000  }
0x159: {  	[sflag:s5] =	ssyncset.done $0x0  }
0x15a: {  	s10 =	rddreg [dreg:$0x14];
	[sflag:s5] =	ssyncadd.s32 $0xFFFFC000  }
0x15b: {  	[hbm4b:s10+s6] =	stream.strided.scatter [tilespmem:s3], [sflag:$0x2], $0x4000, s7, s6, $0x38;
	[tilespmem:$0xA800] =	vst v63  }
0x15c: {  	_ =	swait.ge [sflag:s2], $0x4000  }
0x15d: {  	[sflag:s2] =	ssyncset.done $0x0  }
0x15e: {  	[sflag:s2] =	ssyncadd.s32 $0xFFFFC000  }
0x15f: {  	[tilespmem:s3], [sflag:$0x1] =	stream.indirect.gather [hbm4b:s4+s9], $0x20, s11, s9, $0xb8;
	[tilespmem:$0xA800] =	vst v63  }
0x160: {  	_ =	swait.ge [sflag:s5], $0x4000  }
0x161: {  	[sflag:s5] =	ssyncset.done $0x0  }
0x162: {  	s10 =	rddreg [dreg:$0x15];
	[sflag:s5] =	ssyncadd.s32 $0xFFFFC000  }
0x163: {  	[hbm4b:s10+s6] =	stream.strided.scatter [tilespmem:s8], [sflag:$0x2], $0x4000, s7, s6, $0x38;
	[tilespmem:$0xA800] =	vst v63  }
0x164: {  	_ =	swait.ge [sflag:s5], $0x4000  }
0x165: {  	[sflag:s5] =	ssyncset.done $0x0  }
0x166: {  	p1 =	sne.s32 s1, $0x1;
	s10 =	rddreg [dreg:$0x16];
	[sflag:s5] =	ssyncadd.s32 $0xFFFFC000  }
0x167: {  	[hbm4b:s10+s6] =	stream.strided.scatter [tilespmem:s3], [sflag:$0x2], $0x4000, s7, s6, $0x38;
	[tilespmem:$0xA800] =	vst v63  }
.Ltmp2:
0x168: {  	_ =	swait.ge [sflag:s2], $0x4000;
	(pc) =	sbr.rel @p1 .LBB2_4-.Ltmp2, $4  }
0x169: {  	[sflag:s2] =	ssyncset.done $0x0  }
0x16a: {  	[sflag:s2] =	ssyncadd.s32 $0xFFFFC000  }
0x16b: {  	_ =	swait.ge [sflag:s2], $0x4000  }
0x16c: {  	s1 =	sadd.s32 $0xFFFFFFFF, s1;
	s0 =	rddreg [dreg:$0x3];
	[sflag:s2] =	ssyncset.done $0x0  }
0x16d: {  	s11 =	simm.s32 $0x400;
	s30 =	simm.s32 $0x600;
	s29 =	simm.s32 $0x800  }
0x16e: {  	s28 =	simm.s32 $0xA00;
	s26 =	simm.s32 $0xC00;
	s25 =	simm.s32 $0xE00  }
0x16f: {  	s24 =	simm.s32 $0x1000;
	s23 =	simm.s32 $0x1200;
	s20 =	simm.s32 $0x1400  }
0x170: {  	s19 =	simm.s32 $0x1600;
	s18 =	simm.s32 $0x1800;
	s17 =	simm.s32 $0x1A00  }
0x171: {  	s16 =	simm.s32 $0x1C00;
	s15 =	simm.s32 $0x1E00;
	s14 =	simm.s32 $0x2000  }
0x172: {  	s13 =	simm.s32 $0x2200;
	s12 =	simm.s32 $0x2400;
	s10 =	stileid.u32  }
.LBB2_6:
0x173: {  	s1 =	rddreg [dreg:$0x17];
	[sflag:s2] =	ssyncadd.s32 @p0 $0xFFFFC000  }
0x174: {  	[tilespmem:s21], [sflag:$0x3] =	stream.strided.gather [hbm4b:s0+s9], $0x2800, s1, s9, $0x38;
	[tilespmem:$0xA800] =	vst v63  }
0x175: {  	_ =	swait.ge [sflag:s31], $0x2800  }
0x176: {  	[sflag:s31] =	ssyncset.done $0x0  }
0x177: {  	[sflag:s31] =	ssyncadd.s32 $0xFFFFD800  }
0x178: {  	[tilespmem:s8], [sflag:$0x1] =	stream.indirect.gather [hbm4b:s4+s9], $0x20, s21, s9, $0xb8;
	[tilespmem:$0xA800] =	vst v63  }
0x179: {  	_ = 	snop  }
0x17a: {  	[tilespmem:s3], [sflag:$0x1] =	stream.indirect.gather [hbm4b:s4+s9], $0x20, s9, s9, $0xb8;
	[tilespmem:$0xA800] =	vst v63  }
0x17b: {  	_ =	swait.ge [sflag:s5], $0x4000  }
0x17c: {  	[sflag:s5] =	ssyncset.done $0x0  }
0x17d: {  	[sflag:s5] =	ssyncadd.s32 $0xFFFFC000  }
0x17e: {  	[hbm4b:s22+s6] =	stream.strided.scatter [tilespmem:s8], [sflag:$0x2], $0x4000, s7, s6, $0x38;
	[tilespmem:$0xA800] =	vst v63  }
0x17f: {  	_ =	swait.ge [sflag:s2], $0x4000  }
0x180: {  	[sflag:s2] =	ssyncset.done $0x0  }
0x181: {  	[sflag:s2] =	ssyncadd.s32 $0xFFFFC000  }
0x182: {  	[tilespmem:s8], [sflag:$0x1] =	stream.indirect.gather [hbm4b:s4+s9], $0x20, s11, s9, $0xb8;
	[tilespmem:$0xA800] =	vst v63  }
0x183: {  	_ =	swait.ge [sflag:s5], $0x4000  }
0x184: {  	[sflag:s5] =	ssyncset.done $0x0  }
0x185: {  	s11 =	rddreg [dreg:$0x4];
	[sflag:s5] =	ssyncadd.s32 $0xFFFFC000  }
0x186: {  	[hbm4b:s11+s6] =	stream.strided.scatter [tilespmem:s3], [sflag:$0x2], $0x4000, s7, s6, $0x38;
	[tilespmem:$0xA800] =	vst v63  }
0x187: {  	_ =	swait.ge [sflag:s2], $0x4000  }
0x188: {  	[sflag:s2] =	ssyncset.done $0x0  }
0x189: {  	[sflag:s2] =	ssyncadd.s32 $0xFFFFC000  }
0x18a: {  	[tilespmem:s3], [sflag:$0x1] =	stream.indirect.gather [hbm4b:s4+s9], $0x20, s30, s9, $0xb8;
	[tilespmem:$0xA800] =	vst v63  }
0x18b: {  	_ =	swait.ge [sflag:s5], $0x4000  }
0x18c: {  	[sflag:s5] =	ssyncset.done $0x0  }
0x18d: {  	s21 =	rddreg [dreg:$0x5];
	[sflag:s5] =	ssyncadd.s32 $0xFFFFC000  }
0x18e: {  	[hbm4b:s21+s6] =	stream.strided.scatter [tilespmem:s8], [sflag:$0x2], $0x4000, s7, s6, $0x38;
	[tilespmem:$0xA800] =	vst v63  }
0x18f: {  	_ =	swait.ge [sflag:s2], $0x4000  }
0x190: {  	[sflag:s2] =	ssyncset.done $0x0  }
0x191: {  	[sflag:s2] =	ssyncadd.s32 $0xFFFFC000  }
0x192: {  	[tilespmem:s8], [sflag:$0x1] =	stream.indirect.gather [hbm4b:s4+s9], $0x20, s29, s9, $0xb8;
	[tilespmem:$0xA800] =	vst v63  }
0x193: {  	_ =	swait.ge [sflag:s5], $0x4000  }
0x194: {  	[sflag:s5] =	ssyncset.done $0x0  }
0x195: {  	s22 =	rddreg [dreg:$0x6];
	[sflag:s5] =	ssyncadd.s32 $0xFFFFC000  }
0x196: {  	[hbm4b:s22+s6] =	stream.strided.scatter [tilespmem:s3], [sflag:$0x2], $0x4000, s7, s6, $0x38;
	[tilespmem:$0xA800] =	vst v63  }
0x197: {  	_ =	swait.ge [sflag:s2], $0x4000  }
0x198: {  	[sflag:s2] =	ssyncset.done $0x0  }
0x199: {  	[sflag:s2] =	ssyncadd.s32 $0xFFFFC000  }
0x19a: {  	[tilespmem:s3], [sflag:$0x1] =	stream.indirect.gather [hbm4b:s4+s9], $0x20, s28, s9, $0xb8;
	[tilespmem:$0xA800] =	vst v63  }
0x19b: {  	_ =	swait.ge [sflag:s5], $0x4000  }
0x19c: {  	[sflag:s5] =	ssyncset.done $0x0  }
0x19d: {  	s28 =	rddreg [dreg:$0x7];
	[sflag:s5] =	ssyncadd.s32 $0xFFFFC000  }
0x19e: {  	[hbm4b:s28+s6] =	stream.strided.scatter [tilespmem:s8], [sflag:$0x2], $0x4000, s7, s6, $0x38;
	[tilespmem:$0xA800] =	vst v63  }
0x19f: {  	_ =	swait.ge [sflag:s2], $0x4000  }
0x1a0: {  	[sflag:s2] =	ssyncset.done $0x0  }
0x1a1: {  	[sflag:s2] =	ssyncadd.s32 $0xFFFFC000  }
0x1a2: {  	[tilespmem:s8], [sflag:$0x1] =	stream.indirect.gather [hbm4b:s4+s9], $0x20, s26, s9, $0xb8;
	[tilespmem:$0xA800] =	vst v63  }
0x1a3: {  	_ =	swait.ge [sflag:s5], $0x4000  }
0x1a4: {  	[sflag:s5] =	ssyncset.done $0x0  }
0x1a5: {  	s29 =	rddreg [dreg:$0x8];
	[sflag:s5] =	ssyncadd.s32 $0xFFFFC000  }
0x1a6: {  	[hbm4b:s29+s6] =	stream.strided.scatter [tilespmem:s3], [sflag:$0x2], $0x4000, s7, s6, $0x38;
	[tilespmem:$0xA800] =	vst v63  }
0x1a7: {  	_ =	swait.ge [sflag:s2], $0x4000  }
0x1a8: {  	[sflag:s2] =	ssyncset.done $0x0  }
0x1a9: {  	[sflag:s2] =	ssyncadd.s32 $0xFFFFC000  }
0x1aa: {  	[tilespmem:s3], [sflag:$0x1] =	stream.indirect.gather [hbm4b:s4+s9], $0x20, s25, s9, $0xb8;
	[tilespmem:$0xA800] =	vst v63  }
0x1ab: {  	_ =	swait.ge [sflag:s5], $0x4000  }
0x1ac: {  	[sflag:s5] =	ssyncset.done $0x0  }
0x1ad: {  	s30 =	rddreg [dreg:$0x9];
	[sflag:s5] =	ssyncadd.s32 $0xFFFFC000  }
0x1ae: {  	[hbm4b:s30+s6] =	stream.strided.scatter [tilespmem:s8], [sflag:$0x2], $0x4000, s7, s6, $0x38;
	[tilespmem:$0xA800] =	vst v63  }
0x1af: {  	_ =	swait.ge [sflag:s2], $0x4000  }
0x1b0: {  	[sflag:s2] =	ssyncset.done $0x0  }
0x1b1: {  	[sflag:s2] =	ssyncadd.s32 $0xFFFFC000  }
0x1b2: {  	[tilespmem:s8], [sflag:$0x1] =	stream.indirect.gather [hbm4b:s4+s9], $0x20, s24, s9, $0xb8;
	[tilespmem:$0xA800] =	vst v63  }
0x1b3: {  	_ =	swait.ge [sflag:s5], $0x4000  }
0x1b4: {  	[sflag:s5] =	ssyncset.done $0x0  }
0x1b5: {  	s31 =	rddreg [dreg:$0xa];
	[sflag:s5] =	ssyncadd.s32 $0xFFFFC000  }
0x1b6: {  	[hbm4b:s31+s6] =	stream.strided.scatter [tilespmem:s3], [sflag:$0x2], $0x4000, s7, s6, $0x38;
	[tilespmem:$0xA800] =	vst v63  }
0x1b7: {  	_ =	swait.ge [sflag:s2], $0x4000  }
0x1b8: {  	[sflag:s2] =	ssyncset.done $0x0  }
0x1b9: {  	[sflag:s2] =	ssyncadd.s32 $0xFFFFC000  }
0x1ba: {  	[tilespmem:s3], [sflag:$0x1] =	stream.indirect.gather [hbm4b:s4+s9], $0x20, s23, s9, $0xb8;
	[tilespmem:$0xA800] =	vst v63  }
0x1bb: {  	_ =	swait.ge [sflag:s5], $0x4000  }
0x1bc: {  	[sflag:s5] =	ssyncset.done $0x0  }
0x1bd: {  	s1 =	rddreg [dreg:$0xb];
	[sflag:s5] =	ssyncadd.s32 $0xFFFFC000  }
0x1be: {  	[hbm4b:s1+s6] =	stream.strided.scatter [tilespmem:s8], [sflag:$0x2], $0x4000, s7, s6, $0x38;
	[tilespmem:$0xA800] =	vst v63  }
0x1bf: {  	_ =	swait.ge [sflag:s2], $0x4000  }
0x1c0: {  	[sflag:s2] =	ssyncset.done $0x0  }
0x1c1: {  	[sflag:s2] =	ssyncadd.s32 $0xFFFFC000  }
0x1c2: {  	[tilespmem:s8], [sflag:$0x1] =	stream.indirect.gather [hbm4b:s4+s9], $0x20, s20, s9, $0xb8;
	[tilespmem:$0xA800] =	vst v63  }
0x1c3: {  	_ =	swait.ge [sflag:s5], $0x4000  }
0x1c4: {  	[sflag:s5] =	ssyncset.done $0x0  }
0x1c5: {  	s11 =	rddreg [dreg:$0xc];
	[sflag:s5] =	ssyncadd.s32 $0xFFFFC000  }
0x1c6: {  	[hbm4b:s11+s6] =	stream.strided.scatter [tilespmem:s3], [sflag:$0x2], $0x4000, s7, s6, $0x38;
	[tilespmem:$0xA800] =	vst v63  }
0x1c7: {  	_ =	swait.ge [sflag:s2], $0x4000  }
0x1c8: {  	[sflag:s2] =	ssyncset.done $0x0  }
0x1c9: {  	[sflag:s2] =	ssyncadd.s32 $0xFFFFC000  }
0x1ca: {  	[tilespmem:s3], [sflag:$0x1] =	stream.indirect.gather [hbm4b:s4+s9], $0x20, s19, s9, $0xb8;
	[tilespmem:$0xA800] =	vst v63  }
0x1cb: {  	_ =	swait.ge [sflag:s5], $0x4000  }
0x1cc: {  	[sflag:s5] =	ssyncset.done $0x0  }
0x1cd: {  	s20 =	rddreg [dreg:$0xd];
	[sflag:s5] =	ssyncadd.s32 $0xFFFFC000  }
0x1ce: {  	[hbm4b:s20+s6] =	stream.strided.scatter [tilespmem:s8], [sflag:$0x2], $0x4000, s7, s6, $0x38;
	[tilespmem:$0xA800] =	vst v63  }
0x1cf: {  	_ =	swait.ge [sflag:s2], $0x4000  }
0x1d0: {  	[sflag:s2] =	ssyncset.done $0x0  }
0x1d1: {  	[sflag:s2] =	ssyncadd.s32 $0xFFFFC000  }
0x1d2: {  	[tilespmem:s8], [sflag:$0x1] =	stream.indirect.gather [hbm4b:s4+s9], $0x20, s18, s9, $0xb8;
	[tilespmem:$0xA800] =	vst v63  }
0x1d3: {  	_ =	swait.ge [sflag:s5], $0x4000  }
0x1d4: {  	[sflag:s5] =	ssyncset.done $0x0  }
0x1d5: {  	s21 =	rddreg [dreg:$0xe];
	[sflag:s5] =	ssyncadd.s32 $0xFFFFC000  }
0x1d6: {  	[hbm4b:s21+s6] =	stream.strided.scatter [tilespmem:s3], [sflag:$0x2], $0x4000, s7, s6, $0x38;
	[tilespmem:$0xA800] =	vst v63  }
0x1d7: {  	_ =	swait.ge [sflag:s2], $0x4000  }
0x1d8: {  	[sflag:s2] =	ssyncset.done $0x0  }
0x1d9: {  	[sflag:s2] =	ssyncadd.s32 $0xFFFFC000  }
0x1da: {  	[tilespmem:s3], [sflag:$0x1] =	stream.indirect.gather [hbm4b:s4+s9], $0x20, s17, s9, $0xb8;
	[tilespmem:$0xA800] =	vst v63  }
0x1db: {  	_ =	swait.ge [sflag:s5], $0x4000  }
0x1dc: {  	[sflag:s5] =	ssyncset.done $0x0  }
0x1dd: {  	s22 =	rddreg [dreg:$0xf];
	[sflag:s5] =	ssyncadd.s32 $0xFFFFC000  }
0x1de: {  	[hbm4b:s22+s6] =	stream.strided.scatter [tilespmem:s8], [sflag:$0x2], $0x4000, s7, s6, $0x38;
	[tilespmem:$0xA800] =	vst v63  }
0x1df: {  	_ =	swait.ge [sflag:s2], $0x4000  }
0x1e0: {  	[sflag:s2] =	ssyncset.done $0x0  }
0x1e1: {  	[sflag:s2] =	ssyncadd.s32 $0xFFFFC000  }
0x1e2: {  	[tilespmem:s8], [sflag:$0x1] =	stream.indirect.gather [hbm4b:s4+s9], $0x20, s16, s9, $0xb8;
	[tilespmem:$0xA800] =	vst v63  }
0x1e3: {  	_ =	swait.ge [sflag:s5], $0x4000  }
0x1e4: {  	[sflag:s5] =	ssyncset.done $0x0  }
0x1e5: {  	s23 =	rddreg [dreg:$0x10];
	[sflag:s5] =	ssyncadd.s32 $0xFFFFC000  }
0x1e6: {  	[hbm4b:s23+s6] =	stream.strided.scatter [tilespmem:s3], [sflag:$0x2], $0x4000, s7, s6, $0x38;
	[tilespmem:$0xA800] =	vst v63  }
0x1e7: {  	_ =	swait.ge [sflag:s2], $0x4000  }
0x1e8: {  	[sflag:s2] =	ssyncset.done $0x0  }
0x1e9: {  	[sflag:s2] =	ssyncadd.s32 $0xFFFFC000  }
0x1ea: {  	[tilespmem:s3], [sflag:$0x1] =	stream.indirect.gather [hbm4b:s4+s9], $0x20, s15, s9, $0xb8;
	[tilespmem:$0xA800] =	vst v63  }
0x1eb: {  	_ =	swait.ge [sflag:s5], $0x4000  }
0x1ec: {  	[sflag:s5] =	ssyncset.done $0x0  }
0x1ed: {  	s24 =	rddreg [dreg:$0x11];
	[sflag:s5] =	ssyncadd.s32 $0xFFFFC000  }
0x1ee: {  	[hbm4b:s24+s6] =	stream.strided.scatter [tilespmem:s8], [sflag:$0x2], $0x4000, s7, s6, $0x38;
	[tilespmem:$0xA800] =	vst v63  }
0x1ef: {  	_ =	swait.ge [sflag:s2], $0x4000  }
0x1f0: {  	[sflag:s2] =	ssyncset.done $0x0  }
0x1f1: {  	[sflag:s2] =	ssyncadd.s32 $0xFFFFC000  }
0x1f2: {  	[tilespmem:s8], [sflag:$0x1] =	stream.indirect.gather [hbm4b:s4+s9], $0x20, s14, s9, $0xb8;
	[tilespmem:$0xA800] =	vst v63  }
0x1f3: {  	_ =	swait.ge [sflag:s5], $0x4000  }
0x1f4: {  	[sflag:s5] =	ssyncset.done $0x0  }
0x1f5: {  	s25 =	rddreg [dreg:$0x12];
	[sflag:s5] =	ssyncadd.s32 $0xFFFFC000  }
0x1f6: {  	[hbm4b:s25+s6] =	stream.strided.scatter [tilespmem:s3], [sflag:$0x2], $0x4000, s7, s6, $0x38;
	[tilespmem:$0xA800] =	vst v63  }
0x1f7: {  	_ =	swait.ge [sflag:s2], $0x4000  }
0x1f8: {  	[sflag:s2] =	ssyncset.done $0x0  }
0x1f9: {  	[sflag:s2] =	ssyncadd.s32 $0xFFFFC000  }
0x1fa: {  	[tilespmem:s3], [sflag:$0x1] =	stream.indirect.gather [hbm4b:s4+s9], $0x20, s13, s9, $0xb8;
	[tilespmem:$0xA800] =	vst v63  }
0x1fb: {  	_ =	swait.ge [sflag:s5], $0x4000  }
0x1fc: {  	[sflag:s5] =	ssyncset.done $0x0  }
0x1fd: {  	s26 =	rddreg [dreg:$0x13];
	[sflag:s5] =	ssyncadd.s32 $0xFFFFC000  }
0x1fe: {  	[hbm4b:s26+s6] =	stream.strided.scatter [tilespmem:s8], [sflag:$0x2], $0x4000, s7, s6, $0x38;
	[tilespmem:$0xA800] =	vst v63  }
0x1ff: {  	_ =	swait.ge [sflag:s2], $0x4000  }
0x200: {  	[sflag:s2] =	ssyncset.done $0x0  }
0x201: {  	[sflag:s2] =	ssyncadd.s32 $0xFFFFC000  }
0x202: {  	[tilespmem:s8], [sflag:$0x1] =	stream.indirect.gather [hbm4b:s4+s9], $0x20, s12, s9, $0xb8;
	[tilespmem:$0xA800] =	vst v63  }
0x203: {  	_ =	swait.ge [sflag:s5], $0x4000  }
0x204: {  	[sflag:s5] =	ssyncset.done $0x0  }
0x205: {  	s28 =	rddreg [dreg:$0x14];
	[sflag:s5] =	ssyncadd.s32 $0xFFFFC000  }
0x206: {  	[hbm4b:s28+s6] =	stream.strided.scatter [tilespmem:s3], [sflag:$0x2], $0x4000, s7, s6, $0x38;
	[tilespmem:$0xA800] =	vst v63  }
0x207: {  	_ =	swait.ge [sflag:s2], $0x4000  }
0x208: {  	[sflag:s2] =	ssyncset.done $0x0  }
0x209: {  	s29 =	simm.s32 $0x2600;
	[sflag:s2] =	ssyncadd.s32 $0xFFFFC000  }
0x20a: {  	[tilespmem:s3], [sflag:$0x1] =	stream.indirect.gather [hbm4b:s4+s9], $0x20, s29, s9, $0xb8;
	[tilespmem:$0xA800] =	vst v63  }
0x20b: {  	_ =	swait.ge [sflag:s5], $0x4000  }
0x20c: {  	[sflag:s5] =	ssyncset.done $0x0  }
0x20d: {  	s30 =	rddreg [dreg:$0x15];
	[sflag:s5] =	ssyncadd.s32 $0xFFFFC000  }
0x20e: {  	[hbm4b:s30+s6] =	stream.strided.scatter [tilespmem:s8], [sflag:$0x2], $0x4000, s7, s6, $0x38;
	[tilespmem:$0xA800] =	vst v63  }
0x20f: {  	_ =	swait.ge [sflag:s5], $0x4000  }
0x210: {  	[sflag:s5] =	ssyncset.done $0x0  }
0x211: {  	s31 =	rddreg [dreg:$0x16];
	[sflag:s5] =	ssyncadd.s32 $0xFFFFC000  }
0x212: {  	[hbm4b:s31+s6] =	stream.strided.scatter [tilespmem:s3], [sflag:$0x2], $0x4000, s7, s6, $0x38;
	[tilespmem:$0xA800] =	vst v63  }
0x213: {  	_ =	swait.ge [sflag:s2], $0x4000  }
0x214: {  	[sflag:s2] =	ssyncset.done $0x0  }
0x215: {  	[sflag:s2] =	ssyncadd.s32 $0xFFFFC000  }
0x216: {  	_ =	swait.ge [sflag:s2], $0x4000  }
0x217: {  	[sflag:s2] =	ssyncset.done $0x0  }
0x218: {  	[sflag:s2] =	ssyncadd.s32 $0xFFFFC000  }
0x219: {  	_ =	sfence.sel $0x180000  }
0x21a: {  	[bflag:$0x0] =	sbarrier.arrive $0xFFFF  }
0x21b: {  	_ =	strace $0x90000047  }
0x21c: {  	[bflag:$0x2] =	sbarrier.arrive $0xFFFF  }
0x21d: {  	p0 =	sne.s32 s10, $0x0;
	s0 =	rddreg [dreg:$0x2]  }
0x21e: {  	s0 =	sadd.s32 @!p0 $0x100000, s0  }
0x21f: {  	[sflag:s0] =	ssyncadd.tile.s32 @!p0 $0x1;
	_ =	shalt  }
.LBB2_1:
0x220: {  	s11 =	simm.s32 $0x400;
	s30 =	simm.s32 $0x600;
	s29 =	simm.s32 $0x800  }
.Ltmp3:
0x221: {  	s28 =	simm.s32 $0xA00;
	s26 =	simm.s32 $0xC00;
	(pc) =	sbr.rel .LBB2_6-.Ltmp3, $4  }
0x222: {  	s25 =	simm.s32 $0xE00;
	s24 =	simm.s32 $0x1000;
	s23 =	simm.s32 $0x1200  }
0x223: {  	s20 =	simm.s32 $0x1400;
	s19 =	simm.s32 $0x1600;
	s18 =	simm.s32 $0x1800  }
0x224: {  	s17 =	simm.s32 $0x1A00;
	s16 =	simm.s32 $0x1C00;
	s15 =	simm.s32 $0x1E00  }
0x225: {  	s14 =	simm.s32 $0x2000;
	s13 =	simm.s32 $0x2200;
	s12 =	simm.s32 $0x2400  }
.LBB2_3:
0x226: {  	s11 =	simm.s32 $0x400  }
0x227: {  	s30 =	simm.s32 $0x600;
	s29 =	simm.s32 $0x800;
	s28 =	simm.s32 $0xA00  }
.Ltmp4:
0x228: {  	s26 =	simm.s32 $0xC00;
	s25 =	simm.s32 $0xE00;
	(pc) =	sbr.rel .LBB2_6-.Ltmp4, $4  }
0x229: {  	s24 =	simm.s32 $0x1000;
	s23 =	simm.s32 $0x1200;
	s20 =	simm.s32 $0x1400  }
0x22a: {  	s19 =	simm.s32 $0x1600;
	s18 =	simm.s32 $0x1800;
	s17 =	simm.s32 $0x1A00  }
0x22b: {  	s16 =	simm.s32 $0x1C00;
	s15 =	simm.s32 $0x1E00;
	s14 =	simm.s32 $0x2000  }
0x22c: {  	s13 =	simm.s32 $0x2200;
	s12 =	simm.s32 $0x2400;
	s10 =	stileid.u32  }
.Lfunc_end2:
_tile_overlayer_lowered:
.L_overlay_start_2:
0x22d: {  	(tag) =	ssettag $0x2  }
0x22e: {  	s0 =	rddreg [dreg:$0x0];
	s2 =	stileid.u32  }
0x22f: {  	s1 =	rddreg [dreg:$0x1];
	p0 =	sne.s32 s2, $0x0  }
0x230: {  	s3 =	rddreg [dreg:$0x2];
	[bflag:$0x3] =	sbarrier.arrive $0xFFFF;
	s2 =	simm.s32 @!p0 $0x1C03  }
0x231: {  	[timem:s3], [sflag:s2] =	dma.local @!p0 [hbm:s0], s1  }
0x232: {  	s0 =	simm.s32 @!p0 $0x3  }
0x233: {  	_ =	swait.ge @!p0 [sflag:s0], s1  }
0x234: {  	s1 =	ssub.s32 @!p0 $0x0, s1;
	[sflag:s0] =	ssyncset.done @!p0 $0x0  }
0x235: {  	[sflag:s0] =	ssyncadd.s32 @!p0 s1  }
0x236: {  	[bflag:$0x3] =	sbarrier.arrive $0xFFFF  }
0x237: {  	_ =	shalt  }

// kernel: sparse-core-data-format-call.cloned.1.call-start
scs
called_computation_lowered:
.L_overlay_start_0:
0x0: {  	s2 =	sld [smem:$0x3FD9]  }
0x1: {  	s3 =	sld [smem:$0x3FFE];
	_ =	sdelay $0x1  }
0x2: {  	s1 =	srdreg.scid  }
0x3: {  	s0 =	sand.u32 $0x1, s1  }
0x4: {  	s18 =	sshll.u32 s0, $0xA;
	s2 =	sadd.s32 s3, s2  }
0x5: {  	s2 =	sadd.s32 s2, s18  }
0x6: {  	[smem:$0x3FC6] =	sst s2  }
0x7: {  	_ = 	snop  }
0x8: {  	s2 =	sld [smem:$0x3FD0];
	(tm) =	ssettm $0x1  }
0x9: {  	s19 =	sld [smem:$0x3FFB];
	_ =	sdelay $0x3  }
0xa: {  	_ =	strace s19  }
0xb: {  	s3 =	sld [smem:$0x3FFC];
	_ =	sdelay $0x3  }
0xc: {  	_ =	strace s3  }
0xd: {  	s3 =	sld [smem:$0x3FFD];
	_ =	sdelay $0x3  }
0xe: {  	_ =	strace s3  }
0xf: {  	_ =	strace $0x8FFFFFFF  }
0x10: {  	s20 =	sld [smem:$0x3FDB];
	_ =	sdelay $0x1  }
0x11: {  	s4 =	simm.s32 $_scs_section_size  }
0x12: {  	s5 =	simm.s32 $_size__tile_overlayer_lowered;
	s6 =	simm.s32 $_tile_overlayer_lowered  }
0x13: {  	s23 =	simm.s32 $0x1BFF;
	s22 =	sshll.u32 s6, $0x1;
	s3 =	sadd.s32 s4, s20  }
0x14: {  	s7 =	simm.s32 $0x0;
	s21 =	sshll.u32 s5, $0x1;
	s5 =	sadd.s32 s22, s3  }
0x15: {  	[timem:s7], [sflag:s23] =	dma.local [hbm:s5], s21  }
0x16: {  	_ =	swait.ge [sflag:s23], s21  }
0x17: {  	s4 =	ssub.s32 $0x0, s21;
	[sflag:s23] =	ssyncset.done $0x0  }
0x18: {  	[sflag:s23] =	ssyncadd.s32 s4;
	_ =	sdelay $0x1  }
0x19: {  	s24 =	simm.s32 $0x1B8B  }
0x1a: {  	_ =	swait.ge [sflag:s24], $0x1  }
0x1b: {  	[sflag:s24] =	ssyncset.done $0x0  }
0x1c: {  	s26 =	simm.s32 $0x1B8E;
	s25 =	sld [smem:$0x3FFE];
	[sflag:s24] =	ssyncadd.s32 $0xFFFFFFFF  }
0x1d: {  	s27 =	simm.s32 $execute0_lowered;
	[smem:$0x3FD2] =	sst s26  }
0x1e: {  	s5 =	sshll.u32 s27, $0x1;
	_ =	strace $0x80000049;
	[dreg:$0x1] =	wrdreg $0xFFFFFFFF  }
0x1f: {  	s28 =	simm.s32 $_size_execute0_lowered;
	s3 =	sadd.s32 s3, s5;
	[dreg:$0x0] =	wrdreg $0x0  }
0x20: {  	s5 =	sshll.u32 s28, $0x1;
	[dreg:$0x2] =	wrdreg s3  }
0x21: {  	[dreg:$0x3] =	wrdreg s5  }
0x22: {  	[dreg:$0x4] =	wrdreg $0xC0  }
0x23: {  	_ =	task [dreg:s7], $0x5FFFF  }
0x24: {  	[dreg:$0x1] =	wrdreg $0xFFFFFFFF  }
0x25: {  	[dreg:$0x0] =	wrdreg $0x60  }
0x26: {  	[dreg:$0x2] =	wrdreg s25  }
0x27: {  	[dreg:$0x3] =	wrdreg s2  }
0x28: {  	[dreg:$0x4] =	wrdreg $0x9  }
0x29: {  	_ =	task.clear_ibuf [dreg:s7], $0x5FFFF;
	_ =	strace $0x90000049  }
0x2a: {  	s29 =	simm.s32 $0x9;
	_ =	strace $0x8000004B  }
0x2b: {  	_ =	swait.ge [sflag:s29], $0x1  }
0x2c: {  	[sflag:s29] =	ssyncadd.s32 $0xFFFFFFFF  }
0x2d: {  	_ =	strace $0x9000004B  }
0x2e: {  	_ =	sfence  }
0x2f: {  	s30 =	sld [smem:$0x0];
	_ =	sdelay $0x2  }
0x30: {  	s31 =	sshll.u32 s1, $0xD;
	s1 =	sshrl.u32 s1, $0x2  }
0x31: {  	s3 =	sand.u32 $0x4000, s31;
	s1 =	sadd.s32 s1, s30  }
0x32: {  	s0 =	sor.u32 s3, s0;
	s1 =	sshll.u32 s1, $0x11  }
0x33: {  	s0 =	sor.u32 s1, s0  }
0x34: {  	s0 =	sadd.s32 $0x8F2B, s0  }
0x35: {  	[sflag:s0] =	ssyncadd.remote.s32 $0x1  }
0x36: {  	_ =	sfence.sel $0xFFFF  }
0x37: {  	[dreg:$0x0] =	wrdreg $0xFFFFFFFF;
	(pc) =	sbr.abs _section_cstart, $3  }
0x38: {  	[dreg:$0x1] =	wrdreg $0xFFFFFFFF  }
0x39: {  	_ =	task.clear_ibuf [dreg:s7], $0x2FFFF;
	_ =	strace $0x9FFFFFFF  }
0x3a: {  	(tm) =	ssettm $0x7FFFFFFF  }
0x3b: {  	_ =	shalt  }
tec
execute0_lowered:
.L_overlay_start_1:
0x0: {  	(tag) =	ssettag $0x1  }
0x1: {  	s0 =	srdreg.scid  }
0x2: {  	s1 =	sshll.u32 s0, $0x4  }
0x3: {  	s0 =	stileid.u32;
	s1 =	sand.u32 $0x10, s1  }
0x4: {  	s1 =	sor.u32 s0, s1  }
0x5: {  	s6 =	rddreg [dreg:$0x0];
	s4 =	simm.s32 $0x1;
	s2 =	sshll.u32 s1, $0x7  }
0x6: {  	s7 =	simm.s32 $0x2;
	s12 =	simm.s32 $0x0;
	s1 =	ssub.s32 $0x4000, s2  }
0x7: {  	s8 =	simm.s32 $0x20000;
	s13 =	simm.s32 $0x0;
	s3 =	sand.u32 $0xF80, s1  }
0x8: {  	s9 =	simm.s32 $0x0;
	s5 =	sshrl.u32 s1, $0xC;
	p0 =	sne.s32 s3, $0x0  }
.Ltmp0:
0x9: {  	s1 =	rddreg [dreg:$0x2];
	s4 =	simm.s32 @!p0 $0x0;
	(pc) =	sbr.rel .LBB1_1-.Ltmp0, $4  }
0xa: {  	s11 =	simm.s32 $0x0;
	s3 =	rddreg [dreg:$0x1];
	s5 =	sadd.s32 s4, s5  }
0xb: {  	_ =	strace $0x8000004A;
	s4 =	simm.s32 $0x1;
	s5 =	smul.u32 $0x14, s5  }
0xc: {  	s6 =	sadd.s32 $0x800, s6;
	s10 =	smov.u32 s2;
	[sflag:s4] =	ssyncpa.u1 $0x0  }
0xd: {  	p0 =	por $0x0, $0x0;
	[sflag:s7] =	ssyncpa.u1 $0x0;
	s7 =	sor.u32 $0x1, s5  }
.LBB1_4:
0xe: {  	s16 =	sshll.u32 s13, $0x3;
	s17 =	sand.u32 $0x78, s13  }
0xf: {  	s30 =	sand.u32 $0xF800, s13;
	s12 =	sshll.u32 s12, $0x10;
	s16 =	sand.u32 $0x3C00, s16  }
0x10: {  	s31 =	sand.u32 $0x7, s13;
	s16 =	sor.u32 s17, s16;
	s17 =	sadd.s32 s3, s30  }
0x11: {  	s13 =	sshll.u32 s31, $0x12;
	s16 =	sshrl.u32 s16, $0x3;
	s12 =	sadd.s32 s12, s17  }
0x12: {  	[tilespmem:s15+$0x0 ss:$0x81] =	vst.msk $0xffff, v0;
	s13 =	sor.u32 $0x400, s13;
	s12 =	sadd.s32 s16, s12  }
0x13: {  	[hbm4b:s12+s13] =	stream.strided.scatter [tilespmem:s14], [sflag:$0x2], $0x1000, s8, s13, $0x20;
	[tilespmem:$0x4040] =	vst v63  }
.LBB1_5:
0x14: {  	s14 =	sadd.s32 $0x1, s9  }
0x15: {  	s12 =	sadd.s32 $0x1000, s10;
	s16 =	smov.u32 s10;
	p2 =	sgt.s32 s14, $0x13  }
0x16: {  	s16 =	smov.u32 @p2 s12  }
0x17: {  	s14 =	simm.s32 @p2 $0x0;
	p2 =	sgt.s32 s16, $0x3FFF  }
0x18: {  	s16 =	smov.u32 @p2 s2;
	p2 =	sne.s32 s11, s7  }
.Ltmp1:
0x19: {  	p1 =	slt.u32 s11, $0x2;
	(pc) =	sbr.rel @!p2 .LBB1_6-.Ltmp1, $4  }
0x1a: {  	s15 =	simm.s32 @!p1 $0x2  }
0x1b: {  	s13 =	smov.u32 s10;
	p0 =	por !p0, !p0;
	_ =	swait.ge @!p1 [sflag:s15], $0x1000  }
0x1c: {  	s12 =	smov.u32 s9;
	[sflag:s15] =	ssyncset.done @!p1 $0x0;
	s9 =	smov.u32 s14  }
0x1d: {  	s11 =	sadd.s32 $0x1, s11;
	[sflag:s15] =	ssyncadd.s32 @!p1 $0xFFFFF000;
	s10 =	smov.u32 s16  }
.LBB1_1:
0x1e: {  	p1 =	sge.u32 s11, s5  }
0x1f: {  	s14 =	sand.u32 @!p1 $0x1FFFFFF, s9  }
0x20: {  	s15 =	smulhi.u32 @!p1 $0xAAAAAAB, s14;
	_ =	sdelay $0x1  }
0x21: {  	s15 =	smul.u32 @!p1 $0x18, s15  }
0x22: {  	s16 =	sxor.u32 @!p1 $0xFFFFFFFF, s11;
	s17 =	smul.u32 @!p1 $0x180, s10  }
0x23: {  	s31 =	sadd.s32 $0xFFFFFFFF, s11;
	s16 =	sshll.u32 @!p1 s16, $0xC;
	s14 =	ssub.s32 @!p1 s14, s15  }
0x24: {  	s15 =	sand.u32 @!p1 $0x1000, s16;
	s16 =	sadd.s32 @!p1 s6, s17;
	s14 =	sshll.u32 @!p1 s14, $0x4  }
0x25: {  	s17 =	simm.s32 @!p1 $0xC00;
	s14 =	sadd.s32 @!p1 s14, s16;
	s16 =	simm.s32 @!p1 $0x20  }
0x26: {  	[tilespmem:s15], [sflag:$0x1] =	stream.strided.gather @!p1 [hbm4b:s14+s16], $0x1000, s17, s16, $0x38;
	[tilespmem:$0x4040] =	vst v63  }
0x27: {  	p1 =	sge.u32 s31, s5  }
.Ltmp2:
0x28: {  	_ = 	snop;
	(pc) =	sbr.rel @p1 .LBB1_5-.Ltmp2, $1  }
0x29: {  	_ =	sdelay $0x3  }
0x2a: {  	s14 =	simm.s32 $0x1  }
0x2b: {  	_ =	swait.ge [sflag:s4], $0x1000;
	s14 =	simm.s32 @!p0 $0x0  }
0x2c: {  	[sflag:s4] =	ssyncset.done $0x0;
	s15 =	sshll.u32 s14, $0xC  }
0x2d: {  	[sflag:s4] =	ssyncadd.s32 $0xFFFFF000;
	s18 =	sor.u32 $0x10, s15  }
0x2e: {  	s14 =	smul.u32 $0x4080, s14;
	v1 =	vld [tilespmem:s18+$0x0]  }
0x2f: {  	s30 =	sand.u32 $0x1, s11;
	v0 =	vld [tilespmem:s18+$0xFFFFFFF0]  }
0x30: {  	s15 =	smul.u32 $0x4080, s30;
	s14 =	sshrl.u32 s14, $0x2  }
0x31: {  	s16 =	sor.u32 $0x2000, s14  }
0x32: {  	s31 =	sshrl.u32 s15, $0x2;
	s15 =	sadd.s32 $0x0, s16  }
0x33: {  	s17 =	simm.s32 $0x4;
	s18 =	sadd.s32 $0x20, s18;
	s14 =	sor.u32 $0x2000, s31;
	[tilespmem:s15+$0x810 ss:$0x81] =	vst.msk $0xffff, v1  }
.LBB1_3:
0x34: {  	v1 =	vld [tilespmem:s18+$0x0];
	p1 =	sne.s32 s17, $0x1FC;
	[tilespmem:s15+$0x0 ss:$0x81] =	vst.msk $0xffff, v0;
	s15 =	smov.u32 s17;
	s17 =	sadd.s32 $0x4, s17  }
.Ltmp3:
0x35: {  	v0 =	vld [tilespmem:s18+$0xFFFFFFF0];
	(pc) =	sbr.rel @p1 .LBB1_3-.Ltmp3, $4  }
0x36: {  	_ = 	snop  }
0x37: {  	s15 =	sshra.s32 s15, $0x2  }
0x38: {  	s15 =	sadd.s32 s15, s16  }
0x39: {  	s18 =	sadd.s32 $0x20, s18;
	[tilespmem:s15+$0x810 ss:$0x81] =	vst.msk $0xffff, v1  }
.Ltmp4:
0x3a: {  	_ = 	snop;
	(pc) =	sbr.rel .LBB1_4-.Ltmp4, $1  }
0x3b: {  	_ =	sdelay $0x3  }
.LBB1_6:
0x3c: {  	_ =	sfence.sel $0x180000  }
0x3d: {  	s2 =	simm.s32 $0x1;
	[bflag:$0x0] =	sbarrier.arrive $0xFFFF  }
0x3e: {  	s31 =	simm.s32 $0x2;
	[sflag:s2] =	ssyncpa.u1 $0x1  }
0x3f: {  	[sflag:s31] =	ssyncpa.u1 $0x1  }
0x40: {  	p0 =	sne.s32 s0, $0x0;
	_ =	strace $0x9000004A  }
0x41: {  	s0 =	sadd.s32 @!p0 $0x100000, s1;
	[bflag:$0x2] =	sbarrier.arrive $0xFFFF  }
0x42: {  	[sflag:s0] =	ssyncadd.tile.s32 @!p0 $0x1;
	_ =	shalt  }
.Lfunc_end1:
_tile_overlayer_lowered:
.L_overlay_start_2:
0x43: {  	(tag) =	ssettag $0x2  }
0x44: {  	s0 =	rddreg [dreg:$0x0];
	s2 =	stileid.u32  }
0x45: {  	s1 =	rddreg [dreg:$0x1];
	p0 =	sne.s32 s2, $0x0  }
0x46: {  	s3 =	rddreg [dreg:$0x2];
	[bflag:$0x3] =	sbarrier.arrive $0xFFFF;
	s2 =	simm.s32 @!p0 $0x1C01  }
0x47: {  	[timem:s3], [sflag:s2] =	dma.local @!p0 [hbm:s0], s1  }
0x48: {  	s0 =	simm.s32 @!p0 $0x1  }
0x49: {  	_ =	swait.ge @!p0 [sflag:s0], s1  }
0x4a: {  	s1 =	ssub.s32 @!p0 $0x0, s1;
	[sflag:s0] =	ssyncset.done @!p0 $0x0  }
0x4b: {  	[sflag:s0] =	ssyncadd.s32 @!p0 s1  }
0x4c: {  	[bflag:$0x3] =	sbarrier.arrive $0xFFFF  }
0x4d: {  	_ =	shalt  }

</sc_bundles>
